<compile_context>
chip_gen: v7x
topology: tpu7x:2x2x1
jax: 0.10.2.dev20260603
libtpu: 0.0.44.dev20260713+nightly
codegen_flags: <defaults>
</compile_context>

<pallas_src>
import functools

import jax
import jax.numpy as jnp
from jax import lax
from jax.experimental import pallas as pl
from jax.experimental.pallas import tpu as pltpu
from jax.experimental.pallas import tpu_sc as plsc

N = 10000
D = 128
E = 320000
NC = 2
NS = 16
NW = NC * NS
EPW = E // NW
CK = 125
CH = EPW // CK
NPAD = 10240
RANGE = NPAD // 2
GR = RANGE // NS
ACC_R = RANGE + NS
AZ = ACC_R // NS
DPT = NPAD // NS

_COLS = list(range(0, CK - 15, 16)) + ([CK - 16] if CK % 16 else [])

_MESH = plsc.VectorSubcoreMesh(core_axis_name="c", subcore_axis_name="s")


@functools.partial(
    pl.kernel,
    mesh=_MESH,
    out_type=jax.ShapeDtypeStruct((NC, NPAD), jnp.float32),
    scratch_types=[
        pltpu.VMEM((CH, CK), jnp.int32),
        pltpu.VMEM((CK,), jnp.float32),
        pltpu.VMEM_SHARED((NPAD,), jnp.float32),
    ],
)
def _deg_kernel(dst_hbm, ones_hbm, zrow_hbm, out_hbm, dst_v, ones_v, acc):
    c = lax.axis_index("c")
    s = lax.axis_index("s")

    pltpu.sync_copy(dst_hbm.at[c, s], dst_v)
    pltpu.sync_copy(ones_hbm, ones_v)
    pltpu.sync_copy(zrow_hbm.at[0], acc.at[pl.ds(s * DPT, DPT)])
    plsc.subcore_barrier()

    def body(j, carry):
        pltpu.sync_copy(ones_v, acc.at[dst_v.at[j]], add=True)
        return carry

    lax.fori_loop(0, CH, body, 0)
    plsc.subcore_barrier()
    pltpu.sync_copy(acc.at[pl.ds(s * DPT, DPT)],
                    out_hbm.at[c, pl.ds(s * DPT, DPT)])


@functools.partial(
    pl.kernel,
    mesh=_MESH,
    out_type=jax.ShapeDtypeStruct((NC, NPAD, D), jnp.float32),
    scratch_types=[
        pltpu.VMEM((CH, CK), jnp.int32),
        pltpu.VMEM((CH, CK), jnp.int32),
        pltpu.VMEM((CH, CK), jnp.int32),
        pltpu.VMEM((CH, CK), jnp.int32),
        pltpu.VMEM((CK, D), jnp.float32),
        pltpu.VMEM((CK, D), jnp.float32),
        pltpu.VMEM_SHARED((ACC_R, D), jnp.float32),
        pltpu.SemaphoreType.DMA,
        pltpu.SemaphoreType.DMA,
        pltpu.SemaphoreType.DMA,
        pltpu.SemaphoreType.DMA,
    ],
)
def _msg_kernel(g_hbm, src_hbm, dst_hbm, zrows_hbm, out_hbm,
                src_v, dst_v, dst_p0, dst_p1, buf0, buf1, acc,
                sg0, sg1, ss0, ss1):
    c = lax.axis_index("c")
    s = lax.axis_index("s")
    garbage = RANGE + s
    bufs = (buf0, buf1)
    sgs = (sg0, sg1)
    sss = (ss0, ss1)
    NB = 2
    NG = CH // NB

    pltpu.sync_copy(src_hbm.at[c, s], src_v)
    pltpu.sync_copy(dst_hbm.at[c, s], dst_v)

    def remap_row(r, base, out_ref):
        for col in _COLS:
            d = dst_v[r, pl.ds(col, 16)]
            m = (d >= base) & (d < base + RANGE)
            out_ref[r, pl.ds(col, 16)] = jnp.where(m, d - base, garbage)

    def remap0(r, carry):
        remap_row(r, 0, dst_p0)
        return carry

    lax.fori_loop(0, CH, remap0, 0)

    for p in range(2):
        base = p * RANGE
        dst_p = dst_p0 if p == 0 else dst_p1

        pltpu.sync_copy(zrows_hbm, acc.at[pl.ds(s * AZ, AZ)])
        plsc.subcore_barrier()

        for jj in range(NB):
            pltpu.async_copy(g_hbm.at[src_v.at[jj]], bufs[jj], sgs[jj])

        def group(t, carry):
            j0 = NB * t
            for jj in range(NB):
                if p == 0:
                    remap_row(j0 + jj, RANGE, dst_p1)
                pltpu.make_async_copy(g_hbm.at[src_v.at[j0 + jj]],
                                      bufs[jj], sgs[jj]).wait()
                pltpu.async_copy(bufs[jj], acc.at[dst_p.at[j0 + jj]],
                                 sss[jj], add=True)
            for jj in range(NB):
                pltpu.make_async_copy(bufs[jj], acc.at[dst_p.at[j0 + jj]],
                                      sss[jj]).wait()

                @pl.when(t < NG - 1)
                def _(jj=jj, j0=j0):
                    pltpu.async_copy(g_hbm.at[src_v.at[j0 + NB + jj]],
                                     bufs[jj], sgs[jj])

            return carry

        lax.fori_loop(0, NG, group, 0)
        plsc.subcore_barrier()
        pltpu.sync_copy(acc.at[pl.ds(s * GR, GR)],
                        out_hbm.at[c, pl.ds(base + s * GR, GR)])
        plsc.subcore_barrier()


BR = 1280
GRID = NPAD // BR


def _dinv_of(degs):
    return lax.rsqrt(degs[0] + degs[1] + 1.0)


def _mm1_body(x_ref, w_ref, degs_ref, g_ref):
    dinv = _dinv_of(degs_ref[...])
    hw = jnp.dot(x_ref[...], w_ref[...], preferred_element_type=jnp.float32)
    g_ref[...] = hw * dinv


def _mid_body(p_ref, g1_ref, degs_ref, w_ref, b_ref, g2_ref):
    dinv = _dinv_of(degs_ref[...])
    h1 = dinv * (p_ref[0] + p_ref[1] + g1_ref[...]) + b_ref[...]
    g2_ref[...] = jnp.dot(h1, w_ref[...],
                          preferred_element_type=jnp.float32) * dinv


def _out_body(q_ref, g2_ref, degs_ref, b_ref, o_ref):
    dinv = _dinv_of(degs_ref[...])
    o_ref[...] = dinv * (q_ref[0] + q_ref[1] + g2_ref[...]) + b_ref[...]


_rows = pl.BlockSpec((BR, D), lambda b: (b, 0))
_pair = pl.BlockSpec((NC, BR, D), lambda b: (0, b, 0))
_degs = pl.BlockSpec((NC, BR, 1), lambda b: (0, b, 0))
_wmat = pl.BlockSpec((D, D), lambda b: (0, 0))
_bias = pl.BlockSpec((1, D), lambda b: (0, 0))

_rows_out = jax.ShapeDtypeStruct((NPAD, D), jnp.float32)

_mm1 = pl.pallas_call(
    _mm1_body, grid=(GRID,),
    in_specs=[_rows, _wmat, _degs], out_specs=_rows, out_shape=_rows_out)

_mid = pl.pallas_call(
    _mid_body, grid=(GRID,),
    in_specs=[_pair, _rows, _degs, _wmat, _bias],
    out_specs=_rows, out_shape=_rows_out)

_out = pl.pallas_call(
    _out_body, grid=(GRID,),
    in_specs=[_pair, _rows, _degs, _bias],
    out_specs=_rows, out_shape=_rows_out)


def kernel(x, edge_index, W1, b1, W2, b2):
    srcr = edge_index[0].astype(jnp.int32).reshape(NC, NS, CH, CK)
    dstr = edge_index[1].astype(jnp.int32).reshape(NC, NS, CH, CK)
    xp = jnp.zeros((NPAD, D), jnp.float32).at[:N].set(x)
    ones = jnp.ones((CK,), jnp.float32)
    zrows = jnp.zeros((AZ, D), jnp.float32)
    zrow1 = jnp.zeros((1, DPT), jnp.float32)
    b1r = b1.reshape(1, D)
    b2r = b2.reshape(1, D)

    deg_parts = _deg_kernel(dstr, ones, zrow1)
    degs = deg_parts.reshape(NC, NPAD, 1)
    g1 = _mm1(xp, W1, degs)
    P = _msg_kernel(g1, srcr, dstr, zrows)
    g2 = _mid(P, g1, degs, W2, b1r)
    Q = _msg_kernel(g2, srcr, dstr, zrows)
    outp = _out(Q, g2, degs, b2r)
    return outp[:N]

# --- scband reference (transcript-rebuilt; emitter-appended) ---
"""Pipeline reference for scband-inductive-gcn-no-feat-16174846836923 (READ-ONLY COPY).

The authoritative reference and input builder live on the scoring server;
editing this copy changes nothing except your own understanding.
"""

import jax, jax.numpy as jnp
import numpy as np

N = 10000
E = 320000
D = 128
LAYERS = 2
RESIDUAL = 0.0


def setup_inputs(seed: int = 0) -> dict:
    key = jax.random.key(seed)
    k1, k2, k3, k4, k5, k6 = jax.random.split(key, 6)
    x = jax.random.normal(k1, (N, D), dtype=jnp.float32)
    edge_index = jax.random.randint(k2, (2, E), 0, N, dtype=jnp.int64)
    scale = 1.0 / np.sqrt(D)
    W1 = jax.random.uniform(k3, (D, D), dtype=jnp.float32, minval=-scale, maxval=scale)
    b1 = jnp.zeros((D,), dtype=jnp.float32)
    W2 = jax.random.uniform(k4, (D, D), dtype=jnp.float32, minval=-scale, maxval=scale)
    b2 = jnp.zeros((D,), dtype=jnp.float32)
    return {"x": x, "edge_index": edge_index, "W1": W1, "b1": b1, "W2": W2, "b2": b2}


def _gcn_conv(h, src, dst, W, b, n):
    # GCNConv with add_self_loops=True, normalize=True (self loops already in src/dst)
    deg = jnp.zeros((n,), dtype=h.dtype).at[dst].add(1.0)
    dinv = jnp.where(deg > 0, deg ** -0.5, 0.0)
    norm = dinv[src] * dinv[dst]
    hw = h @ W
    msg = hw[src] * norm[:, None]
    out = jnp.zeros_like(hw).at[dst].add(msg)
    return out + b


def reference(x, edge_index, W1, b1, W2, b2):
    n = x.shape[0]
    loop = jnp.arange(n, dtype=edge_index.dtype)
    src = jnp.concatenate([edge_index[0], loop])
    dst = jnp.concatenate([edge_index[1], loop])
    ori = x
    h = _gcn_conv(x, src, dst, W1, b1, n) + RESIDUAL * ori
    for _ in range(LAYERS - 1):
        # relu=False, linear=False, dropout=0 -> no intermediate ops
        h = _gcn_conv(h, src, dst, W2, b2, n) + RESIDUAL * ori
    return h

if __name__ == "__main__":
    import jax
    _d = setup_inputs()
    print(jax.jit(kernel)(*tuple(_d.values())))

</pallas_src>

<mosaic_0001>
#map = affine_map<(d0, d1) -> (0, 0)>
#map1 = affine_map<(d0, d1) -> (0, 0, 0, 0)>
#map2 = affine_map<(d0, d1) -> (0, 0, 0)>
module attributes {stable_mosaic.version = 14 : i64} {
  func.func @_msg_kernel(%arg0: i32, %arg1: i32, %arg2: memref<10240x128xf32, #tpu.memory_space<hbm>>, %arg3: memref<2x16x80x125xi32, #tpu.memory_space<hbm>>, %arg4: memref<2x16x80x125xi32, #tpu.memory_space<hbm>>, %arg5: memref<321x128xf32, #tpu.memory_space<hbm>>, %arg6: memref<2x10240x128xf32, #tpu.memory_space<hbm>>, %arg7: memref<80x125xi32, #tpu.memory_space<vmem>>, %arg8: memref<80x125xi32, #tpu.memory_space<vmem>>, %arg9: memref<80x125xi32, #tpu.memory_space<vmem>>, %arg10: memref<80x125xi32, #tpu.memory_space<vmem>>, %arg11: memref<125x128xf32, #tpu.memory_space<vmem>>, %arg12: memref<125x128xf32, #tpu.memory_space<vmem>>, %arg13: memref<5136x128xf32, #tpu.memory_space<vmem_shared>>, %arg14: memref<!tpu.dma_semaphore, #tpu.memory_space<semaphore_mem>>, %arg15: memref<!tpu.dma_semaphore, #tpu.memory_space<semaphore_mem>>, %arg16: memref<!tpu.dma_semaphore, #tpu.memory_space<semaphore_mem>>, %arg17: memref<!tpu.dma_semaphore, #tpu.memory_space<semaphore_mem>>) attributes {dimension_semantics = [#tpu.dimension_semantics<core_parallel>, #tpu.dimension_semantics<subcore_parallel>], iteration_bounds = array<i64: 2, 16>, scalar_prefetch = 0 : i64, scratch_operands = 11 : i64, tpu.core_type = #tpu.core_type<sc_vector_subcore>, window_params = [{transform_indices = #map}, {transform_indices = #map1}, {transform_indices = #map1}, {transform_indices = #map}, {transform_indices = #map2}]} {
    %add3A = arith.constant 5120 : i32
    %add3A_0 = arith.addi %add3A, %arg1 : i32
    "tpu.region"() ({
      %run_scoped3A = tpu.sem_alloc : memref<!tpu.dma_semaphore, #tpu.memory_space<semaphore_mem>>
      %dma_start3A_65 = arith.constant 0 : i32
      %dma_start3A_66 = arith.constant 0 : i32
      %dma_start3A_67 = tpu.memref_slice %arg3[%arg0, %arg1, %dma_start3A_65, %dma_start3A_66] : memref<2x16x80x125xi32, #tpu.memory_space<hbm>> -> memref<1x1x80x125xi32, #tpu.memory_space<hbm>>
      %dma_start3A_68 = tpu.memref_squeeze %dma_start3A_67 : memref<1x1x80x125xi32, #tpu.memory_space<hbm>> -> memref<80x125xi32, #tpu.memory_space<hbm>>
      %dma_start3A_69 = arith.constant 0 : i32
      %dma_start3A_70 = arith.constant 0 : i32
      %dma_start3A_71 = tpu.memref_slice %arg3[%arg0, %arg1, %dma_start3A_69, %dma_start3A_70] : memref<2x16x80x125xi32, #tpu.memory_space<hbm>> -> memref<1x1x80x125xi32, #tpu.memory_space<hbm>>
      %dma_start3A_72 = tpu.memref_squeeze %dma_start3A_71 : memref<1x1x80x125xi32, #tpu.memory_space<hbm>> -> memref<80x125xi32, #tpu.memory_space<hbm>>
      tpu.enqueue_dma source(%dma_start3A_72 : memref<80x125xi32, #tpu.memory_space<hbm>>) target(%arg7 : memref<80x125xi32, #tpu.memory_space<vmem>>) target_semaphore(%run_scoped3A : memref<!tpu.dma_semaphore, #tpu.memory_space<semaphore_mem>>)
      %dma_wait3A = arith.constant 0 : i32
      %dma_wait3A_73 = arith.constant 0 : i32
      %dma_wait3A_74 = tpu.memref_slice %arg3[%arg0, %arg1, %dma_wait3A, %dma_wait3A_73] : memref<2x16x80x125xi32, #tpu.memory_space<hbm>> -> memref<1x1x80x125xi32, #tpu.memory_space<hbm>>
      %dma_wait3A_75 = tpu.memref_squeeze %dma_wait3A_74 : memref<1x1x80x125xi32, #tpu.memory_space<hbm>> -> memref<80x125xi32, #tpu.memory_space<hbm>>
      %dma_wait3A_76 = arith.constant 0 : i32
      %dma_wait3A_77 = arith.constant 0 : i32
      %dma_wait3A_78 = tpu.memref_slice %arg3[%arg0, %arg1, %dma_wait3A_76, %dma_wait3A_77] : memref<2x16x80x125xi32, #tpu.memory_space<hbm>> -> memref<1x1x80x125xi32, #tpu.memory_space<hbm>>
      %dma_wait3A_79 = tpu.memref_squeeze %dma_wait3A_78 : memref<1x1x80x125xi32, #tpu.memory_space<hbm>> -> memref<80x125xi32, #tpu.memory_space<hbm>>
      tpu.wait_dma2 semaphore(%run_scoped3A : memref<!tpu.dma_semaphore, #tpu.memory_space<semaphore_mem>>) src(%dma_wait3A_79 : memref<80x125xi32, #tpu.memory_space<hbm>>) dst(%arg7 : memref<80x125xi32, #tpu.memory_space<vmem>>)
      tpu.yield
    }) : () -> ()
    "tpu.region"() ({
      %run_scoped3A = tpu.sem_alloc : memref<!tpu.dma_semaphore, #tpu.memory_space<semaphore_mem>>
      %dma_start3A_65 = arith.constant 0 : i32
      %dma_start3A_66 = arith.constant 0 : i32
      %dma_start3A_67 = tpu.memref_slice %arg4[%arg0, %arg1, %dma_start3A_65, %dma_start3A_66] : memref<2x16x80x125xi32, #tpu.memory_space<hbm>> -> memref<1x1x80x125xi32, #tpu.memory_space<hbm>>
      %dma_start3A_68 = tpu.memref_squeeze %dma_start3A_67 : memref<1x1x80x125xi32, #tpu.memory_space<hbm>> -> memref<80x125xi32, #tpu.memory_space<hbm>>
      %dma_start3A_69 = arith.constant 0 : i32
      %dma_start3A_70 = arith.constant 0 : i32
      %dma_start3A_71 = tpu.memref_slice %arg4[%arg0, %arg1, %dma_start3A_69, %dma_start3A_70] : memref<2x16x80x125xi32, #tpu.memory_space<hbm>> -> memref<1x1x80x125xi32, #tpu.memory_space<hbm>>
      %dma_start3A_72 = tpu.memref_squeeze %dma_start3A_71 : memref<1x1x80x125xi32, #tpu.memory_space<hbm>> -> memref<80x125xi32, #tpu.memory_space<hbm>>
      tpu.enqueue_dma source(%dma_start3A_72 : memref<80x125xi32, #tpu.memory_space<hbm>>) target(%arg8 : memref<80x125xi32, #tpu.memory_space<vmem>>) target_semaphore(%run_scoped3A : memref<!tpu.dma_semaphore, #tpu.memory_space<semaphore_mem>>)
      %dma_wait3A = arith.constant 0 : i32
      %dma_wait3A_73 = arith.constant 0 : i32
      %dma_wait3A_74 = tpu.memref_slice %arg4[%arg0, %arg1, %dma_wait3A, %dma_wait3A_73] : memref<2x16x80x125xi32, #tpu.memory_space<hbm>> -> memref<1x1x80x125xi32, #tpu.memory_space<hbm>>
      %dma_wait3A_75 = tpu.memref_squeeze %dma_wait3A_74 : memref<1x1x80x125xi32, #tpu.memory_space<hbm>> -> memref<80x125xi32, #tpu.memory_space<hbm>>
      %dma_wait3A_76 = arith.constant 0 : i32
      %dma_wait3A_77 = arith.constant 0 : i32
      %dma_wait3A_78 = tpu.memref_slice %arg4[%arg0, %arg1, %dma_wait3A_76, %dma_wait3A_77] : memref<2x16x80x125xi32, #tpu.memory_space<hbm>> -> memref<1x1x80x125xi32, #tpu.memory_space<hbm>>
      %dma_wait3A_79 = tpu.memref_squeeze %dma_wait3A_78 : memref<1x1x80x125xi32, #tpu.memory_space<hbm>> -> memref<80x125xi32, #tpu.memory_space<hbm>>
      tpu.wait_dma2 semaphore(%run_scoped3A : memref<!tpu.dma_semaphore, #tpu.memory_space<semaphore_mem>>) src(%dma_wait3A_79 : memref<80x125xi32, #tpu.memory_space<hbm>>) dst(%arg8 : memref<80x125xi32, #tpu.memory_space<vmem>>)
      tpu.yield
    }) : () -> ()
    %scan3A = arith.constant 0 : i32
    %scan3A_1 = arith.constant 0 : i32
    %scan3A_2 = arith.constant 80 : i32
    %scan3A_3 = arith.addi %scan3A_1, %scan3A_2 : i32
    %scan3A_4 = arith.constant 1 : i32
    scf.for %scan3A_65 = %scan3A_1 to %scan3A_3 step %scan3A_4  : i32 {
      %get3A = arith.index_cast %scan3A_65 : i32 to index
      %get3A_66 = arith.constant 0 : index
      %get3A_67 = tpu.vector_load %arg8[%get3A, %get3A_66] {strides = array<i32>} : memref<80x125xi32, #tpu.memory_space<vmem>>, vector<1x16xi32>,
      %get3A_68 = vector.shape_cast %get3A_67 : vector<1x16xi32> to vector<16xi32>
      %ge3A = arith.constant 0 : i32
      %ge3A_69 = vector.broadcast %ge3A : i32 to vector<16xi32>
      %ge3A_70 = arith.cmpi sge, %get3A_68, %ge3A_69 : vector<16xi32>
      %lt3A = arith.constant 5120 : i32
      %lt3A_71 = vector.broadcast %lt3A : i32 to vector<16xi32>
      %lt3A_72 = arith.cmpi slt, %get3A_68, %lt3A_71 : vector<16xi32>
      %and3A = arith.andi %ge3A_70, %lt3A_72 : vector<16xi1>
      %sub3A = arith.constant 0 : i32
      %sub3A_73 = vector.broadcast %sub3A : i32 to vector<16xi32>
      %sub3A_74 = arith.subi %get3A_68, %sub3A_73 : vector<16xi32>
      %broadcast_in_dim3A = vector.broadcast %add3A_0 : i32 to vector<16xi32>
      %select_n3A = arith.select %and3A, %sub3A_74, %broadcast_in_dim3A : vector<16xi1>, vector<16xi32>
      %swap3A = arith.index_cast %scan3A_65 : i32 to index
      %swap3A_75 = arith.constant 0 : index
      %swap3A_76 = tpu.vector_load %arg9[%swap3A, %swap3A_75] {strides = array<i32>} : memref<80x125xi32, #tpu.memory_space<vmem>>, vector<1x16xi32>,
      %swap3A_77 = vector.shape_cast %swap3A_76 : vector<1x16xi32> to vector<16xi32>
      %swap3A_78 = vector.shape_cast %select_n3A : vector<16xi32> to vector<1x16xi32>
      tpu.vector_store %arg9[%swap3A, %swap3A_75], %swap3A_78 {strides = array<i32>} : memref<80x125xi32, #tpu.memory_space<vmem>>, vector<1x16xi32>,
      %get3A_79 = arith.index_cast %scan3A_65 : i32 to index
      %get3A_80 = arith.constant 16 : index
      %get3A_81 = tpu.vector_load %arg8[%get3A_79, %get3A_80] {strides = array<i32>} : memref<80x125xi32, #tpu.memory_space<vmem>>, vector<1x16xi32>,
      %get3A_82 = vector.shape_cast %get3A_81 : vector<1x16xi32> to vector<16xi32>
      %ge3A_83 = arith.constant 0 : i32
      %ge3A_84 = vector.broadcast %ge3A_83 : i32 to vector<16xi32>
      %ge3A_85 = arith.cmpi sge, %get3A_82, %ge3A_84 : vector<16xi32>
      %lt3A_86 = arith.constant 5120 : i32
      %lt3A_87 = vector.broadcast %lt3A_86 : i32 to vector<16xi32>
      %lt3A_88 = arith.cmpi slt, %get3A_82, %lt3A_87 : vector<16xi32>
      %and3A_89 = arith.andi %ge3A_85, %lt3A_88 : vector<16xi1>
      %sub3A_90 = arith.constant 0 : i32
      %sub3A_91 = vector.broadcast %sub3A_90 : i32 to vector<16xi32>
      %sub3A_92 = arith.subi %get3A_82, %sub3A_91 : vector<16xi32>
      %broadcast_in_dim3A_93 = vector.broadcast %add3A_0 : i32 to vector<16xi32>
      %select_n3A_94 = arith.select %and3A_89, %sub3A_92, %broadcast_in_dim3A_93 : vector<16xi1>, vector<16xi32>
      %swap3A_95 = arith.index_cast %scan3A_65 : i32 to index
      %swap3A_96 = arith.constant 16 : index
      %swap3A_97 = tpu.vector_load %arg9[%swap3A_95, %swap3A_96] {strides = array<i32>} : memref<80x125xi32, #tpu.memory_space<vmem>>, vector<1x16xi32>,
      %swap3A_98 = vector.shape_cast %swap3A_97 : vector<1x16xi32> to vector<16xi32>
      %swap3A_99 = vector.shape_cast %select_n3A_94 : vector<16xi32> to vector<1x16xi32>
      tpu.vector_store %arg9[%swap3A_95, %swap3A_96], %swap3A_99 {strides = array<i32>} : memref<80x125xi32, #tpu.memory_space<vmem>>, vector<1x16xi32>,
      %get3A_100 = arith.index_cast %scan3A_65 : i32 to index
      %get3A_101 = arith.constant 32 : index
      %get3A_102 = tpu.vector_load %arg8[%get3A_100, %get3A_101] {strides = array<i32>} : memref<80x125xi32, #tpu.memory_space<vmem>>, vector<1x16xi32>,
      %get3A_103 = vector.shape_cast %get3A_102 : vector<1x16xi32> to vector<16xi32>
      %ge3A_104 = arith.constant 0 : i32
      %ge3A_105 = vector.broadcast %ge3A_104 : i32 to vector<16xi32>
      %ge3A_106 = arith.cmpi sge, %get3A_103, %ge3A_105 : vector<16xi32>
      %lt3A_107 = arith.constant 5120 : i32
      %lt3A_108 = vector.broadcast %lt3A_107 : i32 to vector<16xi32>
      %lt3A_109 = arith.cmpi slt, %get3A_103, %lt3A_108 : vector<16xi32>
      %and3A_110 = arith.andi %ge3A_106, %lt3A_109 : vector<16xi1>
      %sub3A_111 = arith.constant 0 : i32
      %sub3A_112 = vector.broadcast %sub3A_111 : i32 to vector<16xi32>
      %sub3A_113 = arith.subi %get3A_103, %sub3A_112 : vector<16xi32>
      %broadcast_in_dim3A_114 = vector.broadcast %add3A_0 : i32 to vector<16xi32>
      %select_n3A_115 = arith.select %and3A_110, %sub3A_113, %broadcast_in_dim3A_114 : vector<16xi1>, vector<16xi32>
      %swap3A_116 = arith.index_cast %scan3A_65 : i32 to index
      %swap3A_117 = arith.constant 32 : index
      %swap3A_118 = tpu.vector_load %arg9[%swap3A_116, %swap3A_117] {strides = array<i32>} : memref<80x125xi32, #tpu.memory_space<vmem>>, vector<1x16xi32>,
      %swap3A_119 = vector.shape_cast %swap3A_118 : vector<1x16xi32> to vector<16xi32>
      %swap3A_120 = vector.shape_cast %select_n3A_115 : vector<16xi32> to vector<1x16xi32>
      tpu.vector_store %arg9[%swap3A_116, %swap3A_117], %swap3A_120 {strides = array<i32>} : memref<80x125xi32, #tpu.memory_space<vmem>>, vector<1x16xi32>,
      %get3A_121 = arith.index_cast %scan3A_65 : i32 to index
      %get3A_122 = arith.constant 48 : index
      %get3A_123 = tpu.vector_load %arg8[%get3A_121, %get3A_122] {strides = array<i32>} : memref<80x125xi32, #tpu.memory_space<vmem>>, vector<1x16xi32>,
      %get3A_124 = vector.shape_cast %get3A_123 : vector<1x16xi32> to vector<16xi32>
      %ge3A_125 = arith.constant 0 : i32
      %ge3A_126 = vector.broadcast %ge3A_125 : i32 to vector<16xi32>
      %ge3A_127 = arith.cmpi sge, %get3A_124, %ge3A_126 : vector<16xi32>
      %lt3A_128 = arith.constant 5120 : i32
      %lt3A_129 = vector.broadcast %lt3A_128 : i32 to vector<16xi32>
      %lt3A_130 = arith.cmpi slt, %get3A_124, %lt3A_129 : vector<16xi32>
      %and3A_131 = arith.andi %ge3A_127, %lt3A_130 : vector<16xi1>
      %sub3A_132 = arith.constant 0 : i32
      %sub3A_133 = vector.broadcast %sub3A_132 : i32 to vector<16xi32>
      %sub3A_134 = arith.subi %get3A_124, %sub3A_133 : vector<16xi32>
      %broadcast_in_dim3A_135 = vector.broadcast %add3A_0 : i32 to vector<16xi32>
      %select_n3A_136 = arith.select %and3A_131, %sub3A_134, %broadcast_in_dim3A_135 : vector<16xi1>, vector<16xi32>
      %swap3A_137 = arith.index_cast %scan3A_65 : i32 to index
      %swap3A_138 = arith.constant 48 : index
      %swap3A_139 = tpu.vector_load %arg9[%swap3A_137, %swap3A_138] {strides = array<i32>} : memref<80x125xi32, #tpu.memory_space<vmem>>, vector<1x16xi32>,
      %swap3A_140 = vector.shape_cast %swap3A_139 : vector<1x16xi32> to vector<16xi32>
      %swap3A_141 = vector.shape_cast %select_n3A_136 : vector<16xi32> to vector<1x16xi32>
      tpu.vector_store %arg9[%swap3A_137, %swap3A_138], %swap3A_141 {strides = array<i32>} : memref<80x125xi32, #tpu.memory_space<vmem>>, vector<1x16xi32>,
      %get3A_142 = arith.index_cast %scan3A_65 : i32 to index
      %get3A_143 = arith.constant 64 : index
      %get3A_144 = tpu.vector_load %arg8[%get3A_142, %get3A_143] {strides = array<i32>} : memref<80x125xi32, #tpu.memory_space<vmem>>, vector<1x16xi32>,
      %get3A_145 = vector.shape_cast %get3A_144 : vector<1x16xi32> to vector<16xi32>
      %ge3A_146 = arith.constant 0 : i32
      %ge3A_147 = vector.broadcast %ge3A_146 : i32 to vector<16xi32>
      %ge3A_148 = arith.cmpi sge, %get3A_145, %ge3A_147 : vector<16xi32>
      %lt3A_149 = arith.constant 5120 : i32
      %lt3A_150 = vector.broadcast %lt3A_149 : i32 to vector<16xi32>
      %lt3A_151 = arith.cmpi slt, %get3A_145, %lt3A_150 : vector<16xi32>
      %and3A_152 = arith.andi %ge3A_148, %lt3A_151 : vector<16xi1>
      %sub3A_153 = arith.constant 0 : i32
      %sub3A_154 = vector.broadcast %sub3A_153 : i32 to vector<16xi32>
      %sub3A_155 = arith.subi %get3A_145, %sub3A_154 : vector<16xi32>
      %broadcast_in_dim3A_156 = vector.broadcast %add3A_0 : i32 to vector<16xi32>
      %select_n3A_157 = arith.select %and3A_152, %sub3A_155, %broadcast_in_dim3A_156 : vector<16xi1>, vector<16xi32>
      %swap3A_158 = arith.index_cast %scan3A_65 : i32 to index
      %swap3A_159 = arith.constant 64 : index
      %swap3A_160 = tpu.vector_load %arg9[%swap3A_158, %swap3A_159] {strides = array<i32>} : memref<80x125xi32, #tpu.memory_space<vmem>>, vector<1x16xi32>,
      %swap3A_161 = vector.shape_cast %swap3A_160 : vector<1x16xi32> to vector<16xi32>
      %swap3A_162 = vector.shape_cast %select_n3A_157 : vector<16xi32> to vector<1x16xi32>
      tpu.vector_store %arg9[%swap3A_158, %swap3A_159], %swap3A_162 {strides = array<i32>} : memref<80x125xi32, #tpu.memory_space<vmem>>, vector<1x16xi32>,
      %get3A_163 = arith.index_cast %scan3A_65 : i32 to index
      %get3A_164 = arith.constant 80 : index
      %get3A_165 = tpu.vector_load %arg8[%get3A_163, %get3A_164] {strides = array<i32>} : memref<80x125xi32, #tpu.memory_space<vmem>>, vector<1x16xi32>,
      %get3A_166 = vector.shape_cast %get3A_165 : vector<1x16xi32> to vector<16xi32>
      %ge3A_167 = arith.constant 0 : i32
      %ge3A_168 = vector.broadcast %ge3A_167 : i32 to vector<16xi32>
      %ge3A_169 = arith.cmpi sge, %get3A_166, %ge3A_168 : vector<16xi32>
      %lt3A_170 = arith.constant 5120 : i32
      %lt3A_171 = vector.broadcast %lt3A_170 : i32 to vector<16xi32>
      %lt3A_172 = arith.cmpi slt, %get3A_166, %lt3A_171 : vector<16xi32>
      %and3A_173 = arith.andi %ge3A_169, %lt3A_172 : vector<16xi1>
      %sub3A_174 = arith.constant 0 : i32
      %sub3A_175 = vector.broadcast %sub3A_174 : i32 to vector<16xi32>
      %sub3A_176 = arith.subi %get3A_166, %sub3A_175 : vector<16xi32>
      %broadcast_in_dim3A_177 = vector.broadcast %add3A_0 : i32 to vector<16xi32>
      %select_n3A_178 = arith.select %and3A_173, %sub3A_176, %broadcast_in_dim3A_177 : vector<16xi1>, vector<16xi32>
      %swap3A_179 = arith.index_cast %scan3A_65 : i32 to index
      %swap3A_180 = arith.constant 80 : index
      %swap3A_181 = tpu.vector_load %arg9[%swap3A_179, %swap3A_180] {strides = array<i32>} : memref<80x125xi32, #tpu.memory_space<vmem>>, vector<1x16xi32>,
      %swap3A_182 = vector.shape_cast %swap3A_181 : vector<1x16xi32> to vector<16xi32>
      %swap3A_183 = vector.shape_cast %select_n3A_178 : vector<16xi32> to vector<1x16xi32>
      tpu.vector_store %arg9[%swap3A_179, %swap3A_180], %swap3A_183 {strides = array<i32>} : memref<80x125xi32, #tpu.memory_space<vmem>>, vector<1x16xi32>,
      %get3A_184 = arith.index_cast %scan3A_65 : i32 to index
      %get3A_185 = arith.constant 96 : index
      %get3A_186 = tpu.vector_load %arg8[%get3A_184, %get3A_185] {strides = array<i32>} : memref<80x125xi32, #tpu.memory_space<vmem>>, vector<1x16xi32>,
      %get3A_187 = vector.shape_cast %get3A_186 : vector<1x16xi32> to vector<16xi32>
      %ge3A_188 = arith.constant 0 : i32
      %ge3A_189 = vector.broadcast %ge3A_188 : i32 to vector<16xi32>
      %ge3A_190 = arith.cmpi sge, %get3A_187, %ge3A_189 : vector<16xi32>
      %lt3A_191 = arith.constant 5120 : i32
      %lt3A_192 = vector.broadcast %lt3A_191 : i32 to vector<16xi32>
      %lt3A_193 = arith.cmpi slt, %get3A_187, %lt3A_192 : vector<16xi32>
      %and3A_194 = arith.andi %ge3A_190, %lt3A_193 : vector<16xi1>
      %sub3A_195 = arith.constant 0 : i32
      %sub3A_196 = vector.broadcast %sub3A_195 : i32 to vector<16xi32>
      %sub3A_197 = arith.subi %get3A_187, %sub3A_196 : vector<16xi32>
      %broadcast_in_dim3A_198 = vector.broadcast %add3A_0 : i32 to vector<16xi32>
      %select_n3A_199 = arith.select %and3A_194, %sub3A_197, %broadcast_in_dim3A_198 : vector<16xi1>, vector<16xi32>
      %swap3A_200 = arith.index_cast %scan3A_65 : i32 to index
      %swap3A_201 = arith.constant 96 : index
      %swap3A_202 = tpu.vector_load %arg9[%swap3A_200, %swap3A_201] {strides = array<i32>} : memref<80x125xi32, #tpu.memory_space<vmem>>, vector<1x16xi32>,
      %swap3A_203 = vector.shape_cast %swap3A_202 : vector<1x16xi32> to vector<16xi32>
      %swap3A_204 = vector.shape_cast %select_n3A_199 : vector<16xi32> to vector<1x16xi32>
      tpu.vector_store %arg9[%swap3A_200, %swap3A_201], %swap3A_204 {strides = array<i32>} : memref<80x125xi32, #tpu.memory_space<vmem>>, vector<1x16xi32>,
      %get3A_205 = arith.index_cast %scan3A_65 : i32 to index
      %get3A_206 = arith.constant 109 : index
      %get3A_207 = tpu.vector_load %arg8[%get3A_205, %get3A_206] {strides = array<i32>} : memref<80x125xi32, #tpu.memory_space<vmem>>, vector<1x16xi32>,
      %get3A_208 = vector.shape_cast %get3A_207 : vector<1x16xi32> to vector<16xi32>
      %ge3A_209 = arith.constant 0 : i32
      %ge3A_210 = vector.broadcast %ge3A_209 : i32 to vector<16xi32>
      %ge3A_211 = arith.cmpi sge, %get3A_208, %ge3A_210 : vector<16xi32>
      %lt3A_212 = arith.constant 5120 : i32
      %lt3A_213 = vector.broadcast %lt3A_212 : i32 to vector<16xi32>
      %lt3A_214 = arith.cmpi slt, %get3A_208, %lt3A_213 : vector<16xi32>
      %and3A_215 = arith.andi %ge3A_211, %lt3A_214 : vector<16xi1>
      %sub3A_216 = arith.constant 0 : i32
      %sub3A_217 = vector.broadcast %sub3A_216 : i32 to vector<16xi32>
      %sub3A_218 = arith.subi %get3A_208, %sub3A_217 : vector<16xi32>
      %broadcast_in_dim3A_219 = vector.broadcast %add3A_0 : i32 to vector<16xi32>
      %select_n3A_220 = arith.select %and3A_215, %sub3A_218, %broadcast_in_dim3A_219 : vector<16xi1>, vector<16xi32>
      %swap3A_221 = arith.index_cast %scan3A_65 : i32 to index
      %swap3A_222 = arith.constant 109 : index
      %swap3A_223 = tpu.vector_load %arg9[%swap3A_221, %swap3A_222] {strides = array<i32>} : memref<80x125xi32, #tpu.memory_space<vmem>>, vector<1x16xi32>,
      %swap3A_224 = vector.shape_cast %swap3A_223 : vector<1x16xi32> to vector<16xi32>
      %swap3A_225 = vector.shape_cast %select_n3A_220 : vector<16xi32> to vector<1x16xi32>
      tpu.vector_store %arg9[%swap3A_221, %swap3A_222], %swap3A_225 {strides = array<i32>} : memref<80x125xi32, #tpu.memory_space<vmem>>, vector<1x16xi32>,
    }
    %scan3A_5 = arith.constant 80 : i32
    %mul3A = arith.constant 321 : i32
    %mul3A_6 = arith.muli %arg1, %mul3A : i32
    "tpu.region"() ({
      %run_scoped3A = tpu.sem_alloc : memref<!tpu.dma_semaphore, #tpu.memory_space<semaphore_mem>>
      %dma_start3A_65 = arith.constant 0 : i32
      %dma_start3A_66 = tpu.memref_slice %arg13[%mul3A_6, %dma_start3A_65] : memref<5136x128xf32, #tpu.memory_space<vmem_shared>> -> memref<321x128xf32, #tpu.memory_space<vmem_shared>>
      tpu.enqueue_dma source(%arg5 : memref<321x128xf32, #tpu.memory_space<hbm>>) target(%dma_start3A_66 : memref<321x128xf32, #tpu.memory_space<vmem_shared>>) target_semaphore(%run_scoped3A : memref<!tpu.dma_semaphore, #tpu.memory_space<semaphore_mem>>)
      %dma_wait3A = arith.constant 0 : i32
      %dma_wait3A_67 = tpu.memref_slice %arg13[%mul3A_6, %dma_wait3A] : memref<5136x128xf32, #tpu.memory_space<vmem_shared>> -> memref<321x128xf32, #tpu.memory_space<vmem_shared>>
      tpu.wait_dma2 semaphore(%run_scoped3A : memref<!tpu.dma_semaphore, #tpu.memory_space<semaphore_mem>>) src(%arg5 : memref<321x128xf32, #tpu.memory_space<hbm>>) dst(%dma_wait3A_67 : memref<321x128xf32, #tpu.memory_space<vmem_shared>>)
      tpu.yield
    }) : () -> ()
    %barrier3A = arith.constant 0 : index
    tpu.barrier barrier_id(%barrier3A)
    %dma_start3A = arith.constant 0 : i32
    %dma_start3A_7 = arith.constant 0 : i32
    %dma_start3A_8 = tpu.memref_slice %arg7[%dma_start3A, %dma_start3A_7] : memref<80x125xi32, #tpu.memory_space<vmem>> -> memref<1x125xi32, #tpu.memory_space<vmem>>
    %dma_start3A_9 = tpu.memref_squeeze %dma_start3A_8 : memref<1x125xi32, #tpu.memory_space<vmem>> -> memref<125xi32, #tpu.memory_space<vmem>>
    %dma_start3A_10 = arith.constant 0 : i32
    %dma_start3A_11 = arith.constant 0 : i32
    %dma_start3A_12 = tpu.memref_slice %arg2[%dma_start3A_10, %dma_start3A_11] : memref<10240x128xf32, #tpu.memory_space<hbm>> -> memref<10240x128xf32, #tpu.memory_space<hbm>>
    tpu.enqueue_indirect_dma source(%dma_start3A_12 : memref<10240x128xf32, #tpu.memory_space<hbm>>) target(%arg11 : memref<125x128xf32, #tpu.memory_space<vmem>>) offsets(%dma_start3A_9 : memref<125xi32, #tpu.memory_space<vmem>>) semaphore(%arg14 : memref<!tpu.dma_semaphore, #tpu.memory_space<semaphore_mem>>)
    %dma_start3A_13 = arith.constant 1 : i32
    %dma_start3A_14 = arith.constant 0 : i32
    %dma_start3A_15 = tpu.memref_slice %arg7[%dma_start3A_13, %dma_start3A_14] : memref<80x125xi32, #tpu.memory_space<vmem>> -> memref<1x125xi32, #tpu.memory_space<vmem>>
    %dma_start3A_16 = tpu.memref_squeeze %dma_start3A_15 : memref<1x125xi32, #tpu.memory_space<vmem>> -> memref<125xi32, #tpu.memory_space<vmem>>
    %dma_start3A_17 = arith.constant 0 : i32
    %dma_start3A_18 = arith.constant 0 : i32
    %dma_start3A_19 = tpu.memref_slice %arg2[%dma_start3A_17, %dma_start3A_18] : memref<10240x128xf32, #tpu.memory_space<hbm>> -> memref<10240x128xf32, #tpu.memory_space<hbm>>
    tpu.enqueue_indirect_dma source(%dma_start3A_19 : memref<10240x128xf32, #tpu.memory_space<hbm>>) target(%arg12 : memref<125x128xf32, #tpu.memory_space<vmem>>) offsets(%dma_start3A_16 : memref<125xi32, #tpu.memory_space<vmem>>) semaphore(%arg15 : memref<!tpu.dma_semaphore, #tpu.memory_space<semaphore_mem>>)
    %scan3A_20 = arith.constant 0 : i32
    %scan3A_21 = arith.constant 0 : i32
    %scan3A_22 = arith.constant 40 : i32
    %scan3A_23 = arith.addi %scan3A_21, %scan3A_22 : i32
    %scan3A_24 = arith.constant 1 : i32
    scf.for %scan3A_65 = %scan3A_21 to %scan3A_23 step %scan3A_24  : i32 {
      %mul3A_66 = arith.constant 2 : i32
      %mul3A_67 = arith.muli %mul3A_66, %scan3A_65 : i32
      %add3A_68 = arith.constant 0 : i32
      %add3A_69 = arith.addi %mul3A_67, %add3A_68 : i32
      %get3A = arith.index_cast %add3A_69 : i32 to index
      %get3A_70 = arith.constant 0 : index
      %get3A_71 = tpu.vector_load %arg8[%get3A, %get3A_70] {strides = array<i32>} : memref<80x125xi32, #tpu.memory_space<vmem>>, vector<1x16xi32>,
      %get3A_72 = vector.shape_cast %get3A_71 : vector<1x16xi32> to vector<16xi32>
      %ge3A = arith.constant 5120 : i32
      %ge3A_73 = vector.broadcast %ge3A : i32 to vector<16xi32>
      %ge3A_74 = arith.cmpi sge, %get3A_72, %ge3A_73 : vector<16xi32>
      %lt3A = arith.constant 10240 : i32
      %lt3A_75 = vector.broadcast %lt3A : i32 to vector<16xi32>
      %lt3A_76 = arith.cmpi slt, %get3A_72, %lt3A_75 : vector<16xi32>
      %and3A = arith.andi %ge3A_74, %lt3A_76 : vector<16xi1>
      %sub3A = arith.constant 5120 : i32
      %sub3A_77 = vector.broadcast %sub3A : i32 to vector<16xi32>
      %sub3A_78 = arith.subi %get3A_72, %sub3A_77 : vector<16xi32>
      %broadcast_in_dim3A = vector.broadcast %add3A_0 : i32 to vector<16xi32>
      %select_n3A = arith.select %and3A, %sub3A_78, %broadcast_in_dim3A : vector<16xi1>, vector<16xi32>
      %swap3A = arith.index_cast %add3A_69 : i32 to index
      %swap3A_79 = arith.constant 0 : index
      %swap3A_80 = tpu.vector_load %arg10[%swap3A, %swap3A_79] {strides = array<i32>} : memref<80x125xi32, #tpu.memory_space<vmem>>, vector<1x16xi32>,
      %swap3A_81 = vector.shape_cast %swap3A_80 : vector<1x16xi32> to vector<16xi32>
      %swap3A_82 = vector.shape_cast %select_n3A : vector<16xi32> to vector<1x16xi32>
      tpu.vector_store %arg10[%swap3A, %swap3A_79], %swap3A_82 {strides = array<i32>} : memref<80x125xi32, #tpu.memory_space<vmem>>, vector<1x16xi32>,
      %get3A_83 = arith.index_cast %add3A_69 : i32 to index
      %get3A_84 = arith.constant 16 : index
      %get3A_85 = tpu.vector_load %arg8[%get3A_83, %get3A_84] {strides = array<i32>} : memref<80x125xi32, #tpu.memory_space<vmem>>, vector<1x16xi32>,
      %get3A_86 = vector.shape_cast %get3A_85 : vector<1x16xi32> to vector<16xi32>
      %ge3A_87 = arith.constant 5120 : i32
      %ge3A_88 = vector.broadcast %ge3A_87 : i32 to vector<16xi32>
      %ge3A_89 = arith.cmpi sge, %get3A_86, %ge3A_88 : vector<16xi32>
      %lt3A_90 = arith.constant 10240 : i32
      %lt3A_91 = vector.broadcast %lt3A_90 : i32 to vector<16xi32>
      %lt3A_92 = arith.cmpi slt, %get3A_86, %lt3A_91 : vector<16xi32>
      %and3A_93 = arith.andi %ge3A_89, %lt3A_92 : vector<16xi1>
      %sub3A_94 = arith.constant 5120 : i32
      %sub3A_95 = vector.broadcast %sub3A_94 : i32 to vector<16xi32>
      %sub3A_96 = arith.subi %get3A_86, %sub3A_95 : vector<16xi32>
      %broadcast_in_dim3A_97 = vector.broadcast %add3A_0 : i32 to vector<16xi32>
      %select_n3A_98 = arith.select %and3A_93, %sub3A_96, %broadcast_in_dim3A_97 : vector<16xi1>, vector<16xi32>
      %swap3A_99 = arith.index_cast %add3A_69 : i32 to index
      %swap3A_100 = arith.constant 16 : index
      %swap3A_101 = tpu.vector_load %arg10[%swap3A_99, %swap3A_100] {strides = array<i32>} : memref<80x125xi32, #tpu.memory_space<vmem>>, vector<1x16xi32>,
      %swap3A_102 = vector.shape_cast %swap3A_101 : vector<1x16xi32> to vector<16xi32>
      %swap3A_103 = vector.shape_cast %select_n3A_98 : vector<16xi32> to vector<1x16xi32>
      tpu.vector_store %arg10[%swap3A_99, %swap3A_100], %swap3A_103 {strides = array<i32>} : memref<80x125xi32, #tpu.memory_space<vmem>>, vector<1x16xi32>,
      %get3A_104 = arith.index_cast %add3A_69 : i32 to index
      %get3A_105 = arith.constant 32 : index
      %get3A_106 = tpu.vector_load %arg8[%get3A_104, %get3A_105] {strides = array<i32>} : memref<80x125xi32, #tpu.memory_space<vmem>>, vector<1x16xi32>,
      %get3A_107 = vector.shape_cast %get3A_106 : vector<1x16xi32> to vector<16xi32>
      %ge3A_108 = arith.constant 5120 : i32
      %ge3A_109 = vector.broadcast %ge3A_108 : i32 to vector<16xi32>
      %ge3A_110 = arith.cmpi sge, %get3A_107, %ge3A_109 : vector<16xi32>
      %lt3A_111 = arith.constant 10240 : i32
      %lt3A_112 = vector.broadcast %lt3A_111 : i32 to vector<16xi32>
      %lt3A_113 = arith.cmpi slt, %get3A_107, %lt3A_112 : vector<16xi32>
      %and3A_114 = arith.andi %ge3A_110, %lt3A_113 : vector<16xi1>
      %sub3A_115 = arith.constant 5120 : i32
      %sub3A_116 = vector.broadcast %sub3A_115 : i32 to vector<16xi32>
      %sub3A_117 = arith.subi %get3A_107, %sub3A_116 : vector<16xi32>
      %broadcast_in_dim3A_118 = vector.broadcast %add3A_0 : i32 to vector<16xi32>
      %select_n3A_119 = arith.select %and3A_114, %sub3A_117, %broadcast_in_dim3A_118 : vector<16xi1>, vector<16xi32>
      %swap3A_120 = arith.index_cast %add3A_69 : i32 to index
      %swap3A_121 = arith.constant 32 : index
      %swap3A_122 = tpu.vector_load %arg10[%swap3A_120, %swap3A_121] {strides = array<i32>} : memref<80x125xi32, #tpu.memory_space<vmem>>, vector<1x16xi32>,
      %swap3A_123 = vector.shape_cast %swap3A_122 : vector<1x16xi32> to vector<16xi32>
      %swap3A_124 = vector.shape_cast %select_n3A_119 : vector<16xi32> to vector<1x16xi32>
      tpu.vector_store %arg10[%swap3A_120, %swap3A_121], %swap3A_124 {strides = array<i32>} : memref<80x125xi32, #tpu.memory_space<vmem>>, vector<1x16xi32>,
      %get3A_125 = arith.index_cast %add3A_69 : i32 to index
      %get3A_126 = arith.constant 48 : index
      %get3A_127 = tpu.vector_load %arg8[%get3A_125, %get3A_126] {strides = array<i32>} : memref<80x125xi32, #tpu.memory_space<vmem>>, vector<1x16xi32>,
      %get3A_128 = vector.shape_cast %get3A_127 : vector<1x16xi32> to vector<16xi32>
      %ge3A_129 = arith.constant 5120 : i32
      %ge3A_130 = vector.broadcast %ge3A_129 : i32 to vector<16xi32>
      %ge3A_131 = arith.cmpi sge, %get3A_128, %ge3A_130 : vector<16xi32>
      %lt3A_132 = arith.constant 10240 : i32
      %lt3A_133 = vector.broadcast %lt3A_132 : i32 to vector<16xi32>
      %lt3A_134 = arith.cmpi slt, %get3A_128, %lt3A_133 : vector<16xi32>
      %and3A_135 = arith.andi %ge3A_131, %lt3A_134 : vector<16xi1>
      %sub3A_136 = arith.constant 5120 : i32
      %sub3A_137 = vector.broadcast %sub3A_136 : i32 to vector<16xi32>
      %sub3A_138 = arith.subi %get3A_128, %sub3A_137 : vector<16xi32>
      %broadcast_in_dim3A_139 = vector.broadcast %add3A_0 : i32 to vector<16xi32>
      %select_n3A_140 = arith.select %and3A_135, %sub3A_138, %broadcast_in_dim3A_139 : vector<16xi1>, vector<16xi32>
      %swap3A_141 = arith.index_cast %add3A_69 : i32 to index
      %swap3A_142 = arith.constant 48 : index
      %swap3A_143 = tpu.vector_load %arg10[%swap3A_141, %swap3A_142] {strides = array<i32>} : memref<80x125xi32, #tpu.memory_space<vmem>>, vector<1x16xi32>,
      %swap3A_144 = vector.shape_cast %swap3A_143 : vector<1x16xi32> to vector<16xi32>
      %swap3A_145 = vector.shape_cast %select_n3A_140 : vector<16xi32> to vector<1x16xi32>
      tpu.vector_store %arg10[%swap3A_141, %swap3A_142], %swap3A_145 {strides = array<i32>} : memref<80x125xi32, #tpu.memory_space<vmem>>, vector<1x16xi32>,
      %get3A_146 = arith.index_cast %add3A_69 : i32 to index
      %get3A_147 = arith.constant 64 : index
      %get3A_148 = tpu.vector_load %arg8[%get3A_146, %get3A_147] {strides = array<i32>} : memref<80x125xi32, #tpu.memory_space<vmem>>, vector<1x16xi32>,
      %get3A_149 = vector.shape_cast %get3A_148 : vector<1x16xi32> to vector<16xi32>
      %ge3A_150 = arith.constant 5120 : i32
      %ge3A_151 = vector.broadcast %ge3A_150 : i32 to vector<16xi32>
      %ge3A_152 = arith.cmpi sge, %get3A_149, %ge3A_151 : vector<16xi32>
      %lt3A_153 = arith.constant 10240 : i32
      %lt3A_154 = vector.broadcast %lt3A_153 : i32 to vector<16xi32>
      %lt3A_155 = arith.cmpi slt, %get3A_149, %lt3A_154 : vector<16xi32>
      %and3A_156 = arith.andi %ge3A_152, %lt3A_155 : vector<16xi1>
      %sub3A_157 = arith.constant 5120 : i32
      %sub3A_158 = vector.broadcast %sub3A_157 : i32 to vector<16xi32>
      %sub3A_159 = arith.subi %get3A_149, %sub3A_158 : vector<16xi32>
      %broadcast_in_dim3A_160 = vector.broadcast %add3A_0 : i32 to vector<16xi32>
      %select_n3A_161 = arith.select %and3A_156, %sub3A_159, %broadcast_in_dim3A_160 : vector<16xi1>, vector<16xi32>
      %swap3A_162 = arith.index_cast %add3A_69 : i32 to index
      %swap3A_163 = arith.constant 64 : index
      %swap3A_164 = tpu.vector_load %arg10[%swap3A_162, %swap3A_163] {strides = array<i32>} : memref<80x125xi32, #tpu.memory_space<vmem>>, vector<1x16xi32>,
      %swap3A_165 = vector.shape_cast %swap3A_164 : vector<1x16xi32> to vector<16xi32>
      %swap3A_166 = vector.shape_cast %select_n3A_161 : vector<16xi32> to vector<1x16xi32>
      tpu.vector_store %arg10[%swap3A_162, %swap3A_163], %swap3A_166 {strides = array<i32>} : memref<80x125xi32, #tpu.memory_space<vmem>>, vector<1x16xi32>,
      %get3A_167 = arith.index_cast %add3A_69 : i32 to index
      %get3A_168 = arith.constant 80 : index
      %get3A_169 = tpu.vector_load %arg8[%get3A_167, %get3A_168] {strides = array<i32>} : memref<80x125xi32, #tpu.memory_space<vmem>>, vector<1x16xi32>,
      %get3A_170 = vector.shape_cast %get3A_169 : vector<1x16xi32> to vector<16xi32>
      %ge3A_171 = arith.constant 5120 : i32
      %ge3A_172 = vector.broadcast %ge3A_171 : i32 to vector<16xi32>
      %ge3A_173 = arith.cmpi sge, %get3A_170, %ge3A_172 : vector<16xi32>
      %lt3A_174 = arith.constant 10240 : i32
      %lt3A_175 = vector.broadcast %lt3A_174 : i32 to vector<16xi32>
      %lt3A_176 = arith.cmpi slt, %get3A_170, %lt3A_175 : vector<16xi32>
      %and3A_177 = arith.andi %ge3A_173, %lt3A_176 : vector<16xi1>
      %sub3A_178 = arith.constant 5120 : i32
      %sub3A_179 = vector.broadcast %sub3A_178 : i32 to vector<16xi32>
      %sub3A_180 = arith.subi %get3A_170, %sub3A_179 : vector<16xi32>
      %broadcast_in_dim3A_181 = vector.broadcast %add3A_0 : i32 to vector<16xi32>
      %select_n3A_182 = arith.select %and3A_177, %sub3A_180, %broadcast_in_dim3A_181 : vector<16xi1>, vector<16xi32>
      %swap3A_183 = arith.index_cast %add3A_69 : i32 to index
      %swap3A_184 = arith.constant 80 : index
      %swap3A_185 = tpu.vector_load %arg10[%swap3A_183, %swap3A_184] {strides = array<i32>} : memref<80x125xi32, #tpu.memory_space<vmem>>, vector<1x16xi32>,
      %swap3A_186 = vector.shape_cast %swap3A_185 : vector<1x16xi32> to vector<16xi32>
      %swap3A_187 = vector.shape_cast %select_n3A_182 : vector<16xi32> to vector<1x16xi32>
      tpu.vector_store %arg10[%swap3A_183, %swap3A_184], %swap3A_187 {strides = array<i32>} : memref<80x125xi32, #tpu.memory_space<vmem>>, vector<1x16xi32>,
      %get3A_188 = arith.index_cast %add3A_69 : i32 to index
      %get3A_189 = arith.constant 96 : index
      %get3A_190 = tpu.vector_load %arg8[%get3A_188, %get3A_189] {strides = array<i32>} : memref<80x125xi32, #tpu.memory_space<vmem>>, vector<1x16xi32>,
      %get3A_191 = vector.shape_cast %get3A_190 : vector<1x16xi32> to vector<16xi32>
      %ge3A_192 = arith.constant 5120 : i32
      %ge3A_193 = vector.broadcast %ge3A_192 : i32 to vector<16xi32>
      %ge3A_194 = arith.cmpi sge, %get3A_191, %ge3A_193 : vector<16xi32>
      %lt3A_195 = arith.constant 10240 : i32
      %lt3A_196 = vector.broadcast %lt3A_195 : i32 to vector<16xi32>
      %lt3A_197 = arith.cmpi slt, %get3A_191, %lt3A_196 : vector<16xi32>
      %and3A_198 = arith.andi %ge3A_194, %lt3A_197 : vector<16xi1>
      %sub3A_199 = arith.constant 5120 : i32
      %sub3A_200 = vector.broadcast %sub3A_199 : i32 to vector<16xi32>
      %sub3A_201 = arith.subi %get3A_191, %sub3A_200 : vector<16xi32>
      %broadcast_in_dim3A_202 = vector.broadcast %add3A_0 : i32 to vector<16xi32>
      %select_n3A_203 = arith.select %and3A_198, %sub3A_201, %broadcast_in_dim3A_202 : vector<16xi1>, vector<16xi32>
      %swap3A_204 = arith.index_cast %add3A_69 : i32 to index
      %swap3A_205 = arith.constant 96 : index
      %swap3A_206 = tpu.vector_load %arg10[%swap3A_204, %swap3A_205] {strides = array<i32>} : memref<80x125xi32, #tpu.memory_space<vmem>>, vector<1x16xi32>,
      %swap3A_207 = vector.shape_cast %swap3A_206 : vector<1x16xi32> to vector<16xi32>
      %swap3A_208 = vector.shape_cast %select_n3A_203 : vector<16xi32> to vector<1x16xi32>
      tpu.vector_store %arg10[%swap3A_204, %swap3A_205], %swap3A_208 {strides = array<i32>} : memref<80x125xi32, #tpu.memory_space<vmem>>, vector<1x16xi32>,
      %get3A_209 = arith.index_cast %add3A_69 : i32 to index
      %get3A_210 = arith.constant 109 : index
      %get3A_211 = tpu.vector_load %arg8[%get3A_209, %get3A_210] {strides = array<i32>} : memref<80x125xi32, #tpu.memory_space<vmem>>, vector<1x16xi32>,
      %get3A_212 = vector.shape_cast %get3A_211 : vector<1x16xi32> to vector<16xi32>
      %ge3A_213 = arith.constant 5120 : i32
      %ge3A_214 = vector.broadcast %ge3A_213 : i32 to vector<16xi32>
      %ge3A_215 = arith.cmpi sge, %get3A_212, %ge3A_214 : vector<16xi32>
      %lt3A_216 = arith.constant 10240 : i32
      %lt3A_217 = vector.broadcast %lt3A_216 : i32 to vector<16xi32>
      %lt3A_218 = arith.cmpi slt, %get3A_212, %lt3A_217 : vector<16xi32>
      %and3A_219 = arith.andi %ge3A_215, %lt3A_218 : vector<16xi1>
      %sub3A_220 = arith.constant 5120 : i32
      %sub3A_221 = vector.broadcast %sub3A_220 : i32 to vector<16xi32>
      %sub3A_222 = arith.subi %get3A_212, %sub3A_221 : vector<16xi32>
      %broadcast_in_dim3A_223 = vector.broadcast %add3A_0 : i32 to vector<16xi32>
      %select_n3A_224 = arith.select %and3A_219, %sub3A_222, %broadcast_in_dim3A_223 : vector<16xi1>, vector<16xi32>
      %swap3A_225 = arith.index_cast %add3A_69 : i32 to index
      %swap3A_226 = arith.constant 109 : index
      %swap3A_227 = tpu.vector_load %arg10[%swap3A_225, %swap3A_226] {strides = array<i32>} : memref<80x125xi32, #tpu.memory_space<vmem>>, vector<1x16xi32>,
      %swap3A_228 = vector.shape_cast %swap3A_227 : vector<1x16xi32> to vector<16xi32>
      %swap3A_229 = vector.shape_cast %select_n3A_224 : vector<16xi32> to vector<1x16xi32>
      tpu.vector_store %arg10[%swap3A_225, %swap3A_226], %swap3A_229 {strides = array<i32>} : memref<80x125xi32, #tpu.memory_space<vmem>>, vector<1x16xi32>,
      %add3A_230 = arith.constant 0 : i32
      %add3A_231 = arith.addi %mul3A_67, %add3A_230 : i32
      %dma_wait3A = arith.constant 0 : i32
      %dma_wait3A_232 = tpu.memref_slice %arg7[%add3A_231, %dma_wait3A] : memref<80x125xi32, #tpu.memory_space<vmem>> -> memref<1x125xi32, #tpu.memory_space<vmem>>
      %dma_wait3A_233 = tpu.memref_squeeze %dma_wait3A_232 : memref<1x125xi32, #tpu.memory_space<vmem>> -> memref<125xi32, #tpu.memory_space<vmem>>
      %dma_wait3A_234 = arith.constant 0 : i32
      %dma_wait3A_235 = arith.constant 0 : i32
      %dma_wait3A_236 = tpu.memref_slice %arg2[%dma_wait3A_234, %dma_wait3A_235] : memref<10240x128xf32, #tpu.memory_space<hbm>> -> memref<10240x128xf32, #tpu.memory_space<hbm>>
      tpu.wait_indirect_dma semaphore(%arg14 : memref<!tpu.dma_semaphore, #tpu.memory_space<semaphore_mem>>) src(%dma_wait3A_236 : memref<10240x128xf32, #tpu.memory_space<hbm>>) dst(%arg11 : memref<125x128xf32, #tpu.memory_space<vmem>>)
      %add3A_237 = arith.constant 0 : i32
      %add3A_238 = arith.addi %mul3A_67, %add3A_237 : i32
      %dma_start3A_239 = arith.constant 0 : i32
      %dma_start3A_240 = tpu.memref_slice %arg9[%add3A_238, %dma_start3A_239] : memref<80x125xi32, #tpu.memory_space<vmem>> -> memref<1x125xi32, #tpu.memory_space<vmem>>
      %dma_start3A_241 = tpu.memref_squeeze %dma_start3A_240 : memref<1x125xi32, #tpu.memory_space<vmem>> -> memref<125xi32, #tpu.memory_space<vmem>>
      %dma_start3A_242 = arith.constant 0 : i32
      %dma_start3A_243 = arith.constant 0 : i32
      %dma_start3A_244 = tpu.memref_slice %arg13[%dma_start3A_242, %dma_start3A_243] : memref<5136x128xf32, #tpu.memory_space<vmem_shared>> -> memref<5136x128xf32, #tpu.memory_space<vmem_shared>>
      tpu.enqueue_indirect_dma source(%arg11 : memref<125x128xf32, #tpu.memory_space<vmem>>) target(%dma_start3A_244 : memref<5136x128xf32, #tpu.memory_space<vmem_shared>>) offsets(%dma_start3A_241 : memref<125xi32, #tpu.memory_space<vmem>>) semaphore(%arg16 : memref<!tpu.dma_semaphore, #tpu.memory_space<semaphore_mem>>) {add = true}
      %add3A_245 = arith.constant 1 : i32
      %add3A_246 = arith.addi %mul3A_67, %add3A_245 : i32
      %get3A_247 = arith.index_cast %add3A_246 : i32 to index
      %get3A_248 = arith.constant 0 : index
      %get3A_249 = tpu.vector_load %arg8[%get3A_247, %get3A_248] {strides = array<i32>} : memref<80x125xi32, #tpu.memory_space<vmem>>, vector<1x16xi32>,
      %get3A_250 = vector.shape_cast %get3A_249 : vector<1x16xi32> to vector<16xi32>
      %ge3A_251 = arith.constant 5120 : i32
      %ge3A_252 = vector.broadcast %ge3A_251 : i32 to vector<16xi32>
      %ge3A_253 = arith.cmpi sge, %get3A_250, %ge3A_252 : vector<16xi32>
      %lt3A_254 = arith.constant 10240 : i32
      %lt3A_255 = vector.broadcast %lt3A_254 : i32 to vector<16xi32>
      %lt3A_256 = arith.cmpi slt, %get3A_250, %lt3A_255 : vector<16xi32>
      %and3A_257 = arith.andi %ge3A_253, %lt3A_256 : vector<16xi1>
      %sub3A_258 = arith.constant 5120 : i32
      %sub3A_259 = vector.broadcast %sub3A_258 : i32 to vector<16xi32>
      %sub3A_260 = arith.subi %get3A_250, %sub3A_259 : vector<16xi32>
      %broadcast_in_dim3A_261 = vector.broadcast %add3A_0 : i32 to vector<16xi32>
      %select_n3A_262 = arith.select %and3A_257, %sub3A_260, %broadcast_in_dim3A_261 : vector<16xi1>, vector<16xi32>
      %swap3A_263 = arith.index_cast %add3A_246 : i32 to index
      %swap3A_264 = arith.constant 0 : index
      %swap3A_265 = tpu.vector_load %arg10[%swap3A_263, %swap3A_264] {strides = array<i32>} : memref<80x125xi32, #tpu.memory_space<vmem>>, vector<1x16xi32>,
      %swap3A_266 = vector.shape_cast %swap3A_265 : vector<1x16xi32> to vector<16xi32>
      %swap3A_267 = vector.shape_cast %select_n3A_262 : vector<16xi32> to vector<1x16xi32>
      tpu.vector_store %arg10[%swap3A_263, %swap3A_264], %swap3A_267 {strides = array<i32>} : memref<80x125xi32, #tpu.memory_space<vmem>>, vector<1x16xi32>,
      %get3A_268 = arith.index_cast %add3A_246 : i32 to index
      %get3A_269 = arith.constant 16 : index
      %get3A_270 = tpu.vector_load %arg8[%get3A_268, %get3A_269] {strides = array<i32>} : memref<80x125xi32, #tpu.memory_space<vmem>>, vector<1x16xi32>,
      %get3A_271 = vector.shape_cast %get3A_270 : vector<1x16xi32> to vector<16xi32>
      %ge3A_272 = arith.constant 5120 : i32
      %ge3A_273 = vector.broadcast %ge3A_272 : i32 to vector<16xi32>
      %ge3A_274 = arith.cmpi sge, %get3A_271, %ge3A_273 : vector<16xi32>
      %lt3A_275 = arith.constant 10240 : i32
      %lt3A_276 = vector.broadcast %lt3A_275 : i32 to vector<16xi32>
      %lt3A_277 = arith.cmpi slt, %get3A_271, %lt3A_276 : vector<16xi32>
      %and3A_278 = arith.andi %ge3A_274, %lt3A_277 : vector<16xi1>
      %sub3A_279 = arith.constant 5120 : i32
      %sub3A_280 = vector.broadcast %sub3A_279 : i32 to vector<16xi32>
      %sub3A_281 = arith.subi %get3A_271, %sub3A_280 : vector<16xi32>
      %broadcast_in_dim3A_282 = vector.broadcast %add3A_0 : i32 to vector<16xi32>
      %select_n3A_283 = arith.select %and3A_278, %sub3A_281, %broadcast_in_dim3A_282 : vector<16xi1>, vector<16xi32>
      %swap3A_284 = arith.index_cast %add3A_246 : i32 to index
      %swap3A_285 = arith.constant 16 : index
      %swap3A_286 = tpu.vector_load %arg10[%swap3A_284, %swap3A_285] {strides = array<i32>} : memref<80x125xi32, #tpu.memory_space<vmem>>, vector<1x16xi32>,
      %swap3A_287 = vector.shape_cast %swap3A_286 : vector<1x16xi32> to vector<16xi32>
      %swap3A_288 = vector.shape_cast %select_n3A_283 : vector<16xi32> to vector<1x16xi32>
      tpu.vector_store %arg10[%swap3A_284, %swap3A_285], %swap3A_288 {strides = array<i32>} : memref<80x125xi32, #tpu.memory_space<vmem>>, vector<1x16xi32>,
      %get3A_289 = arith.index_cast %add3A_246 : i32 to index
      %get3A_290 = arith.constant 32 : index
      %get3A_291 = tpu.vector_load %arg8[%get3A_289, %get3A_290] {strides = array<i32>} : memref<80x125xi32, #tpu.memory_space<vmem>>, vector<1x16xi32>,
      %get3A_292 = vector.shape_cast %get3A_291 : vector<1x16xi32> to vector<16xi32>
      %ge3A_293 = arith.constant 5120 : i32
      %ge3A_294 = vector.broadcast %ge3A_293 : i32 to vector<16xi32>
      %ge3A_295 = arith.cmpi sge, %get3A_292, %ge3A_294 : vector<16xi32>
      %lt3A_296 = arith.constant 10240 : i32
      %lt3A_297 = vector.broadcast %lt3A_296 : i32 to vector<16xi32>
      %lt3A_298 = arith.cmpi slt, %get3A_292, %lt3A_297 : vector<16xi32>
      %and3A_299 = arith.andi %ge3A_295, %lt3A_298 : vector<16xi1>
      %sub3A_300 = arith.constant 5120 : i32
      %sub3A_301 = vector.broadcast %sub3A_300 : i32 to vector<16xi32>
      %sub3A_302 = arith.subi %get3A_292, %sub3A_301 : vector<16xi32>
      %broadcast_in_dim3A_303 = vector.broadcast %add3A_0 : i32 to vector<16xi32>
      %select_n3A_304 = arith.select %and3A_299, %sub3A_302, %broadcast_in_dim3A_303 : vector<16xi1>, vector<16xi32>
      %swap3A_305 = arith.index_cast %add3A_246 : i32 to index
      %swap3A_306 = arith.constant 32 : index
      %swap3A_307 = tpu.vector_load %arg10[%swap3A_305, %swap3A_306] {strides = array<i32>} : memref<80x125xi32, #tpu.memory_space<vmem>>, vector<1x16xi32>,
      %swap3A_308 = vector.shape_cast %swap3A_307 : vector<1x16xi32> to vector<16xi32>
      %swap3A_309 = vector.shape_cast %select_n3A_304 : vector<16xi32> to vector<1x16xi32>
      tpu.vector_store %arg10[%swap3A_305, %swap3A_306], %swap3A_309 {strides = array<i32>} : memref<80x125xi32, #tpu.memory_space<vmem>>, vector<1x16xi32>,
      %get3A_310 = arith.index_cast %add3A_246 : i32 to index
      %get3A_311 = arith.constant 48 : index
      %get3A_312 = tpu.vector_load %arg8[%get3A_310, %get3A_311] {strides = array<i32>} : memref<80x125xi32, #tpu.memory_space<vmem>>, vector<1x16xi32>,
      %get3A_313 = vector.shape_cast %get3A_312 : vector<1x16xi32> to vector<16xi32>
      %ge3A_314 = arith.constant 5120 : i32
      %ge3A_315 = vector.broadcast %ge3A_314 : i32 to vector<16xi32>
      %ge3A_316 = arith.cmpi sge, %get3A_313, %ge3A_315 : vector<16xi32>
      %lt3A_317 = arith.constant 10240 : i32
      %lt3A_318 = vector.broadcast %lt3A_317 : i32 to vector<16xi32>
      %lt3A_319 = arith.cmpi slt, %get3A_313, %lt3A_318 : vector<16xi32>
      %and3A_320 = arith.andi %ge3A_316, %lt3A_319 : vector<16xi1>
      %sub3A_321 = arith.constant 5120 : i32
      %sub3A_322 = vector.broadcast %sub3A_321 : i32 to vector<16xi32>
      %sub3A_323 = arith.subi %get3A_313, %sub3A_322 : vector<16xi32>
      %broadcast_in_dim3A_324 = vector.broadcast %add3A_0 : i32 to vector<16xi32>
      %select_n3A_325 = arith.select %and3A_320, %sub3A_323, %broadcast_in_dim3A_324 : vector<16xi1>, vector<16xi32>
      %swap3A_326 = arith.index_cast %add3A_246 : i32 to index
      %swap3A_327 = arith.constant 48 : index
      %swap3A_328 = tpu.vector_load %arg10[%swap3A_326, %swap3A_327] {strides = array<i32>} : memref<80x125xi32, #tpu.memory_space<vmem>>, vector<1x16xi32>,
      %swap3A_329 = vector.shape_cast %swap3A_328 : vector<1x16xi32> to vector<16xi32>
      %swap3A_330 = vector.shape_cast %select_n3A_325 : vector<16xi32> to vector<1x16xi32>
      tpu.vector_store %arg10[%swap3A_326, %swap3A_327], %swap3A_330 {strides = array<i32>} : memref<80x125xi32, #tpu.memory_space<vmem>>, vector<1x16xi32>,
      %get3A_331 = arith.index_cast %add3A_246 : i32 to index
      %get3A_332 = arith.constant 64 : index
      %get3A_333 = tpu.vector_load %arg8[%get3A_331, %get3A_332] {strides = array<i32>} : memref<80x125xi32, #tpu.memory_space<vmem>>, vector<1x16xi32>,
      %get3A_334 = vector.shape_cast %get3A_333 : vector<1x16xi32> to vector<16xi32>
      %ge3A_335 = arith.constant 5120 : i32
      %ge3A_336 = vector.broadcast %ge3A_335 : i32 to vector<16xi32>
      %ge3A_337 = arith.cmpi sge, %get3A_334, %ge3A_336 : vector<16xi32>
      %lt3A_338 = arith.constant 10240 : i32
      %lt3A_339 = vector.broadcast %lt3A_338 : i32 to vector<16xi32>
      %lt3A_340 = arith.cmpi slt, %get3A_334, %lt3A_339 : vector<16xi32>
      %and3A_341 = arith.andi %ge3A_337, %lt3A_340 : vector<16xi1>
      %sub3A_342 = arith.constant 5120 : i32
      %sub3A_343 = vector.broadcast %sub3A_342 : i32 to vector<16xi32>
      %sub3A_344 = arith.subi %get3A_334, %sub3A_343 : vector<16xi32>
      %broadcast_in_dim3A_345 = vector.broadcast %add3A_0 : i32 to vector<16xi32>
      %select_n3A_346 = arith.select %and3A_341, %sub3A_344, %broadcast_in_dim3A_345 : vector<16xi1>, vector<16xi32>
      %swap3A_347 = arith.index_cast %add3A_246 : i32 to index
      %swap3A_348 = arith.constant 64 : index
      %swap3A_349 = tpu.vector_load %arg10[%swap3A_347, %swap3A_348] {strides = array<i32>} : memref<80x125xi32, #tpu.memory_space<vmem>>, vector<1x16xi32>,
      %swap3A_350 = vector.shape_cast %swap3A_349 : vector<1x16xi32> to vector<16xi32>
      %swap3A_351 = vector.shape_cast %select_n3A_346 : vector<16xi32> to vector<1x16xi32>
      tpu.vector_store %arg10[%swap3A_347, %swap3A_348], %swap3A_351 {strides = array<i32>} : memref<80x125xi32, #tpu.memory_space<vmem>>, vector<1x16xi32>,
      %get3A_352 = arith.index_cast %add3A_246 : i32 to index
      %get3A_353 = arith.constant 80 : index
      %get3A_354 = tpu.vector_load %arg8[%get3A_352, %get3A_353] {strides = array<i32>} : memref<80x125xi32, #tpu.memory_space<vmem>>, vector<1x16xi32>,
      %get3A_355 = vector.shape_cast %get3A_354 : vector<1x16xi32> to vector<16xi32>
      %ge3A_356 = arith.constant 5120 : i32
      %ge3A_357 = vector.broadcast %ge3A_356 : i32 to vector<16xi32>
      %ge3A_358 = arith.cmpi sge, %get3A_355, %ge3A_357 : vector<16xi32>
      %lt3A_359 = arith.constant 10240 : i32
      %lt3A_360 = vector.broadcast %lt3A_359 : i32 to vector<16xi32>
      %lt3A_361 = arith.cmpi slt, %get3A_355, %lt3A_360 : vector<16xi32>
      %and3A_362 = arith.andi %ge3A_358, %lt3A_361 : vector<16xi1>
      %sub3A_363 = arith.constant 5120 : i32
      %sub3A_364 = vector.broadcast %sub3A_363 : i32 to vector<16xi32>
      %sub3A_365 = arith.subi %get3A_355, %sub3A_364 : vector<16xi32>
      %broadcast_in_dim3A_366 = vector.broadcast %add3A_0 : i32 to vector<16xi32>
      %select_n3A_367 = arith.select %and3A_362, %sub3A_365, %broadcast_in_dim3A_366 : vector<16xi1>, vector<16xi32>
      %swap3A_368 = arith.index_cast %add3A_246 : i32 to index
      %swap3A_369 = arith.constant 80 : index
      %swap3A_370 = tpu.vector_load %arg10[%swap3A_368, %swap3A_369] {strides = array<i32>} : memref<80x125xi32, #tpu.memory_space<vmem>>, vector<1x16xi32>,
      %swap3A_371 = vector.shape_cast %swap3A_370 : vector<1x16xi32> to vector<16xi32>
      %swap3A_372 = vector.shape_cast %select_n3A_367 : vector<16xi32> to vector<1x16xi32>
      tpu.vector_store %arg10[%swap3A_368, %swap3A_369], %swap3A_372 {strides = array<i32>} : memref<80x125xi32, #tpu.memory_space<vmem>>, vector<1x16xi32>,
      %get3A_373 = arith.index_cast %add3A_246 : i32 to index
      %get3A_374 = arith.constant 96 : index
      %get3A_375 = tpu.vector_load %arg8[%get3A_373, %get3A_374] {strides = array<i32>} : memref<80x125xi32, #tpu.memory_space<vmem>>, vector<1x16xi32>,
      %get3A_376 = vector.shape_cast %get3A_375 : vector<1x16xi32> to vector<16xi32>
      %ge3A_377 = arith.constant 5120 : i32
      %ge3A_378 = vector.broadcast %ge3A_377 : i32 to vector<16xi32>
      %ge3A_379 = arith.cmpi sge, %get3A_376, %ge3A_378 : vector<16xi32>
      %lt3A_380 = arith.constant 10240 : i32
      %lt3A_381 = vector.broadcast %lt3A_380 : i32 to vector<16xi32>
      %lt3A_382 = arith.cmpi slt, %get3A_376, %lt3A_381 : vector<16xi32>
      %and3A_383 = arith.andi %ge3A_379, %lt3A_382 : vector<16xi1>
      %sub3A_384 = arith.constant 5120 : i32
      %sub3A_385 = vector.broadcast %sub3A_384 : i32 to vector<16xi32>
      %sub3A_386 = arith.subi %get3A_376, %sub3A_385 : vector<16xi32>
      %broadcast_in_dim3A_387 = vector.broadcast %add3A_0 : i32 to vector<16xi32>
      %select_n3A_388 = arith.select %and3A_383, %sub3A_386, %broadcast_in_dim3A_387 : vector<16xi1>, vector<16xi32>
      %swap3A_389 = arith.index_cast %add3A_246 : i32 to index
      %swap3A_390 = arith.constant 96 : index
      %swap3A_391 = tpu.vector_load %arg10[%swap3A_389, %swap3A_390] {strides = array<i32>} : memref<80x125xi32, #tpu.memory_space<vmem>>, vector<1x16xi32>,
      %swap3A_392 = vector.shape_cast %swap3A_391 : vector<1x16xi32> to vector<16xi32>
      %swap3A_393 = vector.shape_cast %select_n3A_388 : vector<16xi32> to vector<1x16xi32>
      tpu.vector_store %arg10[%swap3A_389, %swap3A_390], %swap3A_393 {strides = array<i32>} : memref<80x125xi32, #tpu.memory_space<vmem>>, vector<1x16xi32>,
      %get3A_394 = arith.index_cast %add3A_246 : i32 to index
      %get3A_395 = arith.constant 109 : index
      %get3A_396 = tpu.vector_load %arg8[%get3A_394, %get3A_395] {strides = array<i32>} : memref<80x125xi32, #tpu.memory_space<vmem>>, vector<1x16xi32>,
      %get3A_397 = vector.shape_cast %get3A_396 : vector<1x16xi32> to vector<16xi32>
      %ge3A_398 = arith.constant 5120 : i32
      %ge3A_399 = vector.broadcast %ge3A_398 : i32 to vector<16xi32>
      %ge3A_400 = arith.cmpi sge, %get3A_397, %ge3A_399 : vector<16xi32>
      %lt3A_401 = arith.constant 10240 : i32
      %lt3A_402 = vector.broadcast %lt3A_401 : i32 to vector<16xi32>
      %lt3A_403 = arith.cmpi slt, %get3A_397, %lt3A_402 : vector<16xi32>
      %and3A_404 = arith.andi %ge3A_400, %lt3A_403 : vector<16xi1>
      %sub3A_405 = arith.constant 5120 : i32
      %sub3A_406 = vector.broadcast %sub3A_405 : i32 to vector<16xi32>
      %sub3A_407 = arith.subi %get3A_397, %sub3A_406 : vector<16xi32>
      %broadcast_in_dim3A_408 = vector.broadcast %add3A_0 : i32 to vector<16xi32>
      %select_n3A_409 = arith.select %and3A_404, %sub3A_407, %broadcast_in_dim3A_408 : vector<16xi1>, vector<16xi32>
      %swap3A_410 = arith.index_cast %add3A_246 : i32 to index
      %swap3A_411 = arith.constant 109 : index
      %swap3A_412 = tpu.vector_load %arg10[%swap3A_410, %swap3A_411] {strides = array<i32>} : memref<80x125xi32, #tpu.memory_space<vmem>>, vector<1x16xi32>,
      %swap3A_413 = vector.shape_cast %swap3A_412 : vector<1x16xi32> to vector<16xi32>
      %swap3A_414 = vector.shape_cast %select_n3A_409 : vector<16xi32> to vector<1x16xi32>
      tpu.vector_store %arg10[%swap3A_410, %swap3A_411], %swap3A_414 {strides = array<i32>} : memref<80x125xi32, #tpu.memory_space<vmem>>, vector<1x16xi32>,
      %add3A_415 = arith.constant 1 : i32
      %add3A_416 = arith.addi %mul3A_67, %add3A_415 : i32
      %dma_wait3A_417 = arith.constant 0 : i32
      %dma_wait3A_418 = tpu.memref_slice %arg7[%add3A_416, %dma_wait3A_417] : memref<80x125xi32, #tpu.memory_space<vmem>> -> memref<1x125xi32, #tpu.memory_space<vmem>>
      %dma_wait3A_419 = tpu.memref_squeeze %dma_wait3A_418 : memref<1x125xi32, #tpu.memory_space<vmem>> -> memref<125xi32, #tpu.memory_space<vmem>>
      %dma_wait3A_420 = arith.constant 0 : i32
      %dma_wait3A_421 = arith.constant 0 : i32
      %dma_wait3A_422 = tpu.memref_slice %arg2[%dma_wait3A_420, %dma_wait3A_421] : memref<10240x128xf32, #tpu.memory_space<hbm>> -> memref<10240x128xf32, #tpu.memory_space<hbm>>
      tpu.wait_indirect_dma semaphore(%arg15 : memref<!tpu.dma_semaphore, #tpu.memory_space<semaphore_mem>>) src(%dma_wait3A_422 : memref<10240x128xf32, #tpu.memory_space<hbm>>) dst(%arg12 : memref<125x128xf32, #tpu.memory_space<vmem>>)
      %add3A_423 = arith.constant 1 : i32
      %add3A_424 = arith.addi %mul3A_67, %add3A_423 : i32
      %dma_start3A_425 = arith.constant 0 : i32
      %dma_start3A_426 = tpu.memref_slice %arg9[%add3A_424, %dma_start3A_425] : memref<80x125xi32, #tpu.memory_space<vmem>> -> memref<1x125xi32, #tpu.memory_space<vmem>>
      %dma_start3A_427 = tpu.memref_squeeze %dma_start3A_426 : memref<1x125xi32, #tpu.memory_space<vmem>> -> memref<125xi32, #tpu.memory_space<vmem>>
      %dma_start3A_428 = arith.constant 0 : i32
      %dma_start3A_429 = arith.constant 0 : i32
      %dma_start3A_430 = tpu.memref_slice %arg13[%dma_start3A_428, %dma_start3A_429] : memref<5136x128xf32, #tpu.memory_space<vmem_shared>> -> memref<5136x128xf32, #tpu.memory_space<vmem_shared>>
      tpu.enqueue_indirect_dma source(%arg12 : memref<125x128xf32, #tpu.memory_space<vmem>>) target(%dma_start3A_430 : memref<5136x128xf32, #tpu.memory_space<vmem_shared>>) offsets(%dma_start3A_427 : memref<125xi32, #tpu.memory_space<vmem>>) semaphore(%arg17 : memref<!tpu.dma_semaphore, #tpu.memory_space<semaphore_mem>>) {add = true}
      %add3A_431 = arith.constant 0 : i32
      %add3A_432 = arith.addi %mul3A_67, %add3A_431 : i32
      %dma_wait3A_433 = arith.constant 0 : i32
      %dma_wait3A_434 = tpu.memref_slice %arg9[%add3A_432, %dma_wait3A_433] : memref<80x125xi32, #tpu.memory_space<vmem>> -> memref<1x125xi32, #tpu.memory_space<vmem>>
      %dma_wait3A_435 = tpu.memref_squeeze %dma_wait3A_434 : memref<1x125xi32, #tpu.memory_space<vmem>> -> memref<125xi32, #tpu.memory_space<vmem>>
      %dma_wait3A_436 = arith.constant 0 : i32
      %dma_wait3A_437 = arith.constant 0 : i32
      %dma_wait3A_438 = tpu.memref_slice %arg13[%dma_wait3A_436, %dma_wait3A_437] : memref<5136x128xf32, #tpu.memory_space<vmem_shared>> -> memref<5136x128xf32, #tpu.memory_space<vmem_shared>>
      tpu.wait_indirect_dma semaphore(%arg16 : memref<!tpu.dma_semaphore, #tpu.memory_space<semaphore_mem>>) src(%arg11 : memref<125x128xf32, #tpu.memory_space<vmem>>) dst(%dma_wait3A_438 : memref<5136x128xf32, #tpu.memory_space<vmem_shared>>)
      %lt3A_439 = arith.constant 39 : i32
      %lt3A_440 = arith.cmpi slt, %scan3A_65, %lt3A_439 : i32
      %convert_element_type3A = arith.extui %lt3A_440 : i1 to i32
      %cond3A = arith.constant 0 : i32
      %cond3A_441 = arith.cmpi ne, %convert_element_type3A, %cond3A : i32
      scf.if %cond3A_441 {
        %add3A_455 = arith.constant 2 : i32
        %add3A_456 = arith.addi %mul3A_67, %add3A_455 : i32
        %add3A_457 = arith.constant 0 : i32
        %add3A_458 = arith.addi %add3A_456, %add3A_457 : i32
        %dma_start3A_459 = arith.constant 0 : i32
        %dma_start3A_460 = tpu.memref_slice %arg7[%add3A_458, %dma_start3A_459] : memref<80x125xi32, #tpu.memory_space<vmem>> -> memref<1x125xi32, #tpu.memory_space<vmem>>
        %dma_start3A_461 = tpu.memref_squeeze %dma_start3A_460 : memref<1x125xi32, #tpu.memory_space<vmem>> -> memref<125xi32, #tpu.memory_space<vmem>>
        %dma_start3A_462 = arith.constant 0 : i32
        %dma_start3A_463 = arith.constant 0 : i32
        %dma_start3A_464 = tpu.memref_slice %arg2[%dma_start3A_462, %dma_start3A_463] : memref<10240x128xf32, #tpu.memory_space<hbm>> -> memref<10240x128xf32, #tpu.memory_space<hbm>>
        tpu.enqueue_indirect_dma source(%dma_start3A_464 : memref<10240x128xf32, #tpu.memory_space<hbm>>) target(%arg11 : memref<125x128xf32, #tpu.memory_space<vmem>>) offsets(%dma_start3A_461 : memref<125xi32, #tpu.memory_space<vmem>>) semaphore(%arg14 : memref<!tpu.dma_semaphore, #tpu.memory_space<semaphore_mem>>)
      } else {
      }
      %add3A_442 = arith.constant 1 : i32
      %add3A_443 = arith.addi %mul3A_67, %add3A_442 : i32
      %dma_wait3A_444 = arith.constant 0 : i32
      %dma_wait3A_445 = tpu.memref_slice %arg9[%add3A_443, %dma_wait3A_444] : memref<80x125xi32, #tpu.memory_space<vmem>> -> memref<1x125xi32, #tpu.memory_space<vmem>>
      %dma_wait3A_446 = tpu.memref_squeeze %dma_wait3A_445 : memref<1x125xi32, #tpu.memory_space<vmem>> -> memref<125xi32, #tpu.memory_space<vmem>>
      %dma_wait3A_447 = arith.constant 0 : i32
      %dma_wait3A_448 = arith.constant 0 : i32
      %dma_wait3A_449 = tpu.memref_slice %arg13[%dma_wait3A_447, %dma_wait3A_448] : memref<5136x128xf32, #tpu.memory_space<vmem_shared>> -> memref<5136x128xf32, #tpu.memory_space<vmem_shared>>
      tpu.wait_indirect_dma semaphore(%arg17 : memref<!tpu.dma_semaphore, #tpu.memory_space<semaphore_mem>>) src(%arg12 : memref<125x128xf32, #tpu.memory_space<vmem>>) dst(%dma_wait3A_449 : memref<5136x128xf32, #tpu.memory_space<vmem_shared>>)
      %lt3A_450 = arith.constant 39 : i32
      %lt3A_451 = arith.cmpi slt, %scan3A_65, %lt3A_450 : i32
      %convert_element_type3A_452 = arith.extui %lt3A_451 : i1 to i32
      %cond3A_453 = arith.constant 0 : i32
      %cond3A_454 = arith.cmpi ne, %convert_element_type3A_452, %cond3A_453 : i32
      scf.if %cond3A_454 {
        %add3A_455 = arith.constant 2 : i32
        %add3A_456 = arith.addi %mul3A_67, %add3A_455 : i32
        %add3A_457 = arith.constant 1 : i32
        %add3A_458 = arith.addi %add3A_456, %add3A_457 : i32
        %dma_start3A_459 = arith.constant 0 : i32
        %dma_start3A_460 = tpu.memref_slice %arg7[%add3A_458, %dma_start3A_459] : memref<80x125xi32, #tpu.memory_space<vmem>> -> memref<1x125xi32, #tpu.memory_space<vmem>>
        %dma_start3A_461 = tpu.memref_squeeze %dma_start3A_460 : memref<1x125xi32, #tpu.memory_space<vmem>> -> memref<125xi32, #tpu.memory_space<vmem>>
        %dma_start3A_462 = arith.constant 0 : i32
        %dma_start3A_463 = arith.constant 0 : i32
        %dma_start3A_464 = tpu.memref_slice %arg2[%dma_start3A_462, %dma_start3A_463] : memref<10240x128xf32, #tpu.memory_space<hbm>> -> memref<10240x128xf32, #tpu.memory_space<hbm>>
        tpu.enqueue_indirect_dma source(%dma_start3A_464 : memref<10240x128xf32, #tpu.memory_space<hbm>>) target(%arg12 : memref<125x128xf32, #tpu.memory_space<vmem>>) offsets(%dma_start3A_461 : memref<125xi32, #tpu.memory_space<vmem>>) semaphore(%arg15 : memref<!tpu.dma_semaphore, #tpu.memory_space<semaphore_mem>>)
      } else {
      }
    }
    %scan3A_25 = arith.constant 40 : i32
    %barrier3A_26 = arith.constant 0 : index
    tpu.barrier barrier_id(%barrier3A_26)
    %mul3A_27 = arith.constant 320 : i32
    %mul3A_28 = arith.muli %arg1, %mul3A_27 : i32
    %mul3A_29 = arith.constant 320 : i32
    %mul3A_30 = arith.muli %arg1, %mul3A_29 : i32
    %add3A_31 = arith.constant 0 : i32
    %add3A_32 = arith.addi %add3A_31, %mul3A_30 : i32
    "tpu.region"() ({
      %run_scoped3A = tpu.sem_alloc : memref<!tpu.dma_semaphore, #tpu.memory_space<semaphore_mem>>
      %dma_start3A_65 = arith.constant 0 : i32
      %dma_start3A_66 = tpu.memref_slice %arg6[%arg0, %add3A_32, %dma_start3A_65] : memref<2x10240x128xf32, #tpu.memory_space<hbm>> -> memref<1x320x128xf32, #tpu.memory_space<hbm>>
      %dma_start3A_67 = tpu.memref_squeeze %dma_start3A_66 : memref<1x320x128xf32, #tpu.memory_space<hbm>> -> memref<320x128xf32, #tpu.memory_space<hbm>>
      %dma_start3A_68 = arith.constant 0 : i32
      %dma_start3A_69 = tpu.memref_slice %arg13[%mul3A_28, %dma_start3A_68] : memref<5136x128xf32, #tpu.memory_space<vmem_shared>> -> memref<320x128xf32, #tpu.memory_space<vmem_shared>>
      tpu.enqueue_dma source(%dma_start3A_69 : memref<320x128xf32, #tpu.memory_space<vmem_shared>>) target(%dma_start3A_67 : memref<320x128xf32, #tpu.memory_space<hbm>>) target_semaphore(%run_scoped3A : memref<!tpu.dma_semaphore, #tpu.memory_space<semaphore_mem>>)
      %dma_wait3A = arith.constant 0 : i32
      %dma_wait3A_70 = tpu.memref_slice %arg6[%arg0, %add3A_32, %dma_wait3A] : memref<2x10240x128xf32, #tpu.memory_space<hbm>> -> memref<1x320x128xf32, #tpu.memory_space<hbm>>
      %dma_wait3A_71 = tpu.memref_squeeze %dma_wait3A_70 : memref<1x320x128xf32, #tpu.memory_space<hbm>> -> memref<320x128xf32, #tpu.memory_space<hbm>>
      %dma_wait3A_72 = arith.constant 0 : i32
      %dma_wait3A_73 = tpu.memref_slice %arg13[%mul3A_28, %dma_wait3A_72] : memref<5136x128xf32, #tpu.memory_space<vmem_shared>> -> memref<320x128xf32, #tpu.memory_space<vmem_shared>>
      tpu.wait_dma2 semaphore(%run_scoped3A : memref<!tpu.dma_semaphore, #tpu.memory_space<semaphore_mem>>) src(%dma_wait3A_73 : memref<320x128xf32, #tpu.memory_space<vmem_shared>>) dst(%dma_wait3A_71 : memref<320x128xf32, #tpu.memory_space<hbm>>)
      tpu.yield
    }) : () -> ()
    %barrier3A_33 = arith.constant 0 : index
    tpu.barrier barrier_id(%barrier3A_33)
    %mul3A_34 = arith.constant 321 : i32
    %mul3A_35 = arith.muli %arg1, %mul3A_34 : i32
    "tpu.region"() ({
      %run_scoped3A = tpu.sem_alloc : memref<!tpu.dma_semaphore, #tpu.memory_space<semaphore_mem>>
      %dma_start3A_65 = arith.constant 0 : i32
      %dma_start3A_66 = tpu.memref_slice %arg13[%mul3A_35, %dma_start3A_65] : memref<5136x128xf32, #tpu.memory_space<vmem_shared>> -> memref<321x128xf32, #tpu.memory_space<vmem_shared>>
      tpu.enqueue_dma source(%arg5 : memref<321x128xf32, #tpu.memory_space<hbm>>) target(%dma_start3A_66 : memref<321x128xf32, #tpu.memory_space<vmem_shared>>) target_semaphore(%run_scoped3A : memref<!tpu.dma_semaphore, #tpu.memory_space<semaphore_mem>>)
      %dma_wait3A = arith.constant 0 : i32
      %dma_wait3A_67 = tpu.memref_slice %arg13[%mul3A_35, %dma_wait3A] : memref<5136x128xf32, #tpu.memory_space<vmem_shared>> -> memref<321x128xf32, #tpu.memory_space<vmem_shared>>
      tpu.wait_dma2 semaphore(%run_scoped3A : memref<!tpu.dma_semaphore, #tpu.memory_space<semaphore_mem>>) src(%arg5 : memref<321x128xf32, #tpu.memory_space<hbm>>) dst(%dma_wait3A_67 : memref<321x128xf32, #tpu.memory_space<vmem_shared>>)
      tpu.yield
    }) : () -> ()
    %barrier3A_36 = arith.constant 0 : index
    tpu.barrier barrier_id(%barrier3A_36)
    %dma_start3A_37 = arith.constant 0 : i32
    %dma_start3A_38 = arith.constant 0 : i32
    %dma_start3A_39 = tpu.memref_slice %arg7[%dma_start3A_37, %dma_start3A_38] : memref<80x125xi32, #tpu.memory_space<vmem>> -> memref<1x125xi32, #tpu.memory_space<vmem>>
    %dma_start3A_40 = tpu.memref_squeeze %dma_start3A_39 : memref<1x125xi32, #tpu.memory_space<vmem>> -> memref<125xi32, #tpu.memory_space<vmem>>
    %dma_start3A_41 = arith.constant 0 : i32
    %dma_start3A_42 = arith.constant 0 : i32
    %dma_start3A_43 = tpu.memref_slice %arg2[%dma_start3A_41, %dma_start3A_42] : memref<10240x128xf32, #tpu.memory_space<hbm>> -> memref<10240x128xf32, #tpu.memory_space<hbm>>
    tpu.enqueue_indirect_dma source(%dma_start3A_43 : memref<10240x128xf32, #tpu.memory_space<hbm>>) target(%arg11 : memref<125x128xf32, #tpu.memory_space<vmem>>) offsets(%dma_start3A_40 : memref<125xi32, #tpu.memory_space<vmem>>) semaphore(%arg14 : memref<!tpu.dma_semaphore, #tpu.memory_space<semaphore_mem>>)
    %dma_start3A_44 = arith.constant 1 : i32
    %dma_start3A_45 = arith.constant 0 : i32
    %dma_start3A_46 = tpu.memref_slice %arg7[%dma_start3A_44, %dma_start3A_45] : memref<80x125xi32, #tpu.memory_space<vmem>> -> memref<1x125xi32, #tpu.memory_space<vmem>>
    %dma_start3A_47 = tpu.memref_squeeze %dma_start3A_46 : memref<1x125xi32, #tpu.memory_space<vmem>> -> memref<125xi32, #tpu.memory_space<vmem>>
    %dma_start3A_48 = arith.constant 0 : i32
    %dma_start3A_49 = arith.constant 0 : i32
    %dma_start3A_50 = tpu.memref_slice %arg2[%dma_start3A_48, %dma_start3A_49] : memref<10240x128xf32, #tpu.memory_space<hbm>> -> memref<10240x128xf32, #tpu.memory_space<hbm>>
    tpu.enqueue_indirect_dma source(%dma_start3A_50 : memref<10240x128xf32, #tpu.memory_space<hbm>>) target(%arg12 : memref<125x128xf32, #tpu.memory_space<vmem>>) offsets(%dma_start3A_47 : memref<125xi32, #tpu.memory_space<vmem>>) semaphore(%arg15 : memref<!tpu.dma_semaphore, #tpu.memory_space<semaphore_mem>>)
    %scan3A_51 = arith.constant 0 : i32
    %scan3A_52 = arith.constant 0 : i32
    %scan3A_53 = arith.constant 40 : i32
    %scan3A_54 = arith.addi %scan3A_52, %scan3A_53 : i32
    %scan3A_55 = arith.constant 1 : i32
    scf.for %scan3A_65 = %scan3A_52 to %scan3A_54 step %scan3A_55  : i32 {
      %mul3A_66 = arith.constant 2 : i32
      %mul3A_67 = arith.muli %mul3A_66, %scan3A_65 : i32
      %add3A_68 = arith.constant 0 : i32
      %add3A_69 = arith.addi %mul3A_67, %add3A_68 : i32
      %dma_wait3A = arith.constant 0 : i32
      %dma_wait3A_70 = tpu.memref_slice %arg7[%add3A_69, %dma_wait3A] : memref<80x125xi32, #tpu.memory_space<vmem>> -> memref<1x125xi32, #tpu.memory_space<vmem>>
      %dma_wait3A_71 = tpu.memref_squeeze %dma_wait3A_70 : memref<1x125xi32, #tpu.memory_space<vmem>> -> memref<125xi32, #tpu.memory_space<vmem>>
      %dma_wait3A_72 = arith.constant 0 : i32
      %dma_wait3A_73 = arith.constant 0 : i32
      %dma_wait3A_74 = tpu.memref_slice %arg2[%dma_wait3A_72, %dma_wait3A_73] : memref<10240x128xf32, #tpu.memory_space<hbm>> -> memref<10240x128xf32, #tpu.memory_space<hbm>>
      tpu.wait_indirect_dma semaphore(%arg14 : memref<!tpu.dma_semaphore, #tpu.memory_space<semaphore_mem>>) src(%dma_wait3A_74 : memref<10240x128xf32, #tpu.memory_space<hbm>>) dst(%arg11 : memref<125x128xf32, #tpu.memory_space<vmem>>)
      %add3A_75 = arith.constant 0 : i32
      %add3A_76 = arith.addi %mul3A_67, %add3A_75 : i32
      %dma_start3A_77 = arith.constant 0 : i32
      %dma_start3A_78 = tpu.memref_slice %arg10[%add3A_76, %dma_start3A_77] : memref<80x125xi32, #tpu.memory_space<vmem>> -> memref<1x125xi32, #tpu.memory_space<vmem>>
      %dma_start3A_79 = tpu.memref_squeeze %dma_start3A_78 : memref<1x125xi32, #tpu.memory_space<vmem>> -> memref<125xi32, #tpu.memory_space<vmem>>
      %dma_start3A_80 = arith.constant 0 : i32
      %dma_start3A_81 = arith.constant 0 : i32
      %dma_start3A_82 = tpu.memref_slice %arg13[%dma_start3A_80, %dma_start3A_81] : memref<5136x128xf32, #tpu.memory_space<vmem_shared>> -> memref<5136x128xf32, #tpu.memory_space<vmem_shared>>
      tpu.enqueue_indirect_dma source(%arg11 : memref<125x128xf32, #tpu.memory_space<vmem>>) target(%dma_start3A_82 : memref<5136x128xf32, #tpu.memory_space<vmem_shared>>) offsets(%dma_start3A_79 : memref<125xi32, #tpu.memory_space<vmem>>) semaphore(%arg16 : memref<!tpu.dma_semaphore, #tpu.memory_space<semaphore_mem>>) {add = true}
      %add3A_83 = arith.constant 1 : i32
      %add3A_84 = arith.addi %mul3A_67, %add3A_83 : i32
      %dma_wait3A_85 = arith.constant 0 : i32
      %dma_wait3A_86 = tpu.memref_slice %arg7[%add3A_84, %dma_wait3A_85] : memref<80x125xi32, #tpu.memory_space<vmem>> -> memref<1x125xi32, #tpu.memory_space<vmem>>
      %dma_wait3A_87 = tpu.memref_squeeze %dma_wait3A_86 : memref<1x125xi32, #tpu.memory_space<vmem>> -> memref<125xi32, #tpu.memory_space<vmem>>
      %dma_wait3A_88 = arith.constant 0 : i32
      %dma_wait3A_89 = arith.constant 0 : i32
      %dma_wait3A_90 = tpu.memref_slice %arg2[%dma_wait3A_88, %dma_wait3A_89] : memref<10240x128xf32, #tpu.memory_space<hbm>> -> memref<10240x128xf32, #tpu.memory_space<hbm>>
      tpu.wait_indirect_dma semaphore(%arg15 : memref<!tpu.dma_semaphore, #tpu.memory_space<semaphore_mem>>) src(%dma_wait3A_90 : memref<10240x128xf32, #tpu.memory_space<hbm>>) dst(%arg12 : memref<125x128xf32, #tpu.memory_space<vmem>>)
      %add3A_91 = arith.constant 1 : i32
      %add3A_92 = arith.addi %mul3A_67, %add3A_91 : i32
      %dma_start3A_93 = arith.constant 0 : i32
      %dma_start3A_94 = tpu.memref_slice %arg10[%add3A_92, %dma_start3A_93] : memref<80x125xi32, #tpu.memory_space<vmem>> -> memref<1x125xi32, #tpu.memory_space<vmem>>
      %dma_start3A_95 = tpu.memref_squeeze %dma_start3A_94 : memref<1x125xi32, #tpu.memory_space<vmem>> -> memref<125xi32, #tpu.memory_space<vmem>>
      %dma_start3A_96 = arith.constant 0 : i32
      %dma_start3A_97 = arith.constant 0 : i32
      %dma_start3A_98 = tpu.memref_slice %arg13[%dma_start3A_96, %dma_start3A_97] : memref<5136x128xf32, #tpu.memory_space<vmem_shared>> -> memref<5136x128xf32, #tpu.memory_space<vmem_shared>>
      tpu.enqueue_indirect_dma source(%arg12 : memref<125x128xf32, #tpu.memory_space<vmem>>) target(%dma_start3A_98 : memref<5136x128xf32, #tpu.memory_space<vmem_shared>>) offsets(%dma_start3A_95 : memref<125xi32, #tpu.memory_space<vmem>>) semaphore(%arg17 : memref<!tpu.dma_semaphore, #tpu.memory_space<semaphore_mem>>) {add = true}
      %add3A_99 = arith.constant 0 : i32
      %add3A_100 = arith.addi %mul3A_67, %add3A_99 : i32
      %dma_wait3A_101 = arith.constant 0 : i32
      %dma_wait3A_102 = tpu.memref_slice %arg10[%add3A_100, %dma_wait3A_101] : memref<80x125xi32, #tpu.memory_space<vmem>> -> memref<1x125xi32, #tpu.memory_space<vmem>>
      %dma_wait3A_103 = tpu.memref_squeeze %dma_wait3A_102 : memref<1x125xi32, #tpu.memory_space<vmem>> -> memref<125xi32, #tpu.memory_space<vmem>>
      %dma_wait3A_104 = arith.constant 0 : i32
      %dma_wait3A_105 = arith.constant 0 : i32
      %dma_wait3A_106 = tpu.memref_slice %arg13[%dma_wait3A_104, %dma_wait3A_105] : memref<5136x128xf32, #tpu.memory_space<vmem_shared>> -> memref<5136x128xf32, #tpu.memory_space<vmem_shared>>
      tpu.wait_indirect_dma semaphore(%arg16 : memref<!tpu.dma_semaphore, #tpu.memory_space<semaphore_mem>>) src(%arg11 : memref<125x128xf32, #tpu.memory_space<vmem>>) dst(%dma_wait3A_106 : memref<5136x128xf32, #tpu.memory_space<vmem_shared>>)
      %lt3A = arith.constant 39 : i32
      %lt3A_107 = arith.cmpi slt, %scan3A_65, %lt3A : i32
      %convert_element_type3A = arith.extui %lt3A_107 : i1 to i32
      %cond3A = arith.constant 0 : i32
      %cond3A_108 = arith.cmpi ne, %convert_element_type3A, %cond3A : i32
      scf.if %cond3A_108 {
        %add3A_122 = arith.constant 2 : i32
        %add3A_123 = arith.addi %mul3A_67, %add3A_122 : i32
        %add3A_124 = arith.constant 0 : i32
        %add3A_125 = arith.addi %add3A_123, %add3A_124 : i32
        %dma_start3A_126 = arith.constant 0 : i32
        %dma_start3A_127 = tpu.memref_slice %arg7[%add3A_125, %dma_start3A_126] : memref<80x125xi32, #tpu.memory_space<vmem>> -> memref<1x125xi32, #tpu.memory_space<vmem>>
        %dma_start3A_128 = tpu.memref_squeeze %dma_start3A_127 : memref<1x125xi32, #tpu.memory_space<vmem>> -> memref<125xi32, #tpu.memory_space<vmem>>
        %dma_start3A_129 = arith.constant 0 : i32
        %dma_start3A_130 = arith.constant 0 : i32
        %dma_start3A_131 = tpu.memref_slice %arg2[%dma_start3A_129, %dma_start3A_130] : memref<10240x128xf32, #tpu.memory_space<hbm>> -> memref<10240x128xf32, #tpu.memory_space<hbm>>
        tpu.enqueue_indirect_dma source(%dma_start3A_131 : memref<10240x128xf32, #tpu.memory_space<hbm>>) target(%arg11 : memref<125x128xf32, #tpu.memory_space<vmem>>) offsets(%dma_start3A_128 : memref<125xi32, #tpu.memory_space<vmem>>) semaphore(%arg14 : memref<!tpu.dma_semaphore, #tpu.memory_space<semaphore_mem>>)
      } else {
      }
      %add3A_109 = arith.constant 1 : i32
      %add3A_110 = arith.addi %mul3A_67, %add3A_109 : i32
      %dma_wait3A_111 = arith.constant 0 : i32
      %dma_wait3A_112 = tpu.memref_slice %arg10[%add3A_110, %dma_wait3A_111] : memref<80x125xi32, #tpu.memory_space<vmem>> -> memref<1x125xi32, #tpu.memory_space<vmem>>
      %dma_wait3A_113 = tpu.memref_squeeze %dma_wait3A_112 : memref<1x125xi32, #tpu.memory_space<vmem>> -> memref<125xi32, #tpu.memory_space<vmem>>
      %dma_wait3A_114 = arith.constant 0 : i32
      %dma_wait3A_115 = arith.constant 0 : i32
      %dma_wait3A_116 = tpu.memref_slice %arg13[%dma_wait3A_114, %dma_wait3A_115] : memref<5136x128xf32, #tpu.memory_space<vmem_shared>> -> memref<5136x128xf32, #tpu.memory_space<vmem_shared>>
      tpu.wait_indirect_dma semaphore(%arg17 : memref<!tpu.dma_semaphore, #tpu.memory_space<semaphore_mem>>) src(%arg12 : memref<125x128xf32, #tpu.memory_space<vmem>>) dst(%dma_wait3A_116 : memref<5136x128xf32, #tpu.memory_space<vmem_shared>>)
      %lt3A_117 = arith.constant 39 : i32
      %lt3A_118 = arith.cmpi slt, %scan3A_65, %lt3A_117 : i32
      %convert_element_type3A_119 = arith.extui %lt3A_118 : i1 to i32
      %cond3A_120 = arith.constant 0 : i32
      %cond3A_121 = arith.cmpi ne, %convert_element_type3A_119, %cond3A_120 : i32
      scf.if %cond3A_121 {
        %add3A_122 = arith.constant 2 : i32
        %add3A_123 = arith.addi %mul3A_67, %add3A_122 : i32
        %add3A_124 = arith.constant 1 : i32
        %add3A_125 = arith.addi %add3A_123, %add3A_124 : i32
        %dma_start3A_126 = arith.constant 0 : i32
        %dma_start3A_127 = tpu.memref_slice %arg7[%add3A_125, %dma_start3A_126] : memref<80x125xi32, #tpu.memory_space<vmem>> -> memref<1x125xi32, #tpu.memory_space<vmem>>
        %dma_start3A_128 = tpu.memref_squeeze %dma_start3A_127 : memref<1x125xi32, #tpu.memory_space<vmem>> -> memref<125xi32, #tpu.memory_space<vmem>>
        %dma_start3A_129 = arith.constant 0 : i32
        %dma_start3A_130 = arith.constant 0 : i32
        %dma_start3A_131 = tpu.memref_slice %arg2[%dma_start3A_129, %dma_start3A_130] : memref<10240x128xf32, #tpu.memory_space<hbm>> -> memref<10240x128xf32, #tpu.memory_space<hbm>>
        tpu.enqueue_indirect_dma source(%dma_start3A_131 : memref<10240x128xf32, #tpu.memory_space<hbm>>) target(%arg12 : memref<125x128xf32, #tpu.memory_space<vmem>>) offsets(%dma_start3A_128 : memref<125xi32, #tpu.memory_space<vmem>>) semaphore(%arg15 : memref<!tpu.dma_semaphore, #tpu.memory_space<semaphore_mem>>)
      } else {
      }
    }
    %scan3A_56 = arith.constant 40 : i32
    %barrier3A_57 = arith.constant 0 : index
    tpu.barrier barrier_id(%barrier3A_57)
    %mul3A_58 = arith.constant 320 : i32
    %mul3A_59 = arith.muli %arg1, %mul3A_58 : i32
    %mul3A_60 = arith.constant 320 : i32
    %mul3A_61 = arith.muli %arg1, %mul3A_60 : i32
    %add3A_62 = arith.constant 5120 : i32
    %add3A_63 = arith.addi %add3A_62, %mul3A_61 : i32
    "tpu.region"() ({
      %run_scoped3A = tpu.sem_alloc : memref<!tpu.dma_semaphore, #tpu.memory_space<semaphore_mem>>
      %dma_start3A_65 = arith.constant 0 : i32
      %dma_start3A_66 = tpu.memref_slice %arg6[%arg0, %add3A_63, %dma_start3A_65] : memref<2x10240x128xf32, #tpu.memory_space<hbm>> -> memref<1x320x128xf32, #tpu.memory_space<hbm>>
      %dma_start3A_67 = tpu.memref_squeeze %dma_start3A_66 : memref<1x320x128xf32, #tpu.memory_space<hbm>> -> memref<320x128xf32, #tpu.memory_space<hbm>>
      %dma_start3A_68 = arith.constant 0 : i32
      %dma_start3A_69 = tpu.memref_slice %arg13[%mul3A_59, %dma_start3A_68] : memref<5136x128xf32, #tpu.memory_space<vmem_shared>> -> memref<320x128xf32, #tpu.memory_space<vmem_shared>>
      tpu.enqueue_dma source(%dma_start3A_69 : memref<320x128xf32, #tpu.memory_space<vmem_shared>>) target(%dma_start3A_67 : memref<320x128xf32, #tpu.memory_space<hbm>>) target_semaphore(%run_scoped3A : memref<!tpu.dma_semaphore, #tpu.memory_space<semaphore_mem>>)
      %dma_wait3A = arith.constant 0 : i32
      %dma_wait3A_70 = tpu.memref_slice %arg6[%arg0, %add3A_63, %dma_wait3A] : memref<2x10240x128xf32, #tpu.memory_space<hbm>> -> memref<1x320x128xf32, #tpu.memory_space<hbm>>
      %dma_wait3A_71 = tpu.memref_squeeze %dma_wait3A_70 : memref<1x320x128xf32, #tpu.memory_space<hbm>> -> memref<320x128xf32, #tpu.memory_space<hbm>>
      %dma_wait3A_72 = arith.constant 0 : i32
      %dma_wait3A_73 = tpu.memref_slice %arg13[%mul3A_59, %dma_wait3A_72] : memref<5136x128xf32, #tpu.memory_space<vmem_shared>> -> memref<320x128xf32, #tpu.memory_space<vmem_shared>>
      tpu.wait_dma2 semaphore(%run_scoped3A : memref<!tpu.dma_semaphore, #tpu.memory_space<semaphore_mem>>) src(%dma_wait3A_73 : memref<320x128xf32, #tpu.memory_space<vmem_shared>>) dst(%dma_wait3A_71 : memref<320x128xf32, #tpu.memory_space<hbm>>)
      tpu.yield
    }) : () -> ()
    %barrier3A_64 = arith.constant 0 : index
    tpu.barrier barrier_id(%barrier3A_64)
    return
  }
}

#map = affine_map<(d0, d1) -> (0, 0, 0, 0)>
#map1 = affine_map<(d0, d1) -> (0)>
#map2 = affine_map<(d0, d1) -> (0, 0)>
module attributes {stable_mosaic.version = 14 : i64} {
  func.func @_deg_kernel(%arg0: i32, %arg1: i32, %arg2: memref<2x16x80x125xi32, #tpu.memory_space<hbm>>, %arg3: memref<125xf32, #tpu.memory_space<hbm>>, %arg4: memref<1x640xf32, #tpu.memory_space<hbm>>, %arg5: memref<2x10240xf32, #tpu.memory_space<hbm>>, %arg6: memref<80x125xi32, #tpu.memory_space<vmem>>, %arg7: memref<125xf32, #tpu.memory_space<vmem>>, %arg8: memref<10240xf32, #tpu.memory_space<vmem_shared>>) attributes {dimension_semantics = [#tpu.dimension_semantics<core_parallel>, #tpu.dimension_semantics<subcore_parallel>], iteration_bounds = array<i64: 2, 16>, scalar_prefetch = 0 : i64, scratch_operands = 3 : i64, tpu.core_type = #tpu.core_type<sc_vector_subcore>, window_params = [{transform_indices = #map}, {transform_indices = #map1}, {transform_indices = #map2}, {transform_indices = #map2}]} {
    "tpu.region"() ({
      %run_scoped3A_11 = tpu.sem_alloc : memref<!tpu.dma_semaphore, #tpu.memory_space<semaphore_mem>>
      %dma_start3A = arith.constant 0 : i32
      %dma_start3A_12 = arith.constant 0 : i32
      %dma_start3A_13 = tpu.memref_slice %arg2[%arg0, %arg1, %dma_start3A, %dma_start3A_12] : memref<2x16x80x125xi32, #tpu.memory_space<hbm>> -> memref<1x1x80x125xi32, #tpu.memory_space<hbm>>
      %dma_start3A_14 = tpu.memref_squeeze %dma_start3A_13 : memref<1x1x80x125xi32, #tpu.memory_space<hbm>> -> memref<80x125xi32, #tpu.memory_space<hbm>>
      %dma_start3A_15 = arith.constant 0 : i32
      %dma_start3A_16 = arith.constant 0 : i32
      %dma_start3A_17 = tpu.memref_slice %arg2[%arg0, %arg1, %dma_start3A_15, %dma_start3A_16] : memref<2x16x80x125xi32, #tpu.memory_space<hbm>> -> memref<1x1x80x125xi32, #tpu.memory_space<hbm>>
      %dma_start3A_18 = tpu.memref_squeeze %dma_start3A_17 : memref<1x1x80x125xi32, #tpu.memory_space<hbm>> -> memref<80x125xi32, #tpu.memory_space<hbm>>
      tpu.enqueue_dma source(%dma_start3A_18 : memref<80x125xi32, #tpu.memory_space<hbm>>) target(%arg6 : memref<80x125xi32, #tpu.memory_space<vmem>>) target_semaphore(%run_scoped3A_11 : memref<!tpu.dma_semaphore, #tpu.memory_space<semaphore_mem>>)
      %dma_wait3A = arith.constant 0 : i32
      %dma_wait3A_19 = arith.constant 0 : i32
      %dma_wait3A_20 = tpu.memref_slice %arg2[%arg0, %arg1, %dma_wait3A, %dma_wait3A_19] : memref<2x16x80x125xi32, #tpu.memory_space<hbm>> -> memref<1x1x80x125xi32, #tpu.memory_space<hbm>>
      %dma_wait3A_21 = tpu.memref_squeeze %dma_wait3A_20 : memref<1x1x80x125xi32, #tpu.memory_space<hbm>> -> memref<80x125xi32, #tpu.memory_space<hbm>>
      %dma_wait3A_22 = arith.constant 0 : i32
      %dma_wait3A_23 = arith.constant 0 : i32
      %dma_wait3A_24 = tpu.memref_slice %arg2[%arg0, %arg1, %dma_wait3A_22, %dma_wait3A_23] : memref<2x16x80x125xi32, #tpu.memory_space<hbm>> -> memref<1x1x80x125xi32, #tpu.memory_space<hbm>>
      %dma_wait3A_25 = tpu.memref_squeeze %dma_wait3A_24 : memref<1x1x80x125xi32, #tpu.memory_space<hbm>> -> memref<80x125xi32, #tpu.memory_space<hbm>>
      tpu.wait_dma2 semaphore(%run_scoped3A_11 : memref<!tpu.dma_semaphore, #tpu.memory_space<semaphore_mem>>) src(%dma_wait3A_25 : memref<80x125xi32, #tpu.memory_space<hbm>>) dst(%arg6 : memref<80x125xi32, #tpu.memory_space<vmem>>)
      tpu.yield
    }) : () -> ()
    "tpu.region"() ({
      %run_scoped3A_11 = tpu.sem_alloc : memref<!tpu.dma_semaphore, #tpu.memory_space<semaphore_mem>>
      tpu.enqueue_dma source(%arg3 : memref<125xf32, #tpu.memory_space<hbm>>) target(%arg7 : memref<125xf32, #tpu.memory_space<vmem>>) target_semaphore(%run_scoped3A_11 : memref<!tpu.dma_semaphore, #tpu.memory_space<semaphore_mem>>)
      tpu.wait_dma2 semaphore(%run_scoped3A_11 : memref<!tpu.dma_semaphore, #tpu.memory_space<semaphore_mem>>) src(%arg3 : memref<125xf32, #tpu.memory_space<hbm>>) dst(%arg7 : memref<125xf32, #tpu.memory_space<vmem>>)
      tpu.yield
    }) : () -> ()
    %mul3A = arith.constant 640 : i32
    %mul3A_0 = arith.muli %arg1, %mul3A : i32
    %run_scoped3A = arith.constant 0 : i32
    "tpu.region"() ({
      %run_scoped3A_11 = tpu.sem_alloc : memref<!tpu.dma_semaphore, #tpu.memory_space<semaphore_mem>>
      %dma_start3A = tpu.memref_slice %arg8[%mul3A_0] : memref<10240xf32, #tpu.memory_space<vmem_shared>> -> memref<640xf32, #tpu.memory_space<vmem_shared>>
      %dma_start3A_12 = arith.constant 0 : i32
      %dma_start3A_13 = tpu.memref_slice %arg4[%run_scoped3A, %dma_start3A_12] : memref<1x640xf32, #tpu.memory_space<hbm>> -> memref<1x640xf32, #tpu.memory_space<hbm>>
      %dma_start3A_14 = tpu.memref_squeeze %dma_start3A_13 : memref<1x640xf32, #tpu.memory_space<hbm>> -> memref<640xf32, #tpu.memory_space<hbm>>
      tpu.enqueue_dma source(%dma_start3A_14 : memref<640xf32, #tpu.memory_space<hbm>>) target(%dma_start3A : memref<640xf32, #tpu.memory_space<vmem_shared>>) target_semaphore(%run_scoped3A_11 : memref<!tpu.dma_semaphore, #tpu.memory_space<semaphore_mem>>)
      %dma_wait3A = tpu.memref_slice %arg8[%mul3A_0] : memref<10240xf32, #tpu.memory_space<vmem_shared>> -> memref<640xf32, #tpu.memory_space<vmem_shared>>
      %dma_wait3A_15 = arith.constant 0 : i32
      %dma_wait3A_16 = tpu.memref_slice %arg4[%run_scoped3A, %dma_wait3A_15] : memref<1x640xf32, #tpu.memory_space<hbm>> -> memref<1x640xf32, #tpu.memory_space<hbm>>
      %dma_wait3A_17 = tpu.memref_squeeze %dma_wait3A_16 : memref<1x640xf32, #tpu.memory_space<hbm>> -> memref<640xf32, #tpu.memory_space<hbm>>
      tpu.wait_dma2 semaphore(%run_scoped3A_11 : memref<!tpu.dma_semaphore, #tpu.memory_space<semaphore_mem>>) src(%dma_wait3A_17 : memref<640xf32, #tpu.memory_space<hbm>>) dst(%dma_wait3A : memref<640xf32, #tpu.memory_space<vmem_shared>>)
      tpu.yield
    }) : () -> ()
    %barrier3A = arith.constant 0 : index
    tpu.barrier barrier_id(%barrier3A)
    %scan3A = arith.constant 0 : i32
    %scan3A_1 = arith.constant 0 : i32
    %scan3A_2 = arith.constant 80 : i32
    %scan3A_3 = arith.addi %scan3A_1, %scan3A_2 : i32
    %scan3A_4 = arith.constant 1 : i32
    scf.for %scan3A_11 = %scan3A_1 to %scan3A_3 step %scan3A_4  : i32 {
      "tpu.region"() ({
        %run_scoped3A_12 = tpu.sem_alloc : memref<!tpu.dma_semaphore, #tpu.memory_space<semaphore_mem>>
        %dma_start3A = arith.constant 0 : i32
        %dma_start3A_13 = tpu.memref_slice %arg6[%scan3A_11, %dma_start3A] : memref<80x125xi32, #tpu.memory_space<vmem>> -> memref<1x125xi32, #tpu.memory_space<vmem>>
        %dma_start3A_14 = tpu.memref_squeeze %dma_start3A_13 : memref<1x125xi32, #tpu.memory_space<vmem>> -> memref<125xi32, #tpu.memory_space<vmem>>
        %dma_start3A_15 = arith.constant 0 : i32
        %dma_start3A_16 = tpu.memref_slice %arg8[%dma_start3A_15] : memref<10240xf32, #tpu.memory_space<vmem_shared>> -> memref<10240xf32, #tpu.memory_space<vmem_shared>>
        tpu.enqueue_indirect_dma source(%arg7 : memref<125xf32, #tpu.memory_space<vmem>>) target(%dma_start3A_16 : memref<10240xf32, #tpu.memory_space<vmem_shared>>) offsets(%dma_start3A_14 : memref<125xi32, #tpu.memory_space<vmem>>) semaphore(%run_scoped3A_12 : memref<!tpu.dma_semaphore, #tpu.memory_space<semaphore_mem>>) {add = true}
        %dma_wait3A = arith.constant 0 : i32
        %dma_wait3A_17 = tpu.memref_slice %arg6[%scan3A_11, %dma_wait3A] : memref<80x125xi32, #tpu.memory_space<vmem>> -> memref<1x125xi32, #tpu.memory_space<vmem>>
        %dma_wait3A_18 = tpu.memref_squeeze %dma_wait3A_17 : memref<1x125xi32, #tpu.memory_space<vmem>> -> memref<125xi32, #tpu.memory_space<vmem>>
        %dma_wait3A_19 = arith.constant 0 : i32
        %dma_wait3A_20 = tpu.memref_slice %arg8[%dma_wait3A_19] : memref<10240xf32, #tpu.memory_space<vmem_shared>> -> memref<10240xf32, #tpu.memory_space<vmem_shared>>
        tpu.wait_indirect_dma semaphore(%run_scoped3A_12 : memref<!tpu.dma_semaphore, #tpu.memory_space<semaphore_mem>>) src(%arg7 : memref<125xf32, #tpu.memory_space<vmem>>) dst(%dma_wait3A_20 : memref<10240xf32, #tpu.memory_space<vmem_shared>>)
        tpu.yield
      }) : () -> ()
    }
    %scan3A_5 = arith.constant 80 : i32
    %barrier3A_6 = arith.constant 0 : index
    tpu.barrier barrier_id(%barrier3A_6)
    %mul3A_7 = arith.constant 640 : i32
    %mul3A_8 = arith.muli %arg1, %mul3A_7 : i32
    %mul3A_9 = arith.constant 640 : i32
    %mul3A_10 = arith.muli %arg1, %mul3A_9 : i32
    "tpu.region"() ({
      %run_scoped3A_11 = tpu.sem_alloc : memref<!tpu.dma_semaphore, #tpu.memory_space<semaphore_mem>>
      %dma_start3A = tpu.memref_slice %arg5[%arg0, %mul3A_10] : memref<2x10240xf32, #tpu.memory_space<hbm>> -> memref<1x640xf32, #tpu.memory_space<hbm>>
      %dma_start3A_12 = tpu.memref_squeeze %dma_start3A : memref<1x640xf32, #tpu.memory_space<hbm>> -> memref<640xf32, #tpu.memory_space<hbm>>
      %dma_start3A_13 = tpu.memref_slice %arg8[%mul3A_8] : memref<10240xf32, #tpu.memory_space<vmem_shared>> -> memref<640xf32, #tpu.memory_space<vmem_shared>>
      tpu.enqueue_dma source(%dma_start3A_13 : memref<640xf32, #tpu.memory_space<vmem_shared>>) target(%dma_start3A_12 : memref<640xf32, #tpu.memory_space<hbm>>) target_semaphore(%run_scoped3A_11 : memref<!tpu.dma_semaphore, #tpu.memory_space<semaphore_mem>>)
      %dma_wait3A = tpu.memref_slice %arg5[%arg0, %mul3A_10] : memref<2x10240xf32, #tpu.memory_space<hbm>> -> memref<1x640xf32, #tpu.memory_space<hbm>>
      %dma_wait3A_14 = tpu.memref_squeeze %dma_wait3A : memref<1x640xf32, #tpu.memory_space<hbm>> -> memref<640xf32, #tpu.memory_space<hbm>>
      %dma_wait3A_15 = tpu.memref_slice %arg8[%mul3A_8] : memref<10240xf32, #tpu.memory_space<vmem_shared>> -> memref<640xf32, #tpu.memory_space<vmem_shared>>
      tpu.wait_dma2 semaphore(%run_scoped3A_11 : memref<!tpu.dma_semaphore, #tpu.memory_space<semaphore_mem>>) src(%dma_wait3A_15 : memref<640xf32, #tpu.memory_space<vmem_shared>>) dst(%dma_wait3A_14 : memref<640xf32, #tpu.memory_space<hbm>>)
      tpu.yield
    }) : () -> ()
    return
  }
}

#map = affine_map<(d0, d1) -> (0, 0)>
#map1 = affine_map<(d0, d1) -> (0, 0, 0, 0)>
#map2 = affine_map<(d0, d1) -> (0, 0, 0)>
module attributes {stable_mosaic.version = 14 : i64} {
  func.func @_msg_kernel(%arg0: i32, %arg1: i32, %arg2: memref<10240x128xf32, #tpu.memory_space<hbm>>, %arg3: memref<2x16x80x125xi32, #tpu.memory_space<hbm>>, %arg4: memref<2x16x80x125xi32, #tpu.memory_space<hbm>>, %arg5: memref<321x128xf32, #tpu.memory_space<hbm>>, %arg6: memref<2x10240x128xf32, #tpu.memory_space<hbm>>, %arg7: memref<80x125xi32, #tpu.memory_space<vmem>>, %arg8: memref<80x125xi32, #tpu.memory_space<vmem>>, %arg9: memref<80x125xi32, #tpu.memory_space<vmem>>, %arg10: memref<80x125xi32, #tpu.memory_space<vmem>>, %arg11: memref<125x128xf32, #tpu.memory_space<vmem>>, %arg12: memref<125x128xf32, #tpu.memory_space<vmem>>, %arg13: memref<5136x128xf32, #tpu.memory_space<vmem_shared>>, %arg14: memref<!tpu.dma_semaphore, #tpu.memory_space<semaphore_mem>>, %arg15: memref<!tpu.dma_semaphore, #tpu.memory_space<semaphore_mem>>, %arg16: memref<!tpu.dma_semaphore, #tpu.memory_space<semaphore_mem>>, %arg17: memref<!tpu.dma_semaphore, #tpu.memory_space<semaphore_mem>>) attributes {dimension_semantics = [#tpu.dimension_semantics<core_parallel>, #tpu.dimension_semantics<subcore_parallel>], iteration_bounds = array<i64: 2, 16>, scalar_prefetch = 0 : i64, scratch_operands = 11 : i64, tpu.core_type = #tpu.core_type<sc_vector_subcore>, window_params = [{transform_indices = #map}, {transform_indices = #map1}, {transform_indices = #map1}, {transform_indices = #map}, {transform_indices = #map2}]} {
    %add3A = arith.constant 5120 : i32
    %add3A_0 = arith.addi %add3A, %arg1 : i32
    "tpu.region"() ({
      %run_scoped3A = tpu.sem_alloc : memref<!tpu.dma_semaphore, #tpu.memory_space<semaphore_mem>>
      %dma_start3A_65 = arith.constant 0 : i32
      %dma_start3A_66 = arith.constant 0 : i32
      %dma_start3A_67 = tpu.memref_slice %arg3[%arg0, %arg1, %dma_start3A_65, %dma_start3A_66] : memref<2x16x80x125xi32, #tpu.memory_space<hbm>> -> memref<1x1x80x125xi32, #tpu.memory_space<hbm>>
      %dma_start3A_68 = tpu.memref_squeeze %dma_start3A_67 : memref<1x1x80x125xi32, #tpu.memory_space<hbm>> -> memref<80x125xi32, #tpu.memory_space<hbm>>
      %dma_start3A_69 = arith.constant 0 : i32
      %dma_start3A_70 = arith.constant 0 : i32
      %dma_start3A_71 = tpu.memref_slice %arg3[%arg0, %arg1, %dma_start3A_69, %dma_start3A_70] : memref<2x16x80x125xi32, #tpu.memory_space<hbm>> -> memref<1x1x80x125xi32, #tpu.memory_space<hbm>>
      %dma_start3A_72 = tpu.memref_squeeze %dma_start3A_71 : memref<1x1x80x125xi32, #tpu.memory_space<hbm>> -> memref<80x125xi32, #tpu.memory_space<hbm>>
      tpu.enqueue_dma source(%dma_start3A_72 : memref<80x125xi32, #tpu.memory_space<hbm>>) target(%arg7 : memref<80x125xi32, #tpu.memory_space<vmem>>) target_semaphore(%run_scoped3A : memref<!tpu.dma_semaphore, #tpu.memory_space<semaphore_mem>>)
      %dma_wait3A = arith.constant 0 : i32
      %dma_wait3A_73 = arith.constant 0 : i32
      %dma_wait3A_74 = tpu.memref_slice %arg3[%arg0, %arg1, %dma_wait3A, %dma_wait3A_73] : memref<2x16x80x125xi32, #tpu.memory_space<hbm>> -> memref<1x1x80x125xi32, #tpu.memory_space<hbm>>
      %dma_wait3A_75 = tpu.memref_squeeze %dma_wait3A_74 : memref<1x1x80x125xi32, #tpu.memory_space<hbm>> -> memref<80x125xi32, #tpu.memory_space<hbm>>
      %dma_wait3A_76 = arith.constant 0 : i32
      %dma_wait3A_77 = arith.constant 0 : i32
      %dma_wait3A_78 = tpu.memref_slice %arg3[%arg0, %arg1, %dma_wait3A_76, %dma_wait3A_77] : memref<2x16x80x125xi32, #tpu.memory_space<hbm>> -> memref<1x1x80x125xi32, #tpu.memory_space<hbm>>
      %dma_wait3A_79 = tpu.memref_squeeze %dma_wait3A_78 : memref<1x1x80x125xi32, #tpu.memory_space<hbm>> -> memref<80x125xi32, #tpu.memory_space<hbm>>
      tpu.wait_dma2 semaphore(%run_scoped3A : memref<!tpu.dma_semaphore, #tpu.memory_space<semaphore_mem>>) src(%dma_wait3A_79 : memref<80x125xi32, #tpu.memory_space<hbm>>) dst(%arg7 : memref<80x125xi32, #tpu.memory_space<vmem>>)
      tpu.yield
    }) : () -> ()
    "tpu.region"() ({
      %run_scoped3A = tpu.sem_alloc : memref<!tpu.dma_semaphore, #tpu.memory_space<semaphore_mem>>
      %dma_start3A_65 = arith.constant 0 : i32
      %dma_start3A_66 = arith.constant 0 : i32
      %dma_start3A_67 = tpu.memref_slice %arg4[%arg0, %arg1, %dma_start3A_65, %dma_start3A_66] : memref<2x16x80x125xi32, #tpu.memory_space<hbm>> -> memref<1x1x80x125xi32, #tpu.memory_space<hbm>>
      %dma_start3A_68 = tpu.memref_squeeze %dma_start3A_67 : memref<1x1x80x125xi32, #tpu.memory_space<hbm>> -> memref<80x125xi32, #tpu.memory_space<hbm>>
      %dma_start3A_69 = arith.constant 0 : i32
      %dma_start3A_70 = arith.constant 0 : i32
      %dma_start3A_71 = tpu.memref_slice %arg4[%arg0, %arg1, %dma_start3A_69, %dma_start3A_70] : memref<2x16x80x125xi32, #tpu.memory_space<hbm>> -> memref<1x1x80x125xi32, #tpu.memory_space<hbm>>
      %dma_start3A_72 = tpu.memref_squeeze %dma_start3A_71 : memref<1x1x80x125xi32, #tpu.memory_space<hbm>> -> memref<80x125xi32, #tpu.memory_space<hbm>>
      tpu.enqueue_dma source(%dma_start3A_72 : memref<80x125xi32, #tpu.memory_space<hbm>>) target(%arg8 : memref<80x125xi32, #tpu.memory_space<vmem>>) target_semaphore(%run_scoped3A : memref<!tpu.dma_semaphore, #tpu.memory_space<semaphore_mem>>)
      %dma_wait3A = arith.constant 0 : i32
      %dma_wait3A_73 = arith.constant 0 : i32
      %dma_wait3A_74 = tpu.memref_slice %arg4[%arg0, %arg1, %dma_wait3A, %dma_wait3A_73] : memref<2x16x80x125xi32, #tpu.memory_space<hbm>> -> memref<1x1x80x125xi32, #tpu.memory_space<hbm>>
      %dma_wait3A_75 = tpu.memref_squeeze %dma_wait3A_74 : memref<1x1x80x125xi32, #tpu.memory_space<hbm>> -> memref<80x125xi32, #tpu.memory_space<hbm>>
      %dma_wait3A_76 = arith.constant 0 : i32
      %dma_wait3A_77 = arith.constant 0 : i32
      %dma_wait3A_78 = tpu.memref_slice %arg4[%arg0, %arg1, %dma_wait3A_76, %dma_wait3A_77] : memref<2x16x80x125xi32, #tpu.memory_space<hbm>> -> memref<1x1x80x125xi32, #tpu.memory_space<hbm>>
      %dma_wait3A_79 = tpu.memref_squeeze %dma_wait3A_78 : memref<1x1x80x125xi32, #tpu.memory_space<hbm>> -> memref<80x125xi32, #tpu.memory_space<hbm>>
      tpu.wait_dma2 semaphore(%run_scoped3A : memref<!tpu.dma_semaphore, #tpu.memory_space<semaphore_mem>>) src(%dma_wait3A_79 : memref<80x125xi32, #tpu.memory_space<hbm>>) dst(%arg8 : memref<80x125xi32, #tpu.memory_space<vmem>>)
      tpu.yield
    }) : () -> ()
    %scan3A = arith.constant 0 : i32
    %scan3A_1 = arith.constant 0 : i32
    %scan3A_2 = arith.constant 80 : i32
    %scan3A_3 = arith.addi %scan3A_1, %scan3A_2 : i32
    %scan3A_4 = arith.constant 1 : i32
    scf.for %scan3A_65 = %scan3A_1 to %scan3A_3 step %scan3A_4  : i32 {
      %get3A = arith.index_cast %scan3A_65 : i32 to index
      %get3A_66 = arith.constant 0 : index
      %get3A_67 = tpu.vector_load %arg8[%get3A, %get3A_66] {strides = array<i32>} : memref<80x125xi32, #tpu.memory_space<vmem>>, vector<1x16xi32>,
      %get3A_68 = vector.shape_cast %get3A_67 : vector<1x16xi32> to vector<16xi32>
      %ge3A = arith.constant 0 : i32
      %ge3A_69 = vector.broadcast %ge3A : i32 to vector<16xi32>
      %ge3A_70 = arith.cmpi sge, %get3A_68, %ge3A_69 : vector<16xi32>
      %lt3A = arith.constant 5120 : i32
      %lt3A_71 = vector.broadcast %lt3A : i32 to vector<16xi32>
      %lt3A_72 = arith.cmpi slt, %get3A_68, %lt3A_71 : vector<16xi32>
      %and3A = arith.andi %ge3A_70, %lt3A_72 : vector<16xi1>
      %sub3A = arith.constant 0 : i32
      %sub3A_73 = vector.broadcast %sub3A : i32 to vector<16xi32>
      %sub3A_74 = arith.subi %get3A_68, %sub3A_73 : vector<16xi32>
      %broadcast_in_dim3A = vector.broadcast %add3A_0 : i32 to vector<16xi32>
      %select_n3A = arith.select %and3A, %sub3A_74, %broadcast_in_dim3A : vector<16xi1>, vector<16xi32>
      %swap3A = arith.index_cast %scan3A_65 : i32 to index
      %swap3A_75 = arith.constant 0 : index
      %swap3A_76 = tpu.vector_load %arg9[%swap3A, %swap3A_75] {strides = array<i32>} : memref<80x125xi32, #tpu.memory_space<vmem>>, vector<1x16xi32>,
      %swap3A_77 = vector.shape_cast %swap3A_76 : vector<1x16xi32> to vector<16xi32>
      %swap3A_78 = vector.shape_cast %select_n3A : vector<16xi32> to vector<1x16xi32>
      tpu.vector_store %arg9[%swap3A, %swap3A_75], %swap3A_78 {strides = array<i32>} : memref<80x125xi32, #tpu.memory_space<vmem>>, vector<1x16xi32>,
      %get3A_79 = arith.index_cast %scan3A_65 : i32 to index
      %get3A_80 = arith.constant 16 : index
      %get3A_81 = tpu.vector_load %arg8[%get3A_79, %get3A_80] {strides = array<i32>} : memref<80x125xi32, #tpu.memory_space<vmem>>, vector<1x16xi32>,
      %get3A_82 = vector.shape_cast %get3A_81 : vector<1x16xi32> to vector<16xi32>
      %ge3A_83 = arith.constant 0 : i32
      %ge3A_84 = vector.broadcast %ge3A_83 : i32 to vector<16xi32>
      %ge3A_85 = arith.cmpi sge, %get3A_82, %ge3A_84 : vector<16xi32>
      %lt3A_86 = arith.constant 5120 : i32
      %lt3A_87 = vector.broadcast %lt3A_86 : i32 to vector<16xi32>
      %lt3A_88 = arith.cmpi slt, %get3A_82, %lt3A_87 : vector<16xi32>
      %and3A_89 = arith.andi %ge3A_85, %lt3A_88 : vector<16xi1>
      %sub3A_90 = arith.constant 0 : i32
      %sub3A_91 = vector.broadcast %sub3A_90 : i32 to vector<16xi32>
      %sub3A_92 = arith.subi %get3A_82, %sub3A_91 : vector<16xi32>
      %broadcast_in_dim3A_93 = vector.broadcast %add3A_0 : i32 to vector<16xi32>
      %select_n3A_94 = arith.select %and3A_89, %sub3A_92, %broadcast_in_dim3A_93 : vector<16xi1>, vector<16xi32>
      %swap3A_95 = arith.index_cast %scan3A_65 : i32 to index
      %swap3A_96 = arith.constant 16 : index
      %swap3A_97 = tpu.vector_load %arg9[%swap3A_95, %swap3A_96] {strides = array<i32>} : memref<80x125xi32, #tpu.memory_space<vmem>>, vector<1x16xi32>,
      %swap3A_98 = vector.shape_cast %swap3A_97 : vector<1x16xi32> to vector<16xi32>
      %swap3A_99 = vector.shape_cast %select_n3A_94 : vector<16xi32> to vector<1x16xi32>
      tpu.vector_store %arg9[%swap3A_95, %swap3A_96], %swap3A_99 {strides = array<i32>} : memref<80x125xi32, #tpu.memory_space<vmem>>, vector<1x16xi32>,
      %get3A_100 = arith.index_cast %scan3A_65 : i32 to index
      %get3A_101 = arith.constant 32 : index
      %get3A_102 = tpu.vector_load %arg8[%get3A_100, %get3A_101] {strides = array<i32>} : memref<80x125xi32, #tpu.memory_space<vmem>>, vector<1x16xi32>,
      %get3A_103 = vector.shape_cast %get3A_102 : vector<1x16xi32> to vector<16xi32>
      %ge3A_104 = arith.constant 0 : i32
      %ge3A_105 = vector.broadcast %ge3A_104 : i32 to vector<16xi32>
      %ge3A_106 = arith.cmpi sge, %get3A_103, %ge3A_105 : vector<16xi32>
      %lt3A_107 = arith.constant 5120 : i32
      %lt3A_108 = vector.broadcast %lt3A_107 : i32 to vector<16xi32>
      %lt3A_109 = arith.cmpi slt, %get3A_103, %lt3A_108 : vector<16xi32>
      %and3A_110 = arith.andi %ge3A_106, %lt3A_109 : vector<16xi1>
      %sub3A_111 = arith.constant 0 : i32
      %sub3A_112 = vector.broadcast %sub3A_111 : i32 to vector<16xi32>
      %sub3A_113 = arith.subi %get3A_103, %sub3A_112 : vector<16xi32>
      %broadcast_in_dim3A_114 = vector.broadcast %add3A_0 : i32 to vector<16xi32>
      %select_n3A_115 = arith.select %and3A_110, %sub3A_113, %broadcast_in_dim3A_114 : vector<16xi1>, vector<16xi32>
      %swap3A_116 = arith.index_cast %scan3A_65 : i32 to index
      %swap3A_117 = arith.constant 32 : index
      %swap3A_118 = tpu.vector_load %arg9[%swap3A_116, %swap3A_117] {strides = array<i32>} : memref<80x125xi32, #tpu.memory_space<vmem>>, vector<1x16xi32>,
      %swap3A_119 = vector.shape_cast %swap3A_118 : vector<1x16xi32> to vector<16xi32>
      %swap3A_120 = vector.shape_cast %select_n3A_115 : vector<16xi32> to vector<1x16xi32>
      tpu.vector_store %arg9[%swap3A_116, %swap3A_117], %swap3A_120 {strides = array<i32>} : memref<80x125xi32, #tpu.memory_space<vmem>>, vector<1x16xi32>,
      %get3A_121 = arith.index_cast %scan3A_65 : i32 to index
      %get3A_122 = arith.constant 48 : index
      %get3A_123 = tpu.vector_load %arg8[%get3A_121, %get3A_122] {strides = array<i32>} : memref<80x125xi32, #tpu.memory_space<vmem>>, vector<1x16xi32>,
      %get3A_124 = vector.shape_cast %get3A_123 : vector<1x16xi32> to vector<16xi32>
      %ge3A_125 = arith.constant 0 : i32
      %ge3A_126 = vector.broadcast %ge3A_125 : i32 to vector<16xi32>
      %ge3A_127 = arith.cmpi sge, %get3A_124, %ge3A_126 : vector<16xi32>
      %lt3A_128 = arith.constant 5120 : i32
      %lt3A_129 = vector.broadcast %lt3A_128 : i32 to vector<16xi32>
      %lt3A_130 = arith.cmpi slt, %get3A_124, %lt3A_129 : vector<16xi32>
      %and3A_131 = arith.andi %ge3A_127, %lt3A_130 : vector<16xi1>
      %sub3A_132 = arith.constant 0 : i32
      %sub3A_133 = vector.broadcast %sub3A_132 : i32 to vector<16xi32>
      %sub3A_134 = arith.subi %get3A_124, %sub3A_133 : vector<16xi32>
      %broadcast_in_dim3A_135 = vector.broadcast %add3A_0 : i32 to vector<16xi32>
      %select_n3A_136 = arith.select %and3A_131, %sub3A_134, %broadcast_in_dim3A_135 : vector<16xi1>, vector<16xi32>
      %swap3A_137 = arith.index_cast %scan3A_65 : i32 to index
      %swap3A_138 = arith.constant 48 : index
      %swap3A_139 = tpu.vector_load %arg9[%swap3A_137, %swap3A_138] {strides = array<i32>} : memref<80x125xi32, #tpu.memory_space<vmem>>, vector<1x16xi32>,
      %swap3A_140 = vector.shape_cast %swap3A_139 : vector<1x16xi32> to vector<16xi32>
      %swap3A_141 = vector.shape_cast %select_n3A_136 : vector<16xi32> to vector<1x16xi32>
      tpu.vector_store %arg9[%swap3A_137, %swap3A_138], %swap3A_141 {strides = array<i32>} : memref<80x125xi32, #tpu.memory_space<vmem>>, vector<1x16xi32>,
      %get3A_142 = arith.index_cast %scan3A_65 : i32 to index
      %get3A_143 = arith.constant 64 : index
      %get3A_144 = tpu.vector_load %arg8[%get3A_142, %get3A_143] {strides = array<i32>} : memref<80x125xi32, #tpu.memory_space<vmem>>, vector<1x16xi32>,
      %get3A_145 = vector.shape_cast %get3A_144 : vector<1x16xi32> to vector<16xi32>
      %ge3A_146 = arith.constant 0 : i32
      %ge3A_147 = vector.broadcast %ge3A_146 : i32 to vector<16xi32>
      %ge3A_148 = arith.cmpi sge, %get3A_145, %ge3A_147 : vector<16xi32>
      %lt3A_149 = arith.constant 5120 : i32
      %lt3A_150 = vector.broadcast %lt3A_149 : i32 to vector<16xi32>
      %lt3A_151 = arith.cmpi slt, %get3A_145, %lt3A_150 : vector<16xi32>
      %and3A_152 = arith.andi %ge3A_148, %lt3A_151 : vector<16xi1>
      %sub3A_153 = arith.constant 0 : i32
      %sub3A_154 = vector.broadcast %sub3A_153 : i32 to vector<16xi32>
      %sub3A_155 = arith.subi %get3A_145, %sub3A_154 : vector<16xi32>
      %broadcast_in_dim3A_156 = vector.broadcast %add3A_0 : i32 to vector<16xi32>
      %select_n3A_157 = arith.select %and3A_152, %sub3A_155, %broadcast_in_dim3A_156 : vector<16xi1>, vector<16xi32>
      %swap3A_158 = arith.index_cast %scan3A_65 : i32 to index
      %swap3A_159 = arith.constant 64 : index
      %swap3A_160 = tpu.vector_load %arg9[%swap3A_158, %swap3A_159] {strides = array<i32>} : memref<80x125xi32, #tpu.memory_space<vmem>>, vector<1x16xi32>,
      %swap3A_161 = vector.shape_cast %swap3A_160 : vector<1x16xi32> to vector<16xi32>
      %swap3A_162 = vector.shape_cast %select_n3A_157 : vector<16xi32> to vector<1x16xi32>
      tpu.vector_store %arg9[%swap3A_158, %swap3A_159], %swap3A_162 {strides = array<i32>} : memref<80x125xi32, #tpu.memory_space<vmem>>, vector<1x16xi32>,
      %get3A_163 = arith.index_cast %scan3A_65 : i32 to index
      %get3A_164 = arith.constant 80 : index
      %get3A_165 = tpu.vector_load %arg8[%get3A_163, %get3A_164] {strides = array<i32>} : memref<80x125xi32, #tpu.memory_space<vmem>>, vector<1x16xi32>,
      %get3A_166 = vector.shape_cast %get3A_165 : vector<1x16xi32> to vector<16xi32>
      %ge3A_167 = arith.constant 0 : i32
      %ge3A_168 = vector.broadcast %ge3A_167 : i32 to vector<16xi32>
      %ge3A_169 = arith.cmpi sge, %get3A_166, %ge3A_168 : vector<16xi32>
      %lt3A_170 = arith.constant 5120 : i32
      %lt3A_171 = vector.broadcast %lt3A_170 : i32 to vector<16xi32>
      %lt3A_172 = arith.cmpi slt, %get3A_166, %lt3A_171 : vector<16xi32>
      %and3A_173 = arith.andi %ge3A_169, %lt3A_172 : vector<16xi1>
      %sub3A_174 = arith.constant 0 : i32
      %sub3A_175 = vector.broadcast %sub3A_174 : i32 to vector<16xi32>
      %sub3A_176 = arith.subi %get3A_166, %sub3A_175 : vector<16xi32>
      %broadcast_in_dim3A_177 = vector.broadcast %add3A_0 : i32 to vector<16xi32>
      %select_n3A_178 = arith.select %and3A_173, %sub3A_176, %broadcast_in_dim3A_177 : vector<16xi1>, vector<16xi32>
      %swap3A_179 = arith.index_cast %scan3A_65 : i32 to index
      %swap3A_180 = arith.constant 80 : index
      %swap3A_181 = tpu.vector_load %arg9[%swap3A_179, %swap3A_180] {strides = array<i32>} : memref<80x125xi32, #tpu.memory_space<vmem>>, vector<1x16xi32>,
      %swap3A_182 = vector.shape_cast %swap3A_181 : vector<1x16xi32> to vector<16xi32>
      %swap3A_183 = vector.shape_cast %select_n3A_178 : vector<16xi32> to vector<1x16xi32>
      tpu.vector_store %arg9[%swap3A_179, %swap3A_180], %swap3A_183 {strides = array<i32>} : memref<80x125xi32, #tpu.memory_space<vmem>>, vector<1x16xi32>,
      %get3A_184 = arith.index_cast %scan3A_65 : i32 to index
      %get3A_185 = arith.constant 96 : index
      %get3A_186 = tpu.vector_load %arg8[%get3A_184, %get3A_185] {strides = array<i32>} : memref<80x125xi32, #tpu.memory_space<vmem>>, vector<1x16xi32>,
      %get3A_187 = vector.shape_cast %get3A_186 : vector<1x16xi32> to vector<16xi32>
      %ge3A_188 = arith.constant 0 : i32
      %ge3A_189 = vector.broadcast %ge3A_188 : i32 to vector<16xi32>
      %ge3A_190 = arith.cmpi sge, %get3A_187, %ge3A_189 : vector<16xi32>
      %lt3A_191 = arith.constant 5120 : i32
      %lt3A_192 = vector.broadcast %lt3A_191 : i32 to vector<16xi32>
      %lt3A_193 = arith.cmpi slt, %get3A_187, %lt3A_192 : vector<16xi32>
      %and3A_194 = arith.andi %ge3A_190, %lt3A_193 : vector<16xi1>
      %sub3A_195 = arith.constant 0 : i32
      %sub3A_196 = vector.broadcast %sub3A_195 : i32 to vector<16xi32>
      %sub3A_197 = arith.subi %get3A_187, %sub3A_196 : vector<16xi32>
      %broadcast_in_dim3A_198 = vector.broadcast %add3A_0 : i32 to vector<16xi32>
      %select_n3A_199 = arith.select %and3A_194, %sub3A_197, %broadcast_in_dim3A_198 : vector<16xi1>, vector<16xi32>
      %swap3A_200 = arith.index_cast %scan3A_65 : i32 to index
      %swap3A_201 = arith.constant 96 : index
      %swap3A_202 = tpu.vector_load %arg9[%swap3A_200, %swap3A_201] {strides = array<i32>} : memref<80x125xi32, #tpu.memory_space<vmem>>, vector<1x16xi32>,
      %swap3A_203 = vector.shape_cast %swap3A_202 : vector<1x16xi32> to vector<16xi32>
      %swap3A_204 = vector.shape_cast %select_n3A_199 : vector<16xi32> to vector<1x16xi32>
      tpu.vector_store %arg9[%swap3A_200, %swap3A_201], %swap3A_204 {strides = array<i32>} : memref<80x125xi32, #tpu.memory_space<vmem>>, vector<1x16xi32>,
      %get3A_205 = arith.index_cast %scan3A_65 : i32 to index
      %get3A_206 = arith.constant 109 : index
      %get3A_207 = tpu.vector_load %arg8[%get3A_205, %get3A_206] {strides = array<i32>} : memref<80x125xi32, #tpu.memory_space<vmem>>, vector<1x16xi32>,
      %get3A_208 = vector.shape_cast %get3A_207 : vector<1x16xi32> to vector<16xi32>
      %ge3A_209 = arith.constant 0 : i32
      %ge3A_210 = vector.broadcast %ge3A_209 : i32 to vector<16xi32>
      %ge3A_211 = arith.cmpi sge, %get3A_208, %ge3A_210 : vector<16xi32>
      %lt3A_212 = arith.constant 5120 : i32
      %lt3A_213 = vector.broadcast %lt3A_212 : i32 to vector<16xi32>
      %lt3A_214 = arith.cmpi slt, %get3A_208, %lt3A_213 : vector<16xi32>
      %and3A_215 = arith.andi %ge3A_211, %lt3A_214 : vector<16xi1>
      %sub3A_216 = arith.constant 0 : i32
      %sub3A_217 = vector.broadcast %sub3A_216 : i32 to vector<16xi32>
      %sub3A_218 = arith.subi %get3A_208, %sub3A_217 : vector<16xi32>
      %broadcast_in_dim3A_219 = vector.broadcast %add3A_0 : i32 to vector<16xi32>
      %select_n3A_220 = arith.select %and3A_215, %sub3A_218, %broadcast_in_dim3A_219 : vector<16xi1>, vector<16xi32>
      %swap3A_221 = arith.index_cast %scan3A_65 : i32 to index
      %swap3A_222 = arith.constant 109 : index
      %swap3A_223 = tpu.vector_load %arg9[%swap3A_221, %swap3A_222] {strides = array<i32>} : memref<80x125xi32, #tpu.memory_space<vmem>>, vector<1x16xi32>,
      %swap3A_224 = vector.shape_cast %swap3A_223 : vector<1x16xi32> to vector<16xi32>
      %swap3A_225 = vector.shape_cast %select_n3A_220 : vector<16xi32> to vector<1x16xi32>
      tpu.vector_store %arg9[%swap3A_221, %swap3A_222], %swap3A_225 {strides = array<i32>} : memref<80x125xi32, #tpu.memory_space<vmem>>, vector<1x16xi32>,
    }
    %scan3A_5 = arith.constant 80 : i32
    %mul3A = arith.constant 321 : i32
    %mul3A_6 = arith.muli %arg1, %mul3A : i32
    "tpu.region"() ({
      %run_scoped3A = tpu.sem_alloc : memref<!tpu.dma_semaphore, #tpu.memory_space<semaphore_mem>>
      %dma_start3A_65 = arith.constant 0 : i32
      %dma_start3A_66 = tpu.memref_slice %arg13[%mul3A_6, %dma_start3A_65] : memref<5136x128xf32, #tpu.memory_space<vmem_shared>> -> memref<321x128xf32, #tpu.memory_space<vmem_shared>>
      tpu.enqueue_dma source(%arg5 : memref<321x128xf32, #tpu.memory_space<hbm>>) target(%dma_start3A_66 : memref<321x128xf32, #tpu.memory_space<vmem_shared>>) target_semaphore(%run_scoped3A : memref<!tpu.dma_semaphore, #tpu.memory_space<semaphore_mem>>)
      %dma_wait3A = arith.constant 0 : i32
      %dma_wait3A_67 = tpu.memref_slice %arg13[%mul3A_6, %dma_wait3A] : memref<5136x128xf32, #tpu.memory_space<vmem_shared>> -> memref<321x128xf32, #tpu.memory_space<vmem_shared>>
      tpu.wait_dma2 semaphore(%run_scoped3A : memref<!tpu.dma_semaphore, #tpu.memory_space<semaphore_mem>>) src(%arg5 : memref<321x128xf32, #tpu.memory_space<hbm>>) dst(%dma_wait3A_67 : memref<321x128xf32, #tpu.memory_space<vmem_shared>>)
      tpu.yield
    }) : () -> ()
    %barrier3A = arith.constant 0 : index
    tpu.barrier barrier_id(%barrier3A)
    %dma_start3A = arith.constant 0 : i32
    %dma_start3A_7 = arith.constant 0 : i32
    %dma_start3A_8 = tpu.memref_slice %arg7[%dma_start3A, %dma_start3A_7] : memref<80x125xi32, #tpu.memory_space<vmem>> -> memref<1x125xi32, #tpu.memory_space<vmem>>
    %dma_start3A_9 = tpu.memref_squeeze %dma_start3A_8 : memref<1x125xi32, #tpu.memory_space<vmem>> -> memref<125xi32, #tpu.memory_space<vmem>>
    %dma_start3A_10 = arith.constant 0 : i32
    %dma_start3A_11 = arith.constant 0 : i32
    %dma_start3A_12 = tpu.memref_slice %arg2[%dma_start3A_10, %dma_start3A_11] : memref<10240x128xf32, #tpu.memory_space<hbm>> -> memref<10240x128xf32, #tpu.memory_space<hbm>>
    tpu.enqueue_indirect_dma source(%dma_start3A_12 : memref<10240x128xf32, #tpu.memory_space<hbm>>) target(%arg11 : memref<125x128xf32, #tpu.memory_space<vmem>>) offsets(%dma_start3A_9 : memref<125xi32, #tpu.memory_space<vmem>>) semaphore(%arg14 : memref<!tpu.dma_semaphore, #tpu.memory_space<semaphore_mem>>)
    %dma_start3A_13 = arith.constant 1 : i32
    %dma_start3A_14 = arith.constant 0 : i32
    %dma_start3A_15 = tpu.memref_slice %arg7[%dma_start3A_13, %dma_start3A_14] : memref<80x125xi32, #tpu.memory_space<vmem>> -> memref<1x125xi32, #tpu.memory_space<vmem>>
    %dma_start3A_16 = tpu.memref_squeeze %dma_start3A_15 : memref<1x125xi32, #tpu.memory_space<vmem>> -> memref<125xi32, #tpu.memory_space<vmem>>
    %dma_start3A_17 = arith.constant 0 : i32
    %dma_start3A_18 = arith.constant 0 : i32
    %dma_start3A_19 = tpu.memref_slice %arg2[%dma_start3A_17, %dma_start3A_18] : memref<10240x128xf32, #tpu.memory_space<hbm>> -> memref<10240x128xf32, #tpu.memory_space<hbm>>
    tpu.enqueue_indirect_dma source(%dma_start3A_19 : memref<10240x128xf32, #tpu.memory_space<hbm>>) target(%arg12 : memref<125x128xf32, #tpu.memory_space<vmem>>) offsets(%dma_start3A_16 : memref<125xi32, #tpu.memory_space<vmem>>) semaphore(%arg15 : memref<!tpu.dma_semaphore, #tpu.memory_space<semaphore_mem>>)
    %scan3A_20 = arith.constant 0 : i32
    %scan3A_21 = arith.constant 0 : i32
    %scan3A_22 = arith.constant 40 : i32
    %scan3A_23 = arith.addi %scan3A_21, %scan3A_22 : i32
    %scan3A_24 = arith.constant 1 : i32
    scf.for %scan3A_65 = %scan3A_21 to %scan3A_23 step %scan3A_24  : i32 {
      %mul3A_66 = arith.constant 2 : i32
      %mul3A_67 = arith.muli %mul3A_66, %scan3A_65 : i32
      %add3A_68 = arith.constant 0 : i32
      %add3A_69 = arith.addi %mul3A_67, %add3A_68 : i32
      %get3A = arith.index_cast %add3A_69 : i32 to index
      %get3A_70 = arith.constant 0 : index
      %get3A_71 = tpu.vector_load %arg8[%get3A, %get3A_70] {strides = array<i32>} : memref<80x125xi32, #tpu.memory_space<vmem>>, vector<1x16xi32>,
      %get3A_72 = vector.shape_cast %get3A_71 : vector<1x16xi32> to vector<16xi32>
      %ge3A = arith.constant 5120 : i32
      %ge3A_73 = vector.broadcast %ge3A : i32 to vector<16xi32>
      %ge3A_74 = arith.cmpi sge, %get3A_72, %ge3A_73 : vector<16xi32>
      %lt3A = arith.constant 10240 : i32
      %lt3A_75 = vector.broadcast %lt3A : i32 to vector<16xi32>
      %lt3A_76 = arith.cmpi slt, %get3A_72, %lt3A_75 : vector<16xi32>
      %and3A = arith.andi %ge3A_74, %lt3A_76 : vector<16xi1>
      %sub3A = arith.constant 5120 : i32
      %sub3A_77 = vector.broadcast %sub3A : i32 to vector<16xi32>
      %sub3A_78 = arith.subi %get3A_72, %sub3A_77 : vector<16xi32>
      %broadcast_in_dim3A = vector.broadcast %add3A_0 : i32 to vector<16xi32>
      %select_n3A = arith.select %and3A, %sub3A_78, %broadcast_in_dim3A : vector<16xi1>, vector<16xi32>
      %swap3A = arith.index_cast %add3A_69 : i32 to index
      %swap3A_79 = arith.constant 0 : index
      %swap3A_80 = tpu.vector_load %arg10[%swap3A, %swap3A_79] {strides = array<i32>} : memref<80x125xi32, #tpu.memory_space<vmem>>, vector<1x16xi32>,
      %swap3A_81 = vector.shape_cast %swap3A_80 : vector<1x16xi32> to vector<16xi32>
      %swap3A_82 = vector.shape_cast %select_n3A : vector<16xi32> to vector<1x16xi32>
      tpu.vector_store %arg10[%swap3A, %swap3A_79], %swap3A_82 {strides = array<i32>} : memref<80x125xi32, #tpu.memory_space<vmem>>, vector<1x16xi32>,
      %get3A_83 = arith.index_cast %add3A_69 : i32 to index
      %get3A_84 = arith.constant 16 : index
      %get3A_85 = tpu.vector_load %arg8[%get3A_83, %get3A_84] {strides = array<i32>} : memref<80x125xi32, #tpu.memory_space<vmem>>, vector<1x16xi32>,
      %get3A_86 = vector.shape_cast %get3A_85 : vector<1x16xi32> to vector<16xi32>
      %ge3A_87 = arith.constant 5120 : i32
      %ge3A_88 = vector.broadcast %ge3A_87 : i32 to vector<16xi32>
      %ge3A_89 = arith.cmpi sge, %get3A_86, %ge3A_88 : vector<16xi32>
      %lt3A_90 = arith.constant 10240 : i32
      %lt3A_91 = vector.broadcast %lt3A_90 : i32 to vector<16xi32>
      %lt3A_92 = arith.cmpi slt, %get3A_86, %lt3A_91 : vector<16xi32>
      %and3A_93 = arith.andi %ge3A_89, %lt3A_92 : vector<16xi1>
      %sub3A_94 = arith.constant 5120 : i32
      %sub3A_95 = vector.broadcast %sub3A_94 : i32 to vector<16xi32>
      %sub3A_96 = arith.subi %get3A_86, %sub3A_95 : vector<16xi32>
      %broadcast_in_dim3A_97 = vector.broadcast %add3A_0 : i32 to vector<16xi32>
      %select_n3A_98 = arith.select %and3A_93, %sub3A_96, %broadcast_in_dim3A_97 : vector<16xi1>, vector<16xi32>
      %swap3A_99 = arith.index_cast %add3A_69 : i32 to index
      %swap3A_100 = arith.constant 16 : index
      %swap3A_101 = tpu.vector_load %arg10[%swap3A_99, %swap3A_100] {strides = array<i32>} : memref<80x125xi32, #tpu.memory_space<vmem>>, vector<1x16xi32>,
      %swap3A_102 = vector.shape_cast %swap3A_101 : vector<1x16xi32> to vector<16xi32>
      %swap3A_103 = vector.shape_cast %select_n3A_98 : vector<16xi32> to vector<1x16xi32>
      tpu.vector_store %arg10[%swap3A_99, %swap3A_100], %swap3A_103 {strides = array<i32>} : memref<80x125xi32, #tpu.memory_space<vmem>>, vector<1x16xi32>,
      %get3A_104 = arith.index_cast %add3A_69 : i32 to index
      %get3A_105 = arith.constant 32 : index
      %get3A_106 = tpu.vector_load %arg8[%get3A_104, %get3A_105] {strides = array<i32>} : memref<80x125xi32, #tpu.memory_space<vmem>>, vector<1x16xi32>,
      %get3A_107 = vector.shape_cast %get3A_106 : vector<1x16xi32> to vector<16xi32>
      %ge3A_108 = arith.constant 5120 : i32
      %ge3A_109 = vector.broadcast %ge3A_108 : i32 to vector<16xi32>
      %ge3A_110 = arith.cmpi sge, %get3A_107, %ge3A_109 : vector<16xi32>
      %lt3A_111 = arith.constant 10240 : i32
      %lt3A_112 = vector.broadcast %lt3A_111 : i32 to vector<16xi32>
      %lt3A_113 = arith.cmpi slt, %get3A_107, %lt3A_112 : vector<16xi32>
      %and3A_114 = arith.andi %ge3A_110, %lt3A_113 : vector<16xi1>
      %sub3A_115 = arith.constant 5120 : i32
      %sub3A_116 = vector.broadcast %sub3A_115 : i32 to vector<16xi32>
      %sub3A_117 = arith.subi %get3A_107, %sub3A_116 : vector<16xi32>
      %broadcast_in_dim3A_118 = vector.broadcast %add3A_0 : i32 to vector<16xi32>
      %select_n3A_119 = arith.select %and3A_114, %sub3A_117, %broadcast_in_dim3A_118 : vector<16xi1>, vector<16xi32>
      %swap3A_120 = arith.index_cast %add3A_69 : i32 to index
      %swap3A_121 = arith.constant 32 : index
      %swap3A_122 = tpu.vector_load %arg10[%swap3A_120, %swap3A_121] {strides = array<i32>} : memref<80x125xi32, #tpu.memory_space<vmem>>, vector<1x16xi32>,
      %swap3A_123 = vector.shape_cast %swap3A_122 : vector<1x16xi32> to vector<16xi32>
      %swap3A_124 = vector.shape_cast %select_n3A_119 : vector<16xi32> to vector<1x16xi32>
      tpu.vector_store %arg10[%swap3A_120, %swap3A_121], %swap3A_124 {strides = array<i32>} : memref<80x125xi32, #tpu.memory_space<vmem>>, vector<1x16xi32>,
      %get3A_125 = arith.index_cast %add3A_69 : i32 to index
      %get3A_126 = arith.constant 48 : index
      %get3A_127 = tpu.vector_load %arg8[%get3A_125, %get3A_126] {strides = array<i32>} : memref<80x125xi32, #tpu.memory_space<vmem>>, vector<1x16xi32>,
      %get3A_128 = vector.shape_cast %get3A_127 : vector<1x16xi32> to vector<16xi32>
      %ge3A_129 = arith.constant 5120 : i32
      %ge3A_130 = vector.broadcast %ge3A_129 : i32 to vector<16xi32>
      %ge3A_131 = arith.cmpi sge, %get3A_128, %ge3A_130 : vector<16xi32>
      %lt3A_132 = arith.constant 10240 : i32
      %lt3A_133 = vector.broadcast %lt3A_132 : i32 to vector<16xi32>
      %lt3A_134 = arith.cmpi slt, %get3A_128, %lt3A_133 : vector<16xi32>
      %and3A_135 = arith.andi %ge3A_131, %lt3A_134 : vector<16xi1>
      %sub3A_136 = arith.constant 5120 : i32
      %sub3A_137 = vector.broadcast %sub3A_136 : i32 to vector<16xi32>
      %sub3A_138 = arith.subi %get3A_128, %sub3A_137 : vector<16xi32>
      %broadcast_in_dim3A_139 = vector.broadcast %add3A_0 : i32 to vector<16xi32>
      %select_n3A_140 = arith.select %and3A_135, %sub3A_138, %broadcast_in_dim3A_139 : vector<16xi1>, vector<16xi32>
      %swap3A_141 = arith.index_cast %add3A_69 : i32 to index
      %swap3A_142 = arith.constant 48 : index
      %swap3A_143 = tpu.vector_load %arg10[%swap3A_141, %swap3A_142] {strides = array<i32>} : memref<80x125xi32, #tpu.memory_space<vmem>>, vector<1x16xi32>,
      %swap3A_144 = vector.shape_cast %swap3A_143 : vector<1x16xi32> to vector<16xi32>
      %swap3A_145 = vector.shape_cast %select_n3A_140 : vector<16xi32> to vector<1x16xi32>
      tpu.vector_store %arg10[%swap3A_141, %swap3A_142], %swap3A_145 {strides = array<i32>} : memref<80x125xi32, #tpu.memory_space<vmem>>, vector<1x16xi32>,
      %get3A_146 = arith.index_cast %add3A_69 : i32 to index
      %get3A_147 = arith.constant 64 : index
      %get3A_148 = tpu.vector_load %arg8[%get3A_146, %get3A_147] {strides = array<i32>} : memref<80x125xi32, #tpu.memory_space<vmem>>, vector<1x16xi32>,
      %get3A_149 = vector.shape_cast %get3A_148 : vector<1x16xi32> to vector<16xi32>
      %ge3A_150 = arith.constant 5120 : i32
      %ge3A_151 = vector.broadcast %ge3A_150 : i32 to vector<16xi32>
      %ge3A_152 = arith.cmpi sge, %get3A_149, %ge3A_151 : vector<16xi32>
      %lt3A_153 = arith.constant 10240 : i32
      %lt3A_154 = vector.broadcast %lt3A_153 : i32 to vector<16xi32>
      %lt3A_155 = arith.cmpi slt, %get3A_149, %lt3A_154 : vector<16xi32>
      %and3A_156 = arith.andi %ge3A_152, %lt3A_155 : vector<16xi1>
      %sub3A_157 = arith.constant 5120 : i32
      %sub3A_158 = vector.broadcast %sub3A_157 : i32 to vector<16xi32>
      %sub3A_159 = arith.subi %get3A_149, %sub3A_158 : vector<16xi32>
      %broadcast_in_dim3A_160 = vector.broadcast %add3A_0 : i32 to vector<16xi32>
      %select_n3A_161 = arith.select %and3A_156, %sub3A_159, %broadcast_in_dim3A_160 : vector<16xi1>, vector<16xi32>
      %swap3A_162 = arith.index_cast %add3A_69 : i32 to index
      %swap3A_163 = arith.constant 64 : index
      %swap3A_164 = tpu.vector_load %arg10[%swap3A_162, %swap3A_163] {strides = array<i32>} : memref<80x125xi32, #tpu.memory_space<vmem>>, vector<1x16xi32>,
      %swap3A_165 = vector.shape_cast %swap3A_164 : vector<1x16xi32> to vector<16xi32>
      %swap3A_166 = vector.shape_cast %select_n3A_161 : vector<16xi32> to vector<1x16xi32>
      tpu.vector_store %arg10[%swap3A_162, %swap3A_163], %swap3A_166 {strides = array<i32>} : memref<80x125xi32, #tpu.memory_space<vmem>>, vector<1x16xi32>,
      %get3A_167 = arith.index_cast %add3A_69 : i32 to index
      %get3A_168 = arith.constant 80 : index
      %get3A_169 = tpu.vector_load %arg8[%get3A_167, %get3A_168] {strides = array<i32>} : memref<80x125xi32, #tpu.memory_space<vmem>>, vector<1x16xi32>,
      %get3A_170 = vector.shape_cast %get3A_169 : vector<1x16xi32> to vector<16xi32>
      %ge3A_171 = arith.constant 5120 : i32
      %ge3A_172 = vector.broadcast %ge3A_171 : i32 to vector<16xi32>
      %ge3A_173 = arith.cmpi sge, %get3A_170, %ge3A_172 : vector<16xi32>
      %lt3A_174 = arith.constant 10240 : i32
      %lt3A_175 = vector.broadcast %lt3A_174 : i32 to vector<16xi32>
      %lt3A_176 = arith.cmpi slt, %get3A_170, %lt3A_175 : vector<16xi32>
      %and3A_177 = arith.andi %ge3A_173, %lt3A_176 : vector<16xi1>
      %sub3A_178 = arith.constant 5120 : i32
      %sub3A_179 = vector.broadcast %sub3A_178 : i32 to vector<16xi32>
      %sub3A_180 = arith.subi %get3A_170, %sub3A_179 : vector<16xi32>
      %broadcast_in_dim3A_181 = vector.broadcast %add3A_0 : i32 to vector<16xi32>
      %select_n3A_182 = arith.select %and3A_177, %sub3A_180, %broadcast_in_dim3A_181 : vector<16xi1>, vector<16xi32>
      %swap3A_183 = arith.index_cast %add3A_69 : i32 to index
      %swap3A_184 = arith.constant 80 : index
      %swap3A_185 = tpu.vector_load %arg10[%swap3A_183, %swap3A_184] {strides = array<i32>} : memref<80x125xi32, #tpu.memory_space<vmem>>, vector<1x16xi32>,
      %swap3A_186 = vector.shape_cast %swap3A_185 : vector<1x16xi32> to vector<16xi32>
      %swap3A_187 = vector.shape_cast %select_n3A_182 : vector<16xi32> to vector<1x16xi32>
      tpu.vector_store %arg10[%swap3A_183, %swap3A_184], %swap3A_187 {strides = array<i32>} : memref<80x125xi32, #tpu.memory_space<vmem>>, vector<1x16xi32>,
      %get3A_188 = arith.index_cast %add3A_69 : i32 to index
      %get3A_189 = arith.constant 96 : index
      %get3A_190 = tpu.vector_load %arg8[%get3A_188, %get3A_189] {strides = array<i32>} : memref<80x125xi32, #tpu.memory_space<vmem>>, vector<1x16xi32>,
      %get3A_191 = vector.shape_cast %get3A_190 : vector<1x16xi32> to vector<16xi32>
      %ge3A_192 = arith.constant 5120 : i32
      %ge3A_193 = vector.broadcast %ge3A_192 : i32 to vector<16xi32>
      %ge3A_194 = arith.cmpi sge, %get3A_191, %ge3A_193 : vector<16xi32>
      %lt3A_195 = arith.constant 10240 : i32
      %lt3A_196 = vector.broadcast %lt3A_195 : i32 to vector<16xi32>
      %lt3A_197 = arith.cmpi slt, %get3A_191, %lt3A_196 : vector<16xi32>
      %and3A_198 = arith.andi %ge3A_194, %lt3A_197 : vector<16xi1>
      %sub3A_199 = arith.constant 5120 : i32
      %sub3A_200 = vector.broadcast %sub3A_199 : i32 to vector<16xi32>
      %sub3A_201 = arith.subi %get3A_191, %sub3A_200 : vector<16xi32>
      %broadcast_in_dim3A_202 = vector.broadcast %add3A_0 : i32 to vector<16xi32>
      %select_n3A_203 = arith.select %and3A_198, %sub3A_201, %broadcast_in_dim3A_202 : vector<16xi1>, vector<16xi32>
      %swap3A_204 = arith.index_cast %add3A_69 : i32 to index
      %swap3A_205 = arith.constant 96 : index
      %swap3A_206 = tpu.vector_load %arg10[%swap3A_204, %swap3A_205] {strides = array<i32>} : memref<80x125xi32, #tpu.memory_space<vmem>>, vector<1x16xi32>,
      %swap3A_207 = vector.shape_cast %swap3A_206 : vector<1x16xi32> to vector<16xi32>
      %swap3A_208 = vector.shape_cast %select_n3A_203 : vector<16xi32> to vector<1x16xi32>
      tpu.vector_store %arg10[%swap3A_204, %swap3A_205], %swap3A_208 {strides = array<i32>} : memref<80x125xi32, #tpu.memory_space<vmem>>, vector<1x16xi32>,
      %get3A_209 = arith.index_cast %add3A_69 : i32 to index
      %get3A_210 = arith.constant 109 : index
      %get3A_211 = tpu.vector_load %arg8[%get3A_209, %get3A_210] {strides = array<i32>} : memref<80x125xi32, #tpu.memory_space<vmem>>, vector<1x16xi32>,
      %get3A_212 = vector.shape_cast %get3A_211 : vector<1x16xi32> to vector<16xi32>
      %ge3A_213 = arith.constant 5120 : i32
      %ge3A_214 = vector.broadcast %ge3A_213 : i32 to vector<16xi32>
      %ge3A_215 = arith.cmpi sge, %get3A_212, %ge3A_214 : vector<16xi32>
      %lt3A_216 = arith.constant 10240 : i32
      %lt3A_217 = vector.broadcast %lt3A_216 : i32 to vector<16xi32>
      %lt3A_218 = arith.cmpi slt, %get3A_212, %lt3A_217 : vector<16xi32>
      %and3A_219 = arith.andi %ge3A_215, %lt3A_218 : vector<16xi1>
      %sub3A_220 = arith.constant 5120 : i32
      %sub3A_221 = vector.broadcast %sub3A_220 : i32 to vector<16xi32>
      %sub3A_222 = arith.subi %get3A_212, %sub3A_221 : vector<16xi32>
      %broadcast_in_dim3A_223 = vector.broadcast %add3A_0 : i32 to vector<16xi32>
      %select_n3A_224 = arith.select %and3A_219, %sub3A_222, %broadcast_in_dim3A_223 : vector<16xi1>, vector<16xi32>
      %swap3A_225 = arith.index_cast %add3A_69 : i32 to index
      %swap3A_226 = arith.constant 109 : index
      %swap3A_227 = tpu.vector_load %arg10[%swap3A_225, %swap3A_226] {strides = array<i32>} : memref<80x125xi32, #tpu.memory_space<vmem>>, vector<1x16xi32>,
      %swap3A_228 = vector.shape_cast %swap3A_227 : vector<1x16xi32> to vector<16xi32>
      %swap3A_229 = vector.shape_cast %select_n3A_224 : vector<16xi32> to vector<1x16xi32>
      tpu.vector_store %arg10[%swap3A_225, %swap3A_226], %swap3A_229 {strides = array<i32>} : memref<80x125xi32, #tpu.memory_space<vmem>>, vector<1x16xi32>,
      %add3A_230 = arith.constant 0 : i32
      %add3A_231 = arith.addi %mul3A_67, %add3A_230 : i32
      %dma_wait3A = arith.constant 0 : i32
      %dma_wait3A_232 = tpu.memref_slice %arg7[%add3A_231, %dma_wait3A] : memref<80x125xi32, #tpu.memory_space<vmem>> -> memref<1x125xi32, #tpu.memory_space<vmem>>
      %dma_wait3A_233 = tpu.memref_squeeze %dma_wait3A_232 : memref<1x125xi32, #tpu.memory_space<vmem>> -> memref<125xi32, #tpu.memory_space<vmem>>
      %dma_wait3A_234 = arith.constant 0 : i32
      %dma_wait3A_235 = arith.constant 0 : i32
      %dma_wait3A_236 = tpu.memref_slice %arg2[%dma_wait3A_234, %dma_wait3A_235] : memref<10240x128xf32, #tpu.memory_space<hbm>> -> memref<10240x128xf32, #tpu.memory_space<hbm>>
      tpu.wait_indirect_dma semaphore(%arg14 : memref<!tpu.dma_semaphore, #tpu.memory_space<semaphore_mem>>) src(%dma_wait3A_236 : memref<10240x128xf32, #tpu.memory_space<hbm>>) dst(%arg11 : memref<125x128xf32, #tpu.memory_space<vmem>>)
      %add3A_237 = arith.constant 0 : i32
      %add3A_238 = arith.addi %mul3A_67, %add3A_237 : i32
      %dma_start3A_239 = arith.constant 0 : i32
      %dma_start3A_240 = tpu.memref_slice %arg9[%add3A_238, %dma_start3A_239] : memref<80x125xi32, #tpu.memory_space<vmem>> -> memref<1x125xi32, #tpu.memory_space<vmem>>
      %dma_start3A_241 = tpu.memref_squeeze %dma_start3A_240 : memref<1x125xi32, #tpu.memory_space<vmem>> -> memref<125xi32, #tpu.memory_space<vmem>>
      %dma_start3A_242 = arith.constant 0 : i32
      %dma_start3A_243 = arith.constant 0 : i32
      %dma_start3A_244 = tpu.memref_slice %arg13[%dma_start3A_242, %dma_start3A_243] : memref<5136x128xf32, #tpu.memory_space<vmem_shared>> -> memref<5136x128xf32, #tpu.memory_space<vmem_shared>>
      tpu.enqueue_indirect_dma source(%arg11 : memref<125x128xf32, #tpu.memory_space<vmem>>) target(%dma_start3A_244 : memref<5136x128xf32, #tpu.memory_space<vmem_shared>>) offsets(%dma_start3A_241 : memref<125xi32, #tpu.memory_space<vmem>>) semaphore(%arg16 : memref<!tpu.dma_semaphore, #tpu.memory_space<semaphore_mem>>) {add = true}
      %add3A_245 = arith.constant 1 : i32
      %add3A_246 = arith.addi %mul3A_67, %add3A_245 : i32
      %get3A_247 = arith.index_cast %add3A_246 : i32 to index
      %get3A_248 = arith.constant 0 : index
      %get3A_249 = tpu.vector_load %arg8[%get3A_247, %get3A_248] {strides = array<i32>} : memref<80x125xi32, #tpu.memory_space<vmem>>, vector<1x16xi32>,
      %get3A_250 = vector.shape_cast %get3A_249 : vector<1x16xi32> to vector<16xi32>
      %ge3A_251 = arith.constant 5120 : i32
      %ge3A_252 = vector.broadcast %ge3A_251 : i32 to vector<16xi32>
      %ge3A_253 = arith.cmpi sge, %get3A_250, %ge3A_252 : vector<16xi32>
      %lt3A_254 = arith.constant 10240 : i32
      %lt3A_255 = vector.broadcast %lt3A_254 : i32 to vector<16xi32>
      %lt3A_256 = arith.cmpi slt, %get3A_250, %lt3A_255 : vector<16xi32>
      %and3A_257 = arith.andi %ge3A_253, %lt3A_256 : vector<16xi1>
      %sub3A_258 = arith.constant 5120 : i32
      %sub3A_259 = vector.broadcast %sub3A_258 : i32 to vector<16xi32>
      %sub3A_260 = arith.subi %get3A_250, %sub3A_259 : vector<16xi32>
      %broadcast_in_dim3A_261 = vector.broadcast %add3A_0 : i32 to vector<16xi32>
      %select_n3A_262 = arith.select %and3A_257, %sub3A_260, %broadcast_in_dim3A_261 : vector<16xi1>, vector<16xi32>
      %swap3A_263 = arith.index_cast %add3A_246 : i32 to index
      %swap3A_264 = arith.constant 0 : index
      %swap3A_265 = tpu.vector_load %arg10[%swap3A_263, %swap3A_264] {strides = array<i32>} : memref<80x125xi32, #tpu.memory_space<vmem>>, vector<1x16xi32>,
      %swap3A_266 = vector.shape_cast %swap3A_265 : vector<1x16xi32> to vector<16xi32>
      %swap3A_267 = vector.shape_cast %select_n3A_262 : vector<16xi32> to vector<1x16xi32>
      tpu.vector_store %arg10[%swap3A_263, %swap3A_264], %swap3A_267 {strides = array<i32>} : memref<80x125xi32, #tpu.memory_space<vmem>>, vector<1x16xi32>,
      %get3A_268 = arith.index_cast %add3A_246 : i32 to index
      %get3A_269 = arith.constant 16 : index
      %get3A_270 = tpu.vector_load %arg8[%get3A_268, %get3A_269] {strides = array<i32>} : memref<80x125xi32, #tpu.memory_space<vmem>>, vector<1x16xi32>,
      %get3A_271 = vector.shape_cast %get3A_270 : vector<1x16xi32> to vector<16xi32>
      %ge3A_272 = arith.constant 5120 : i32
      %ge3A_273 = vector.broadcast %ge3A_272 : i32 to vector<16xi32>
      %ge3A_274 = arith.cmpi sge, %get3A_271, %ge3A_273 : vector<16xi32>
      %lt3A_275 = arith.constant 10240 : i32
      %lt3A_276 = vector.broadcast %lt3A_275 : i32 to vector<16xi32>
      %lt3A_277 = arith.cmpi slt, %get3A_271, %lt3A_276 : vector<16xi32>
      %and3A_278 = arith.andi %ge3A_274, %lt3A_277 : vector<16xi1>
      %sub3A_279 = arith.constant 5120 : i32
      %sub3A_280 = vector.broadcast %sub3A_279 : i32 to vector<16xi32>
      %sub3A_281 = arith.subi %get3A_271, %sub3A_280 : vector<16xi32>
      %broadcast_in_dim3A_282 = vector.broadcast %add3A_0 : i32 to vector<16xi32>
      %select_n3A_283 = arith.select %and3A_278, %sub3A_281, %broadcast_in_dim3A_282 : vector<16xi1>, vector<16xi32>
      %swap3A_284 = arith.index_cast %add3A_246 : i32 to index
      %swap3A_285 = arith.constant 16 : index
      %swap3A_286 = tpu.vector_load %arg10[%swap3A_284, %swap3A_285] {strides = array<i32>} : memref<80x125xi32, #tpu.memory_space<vmem>>, vector<1x16xi32>,
      %swap3A_287 = vector.shape_cast %swap3A_286 : vector<1x16xi32> to vector<16xi32>
      %swap3A_288 = vector.shape_cast %select_n3A_283 : vector<16xi32> to vector<1x16xi32>
      tpu.vector_store %arg10[%swap3A_284, %swap3A_285], %swap3A_288 {strides = array<i32>} : memref<80x125xi32, #tpu.memory_space<vmem>>, vector<1x16xi32>,
      %get3A_289 = arith.index_cast %add3A_246 : i32 to index
      %get3A_290 = arith.constant 32 : index
      %get3A_291 = tpu.vector_load %arg8[%get3A_289, %get3A_290] {strides = array<i32>} : memref<80x125xi32, #tpu.memory_space<vmem>>, vector<1x16xi32>,
      %get3A_292 = vector.shape_cast %get3A_291 : vector<1x16xi32> to vector<16xi32>
      %ge3A_293 = arith.constant 5120 : i32
      %ge3A_294 = vector.broadcast %ge3A_293 : i32 to vector<16xi32>
      %ge3A_295 = arith.cmpi sge, %get3A_292, %ge3A_294 : vector<16xi32>
      %lt3A_296 = arith.constant 10240 : i32
      %lt3A_297 = vector.broadcast %lt3A_296 : i32 to vector<16xi32>
      %lt3A_298 = arith.cmpi slt, %get3A_292, %lt3A_297 : vector<16xi32>
      %and3A_299 = arith.andi %ge3A_295, %lt3A_298 : vector<16xi1>
      %sub3A_300 = arith.constant 5120 : i32
      %sub3A_301 = vector.broadcast %sub3A_300 : i32 to vector<16xi32>
      %sub3A_302 = arith.subi %get3A_292, %sub3A_301 : vector<16xi32>
      %broadcast_in_dim3A_303 = vector.broadcast %add3A_0 : i32 to vector<16xi32>
      %select_n3A_304 = arith.select %and3A_299, %sub3A_302, %broadcast_in_dim3A_303 : vector<16xi1>, vector<16xi32>
      %swap3A_305 = arith.index_cast %add3A_246 : i32 to index
      %swap3A_306 = arith.constant 32 : index
      %swap3A_307 = tpu.vector_load %arg10[%swap3A_305, %swap3A_306] {strides = array<i32>} : memref<80x125xi32, #tpu.memory_space<vmem>>, vector<1x16xi32>,
      %swap3A_308 = vector.shape_cast %swap3A_307 : vector<1x16xi32> to vector<16xi32>
      %swap3A_309 = vector.shape_cast %select_n3A_304 : vector<16xi32> to vector<1x16xi32>
      tpu.vector_store %arg10[%swap3A_305, %swap3A_306], %swap3A_309 {strides = array<i32>} : memref<80x125xi32, #tpu.memory_space<vmem>>, vector<1x16xi32>,
      %get3A_310 = arith.index_cast %add3A_246 : i32 to index
      %get3A_311 = arith.constant 48 : index
      %get3A_312 = tpu.vector_load %arg8[%get3A_310, %get3A_311] {strides = array<i32>} : memref<80x125xi32, #tpu.memory_space<vmem>>, vector<1x16xi32>,
      %get3A_313 = vector.shape_cast %get3A_312 : vector<1x16xi32> to vector<16xi32>
      %ge3A_314 = arith.constant 5120 : i32
      %ge3A_315 = vector.broadcast %ge3A_314 : i32 to vector<16xi32>
      %ge3A_316 = arith.cmpi sge, %get3A_313, %ge3A_315 : vector<16xi32>
      %lt3A_317 = arith.constant 10240 : i32
      %lt3A_318 = vector.broadcast %lt3A_317 : i32 to vector<16xi32>
      %lt3A_319 = arith.cmpi slt, %get3A_313, %lt3A_318 : vector<16xi32>
      %and3A_320 = arith.andi %ge3A_316, %lt3A_319 : vector<16xi1>
      %sub3A_321 = arith.constant 5120 : i32
      %sub3A_322 = vector.broadcast %sub3A_321 : i32 to vector<16xi32>
      %sub3A_323 = arith.subi %get3A_313, %sub3A_322 : vector<16xi32>
      %broadcast_in_dim3A_324 = vector.broadcast %add3A_0 : i32 to vector<16xi32>
      %select_n3A_325 = arith.select %and3A_320, %sub3A_323, %broadcast_in_dim3A_324 : vector<16xi1>, vector<16xi32>
      %swap3A_326 = arith.index_cast %add3A_246 : i32 to index
      %swap3A_327 = arith.constant 48 : index
      %swap3A_328 = tpu.vector_load %arg10[%swap3A_326, %swap3A_327] {strides = array<i32>} : memref<80x125xi32, #tpu.memory_space<vmem>>, vector<1x16xi32>,
      %swap3A_329 = vector.shape_cast %swap3A_328 : vector<1x16xi32> to vector<16xi32>
      %swap3A_330 = vector.shape_cast %select_n3A_325 : vector<16xi32> to vector<1x16xi32>
      tpu.vector_store %arg10[%swap3A_326, %swap3A_327], %swap3A_330 {strides = array<i32>} : memref<80x125xi32, #tpu.memory_space<vmem>>, vector<1x16xi32>,
      %get3A_331 = arith.index_cast %add3A_246 : i32 to index
      %get3A_332 = arith.constant 64 : index
      %get3A_333 = tpu.vector_load %arg8[%get3A_331, %get3A_332] {strides = array<i32>} : memref<80x125xi32, #tpu.memory_space<vmem>>, vector<1x16xi32>,
      %get3A_334 = vector.shape_cast %get3A_333 : vector<1x16xi32> to vector<16xi32>
      %ge3A_335 = arith.constant 5120 : i32
      %ge3A_336 = vector.broadcast %ge3A_335 : i32 to vector<16xi32>
      %ge3A_337 = arith.cmpi sge, %get3A_334, %ge3A_336 : vector<16xi32>
      %lt3A_338 = arith.constant 10240 : i32
      %lt3A_339 = vector.broadcast %lt3A_338 : i32 to vector<16xi32>
      %lt3A_340 = arith.cmpi slt, %get3A_334, %lt3A_339 : vector<16xi32>
      %and3A_341 = arith.andi %ge3A_337, %lt3A_340 : vector<16xi1>
      %sub3A_342 = arith.constant 5120 : i32
      %sub3A_343 = vector.broadcast %sub3A_342 : i32 to vector<16xi32>
      %sub3A_344 = arith.subi %get3A_334, %sub3A_343 : vector<16xi32>
      %broadcast_in_dim3A_345 = vector.broadcast %add3A_0 : i32 to vector<16xi32>
      %select_n3A_346 = arith.select %and3A_341, %sub3A_344, %broadcast_in_dim3A_345 : vector<16xi1>, vector<16xi32>
      %swap3A_347 = arith.index_cast %add3A_246 : i32 to index
      %swap3A_348 = arith.constant 64 : index
      %swap3A_349 = tpu.vector_load %arg10[%swap3A_347, %swap3A_348] {strides = array<i32>} : memref<80x125xi32, #tpu.memory_space<vmem>>, vector<1x16xi32>,
      %swap3A_350 = vector.shape_cast %swap3A_349 : vector<1x16xi32> to vector<16xi32>
      %swap3A_351 = vector.shape_cast %select_n3A_346 : vector<16xi32> to vector<1x16xi32>
      tpu.vector_store %arg10[%swap3A_347, %swap3A_348], %swap3A_351 {strides = array<i32>} : memref<80x125xi32, #tpu.memory_space<vmem>>, vector<1x16xi32>,
      %get3A_352 = arith.index_cast %add3A_246 : i32 to index
      %get3A_353 = arith.constant 80 : index
      %get3A_354 = tpu.vector_load %arg8[%get3A_352, %get3A_353] {strides = array<i32>} : memref<80x125xi32, #tpu.memory_space<vmem>>, vector<1x16xi32>,
      %get3A_355 = vector.shape_cast %get3A_354 : vector<1x16xi32> to vector<16xi32>
      %ge3A_356 = arith.constant 5120 : i32
      %ge3A_357 = vector.broadcast %ge3A_356 : i32 to vector<16xi32>
      %ge3A_358 = arith.cmpi sge, %get3A_355, %ge3A_357 : vector<16xi32>
      %lt3A_359 = arith.constant 10240 : i32
      %lt3A_360 = vector.broadcast %lt3A_359 : i32 to vector<16xi32>
      %lt3A_361 = arith.cmpi slt, %get3A_355, %lt3A_360 : vector<16xi32>
      %and3A_362 = arith.andi %ge3A_358, %lt3A_361 : vector<16xi1>
      %sub3A_363 = arith.constant 5120 : i32
      %sub3A_364 = vector.broadcast %sub3A_363 : i32 to vector<16xi32>
      %sub3A_365 = arith.subi %get3A_355, %sub3A_364 : vector<16xi32>
      %broadcast_in_dim3A_366 = vector.broadcast %add3A_0 : i32 to vector<16xi32>
      %select_n3A_367 = arith.select %and3A_362, %sub3A_365, %broadcast_in_dim3A_366 : vector<16xi1>, vector<16xi32>
      %swap3A_368 = arith.index_cast %add3A_246 : i32 to index
      %swap3A_369 = arith.constant 80 : index
      %swap3A_370 = tpu.vector_load %arg10[%swap3A_368, %swap3A_369] {strides = array<i32>} : memref<80x125xi32, #tpu.memory_space<vmem>>, vector<1x16xi32>,
      %swap3A_371 = vector.shape_cast %swap3A_370 : vector<1x16xi32> to vector<16xi32>
      %swap3A_372 = vector.shape_cast %select_n3A_367 : vector<16xi32> to vector<1x16xi32>
      tpu.vector_store %arg10[%swap3A_368, %swap3A_369], %swap3A_372 {strides = array<i32>} : memref<80x125xi32, #tpu.memory_space<vmem>>, vector<1x16xi32>,
      %get3A_373 = arith.index_cast %add3A_246 : i32 to index
      %get3A_374 = arith.constant 96 : index
      %get3A_375 = tpu.vector_load %arg8[%get3A_373, %get3A_374] {strides = array<i32>} : memref<80x125xi32, #tpu.memory_space<vmem>>, vector<1x16xi32>,
      %get3A_376 = vector.shape_cast %get3A_375 : vector<1x16xi32> to vector<16xi32>
      %ge3A_377 = arith.constant 5120 : i32
      %ge3A_378 = vector.broadcast %ge3A_377 : i32 to vector<16xi32>
      %ge3A_379 = arith.cmpi sge, %get3A_376, %ge3A_378 : vector<16xi32>
      %lt3A_380 = arith.constant 10240 : i32
      %lt3A_381 = vector.broadcast %lt3A_380 : i32 to vector<16xi32>
      %lt3A_382 = arith.cmpi slt, %get3A_376, %lt3A_381 : vector<16xi32>
      %and3A_383 = arith.andi %ge3A_379, %lt3A_382 : vector<16xi1>
      %sub3A_384 = arith.constant 5120 : i32
      %sub3A_385 = vector.broadcast %sub3A_384 : i32 to vector<16xi32>
      %sub3A_386 = arith.subi %get3A_376, %sub3A_385 : vector<16xi32>
      %broadcast_in_dim3A_387 = vector.broadcast %add3A_0 : i32 to vector<16xi32>
      %select_n3A_388 = arith.select %and3A_383, %sub3A_386, %broadcast_in_dim3A_387 : vector<16xi1>, vector<16xi32>
      %swap3A_389 = arith.index_cast %add3A_246 : i32 to index
      %swap3A_390 = arith.constant 96 : index
      %swap3A_391 = tpu.vector_load %arg10[%swap3A_389, %swap3A_390] {strides = array<i32>} : memref<80x125xi32, #tpu.memory_space<vmem>>, vector<1x16xi32>,
      %swap3A_392 = vector.shape_cast %swap3A_391 : vector<1x16xi32> to vector<16xi32>
      %swap3A_393 = vector.shape_cast %select_n3A_388 : vector<16xi32> to vector<1x16xi32>
      tpu.vector_store %arg10[%swap3A_389, %swap3A_390], %swap3A_393 {strides = array<i32>} : memref<80x125xi32, #tpu.memory_space<vmem>>, vector<1x16xi32>,
      %get3A_394 = arith.index_cast %add3A_246 : i32 to index
      %get3A_395 = arith.constant 109 : index
      %get3A_396 = tpu.vector_load %arg8[%get3A_394, %get3A_395] {strides = array<i32>} : memref<80x125xi32, #tpu.memory_space<vmem>>, vector<1x16xi32>,
      %get3A_397 = vector.shape_cast %get3A_396 : vector<1x16xi32> to vector<16xi32>
      %ge3A_398 = arith.constant 5120 : i32
      %ge3A_399 = vector.broadcast %ge3A_398 : i32 to vector<16xi32>
      %ge3A_400 = arith.cmpi sge, %get3A_397, %ge3A_399 : vector<16xi32>
      %lt3A_401 = arith.constant 10240 : i32
      %lt3A_402 = vector.broadcast %lt3A_401 : i32 to vector<16xi32>
      %lt3A_403 = arith.cmpi slt, %get3A_397, %lt3A_402 : vector<16xi32>
      %and3A_404 = arith.andi %ge3A_400, %lt3A_403 : vector<16xi1>
      %sub3A_405 = arith.constant 5120 : i32
      %sub3A_406 = vector.broadcast %sub3A_405 : i32 to vector<16xi32>
      %sub3A_407 = arith.subi %get3A_397, %sub3A_406 : vector<16xi32>
      %broadcast_in_dim3A_408 = vector.broadcast %add3A_0 : i32 to vector<16xi32>
      %select_n3A_409 = arith.select %and3A_404, %sub3A_407, %broadcast_in_dim3A_408 : vector<16xi1>, vector<16xi32>
      %swap3A_410 = arith.index_cast %add3A_246 : i32 to index
      %swap3A_411 = arith.constant 109 : index
      %swap3A_412 = tpu.vector_load %arg10[%swap3A_410, %swap3A_411] {strides = array<i32>} : memref<80x125xi32, #tpu.memory_space<vmem>>, vector<1x16xi32>,
      %swap3A_413 = vector.shape_cast %swap3A_412 : vector<1x16xi32> to vector<16xi32>
      %swap3A_414 = vector.shape_cast %select_n3A_409 : vector<16xi32> to vector<1x16xi32>
      tpu.vector_store %arg10[%swap3A_410, %swap3A_411], %swap3A_414 {strides = array<i32>} : memref<80x125xi32, #tpu.memory_space<vmem>>, vector<1x16xi32>,
      %add3A_415 = arith.constant 1 : i32
      %add3A_416 = arith.addi %mul3A_67, %add3A_415 : i32
      %dma_wait3A_417 = arith.constant 0 : i32
      %dma_wait3A_418 = tpu.memref_slice %arg7[%add3A_416, %dma_wait3A_417] : memref<80x125xi32, #tpu.memory_space<vmem>> -> memref<1x125xi32, #tpu.memory_space<vmem>>
      %dma_wait3A_419 = tpu.memref_squeeze %dma_wait3A_418 : memref<1x125xi32, #tpu.memory_space<vmem>> -> memref<125xi32, #tpu.memory_space<vmem>>
      %dma_wait3A_420 = arith.constant 0 : i32
      %dma_wait3A_421 = arith.constant 0 : i32
      %dma_wait3A_422 = tpu.memref_slice %arg2[%dma_wait3A_420, %dma_wait3A_421] : memref<10240x128xf32, #tpu.memory_space<hbm>> -> memref<10240x128xf32, #tpu.memory_space<hbm>>
      tpu.wait_indirect_dma semaphore(%arg15 : memref<!tpu.dma_semaphore, #tpu.memory_space<semaphore_mem>>) src(%dma_wait3A_422 : memref<10240x128xf32, #tpu.memory_space<hbm>>) dst(%arg12 : memref<125x128xf32, #tpu.memory_space<vmem>>)
      %add3A_423 = arith.constant 1 : i32
      %add3A_424 = arith.addi %mul3A_67, %add3A_423 : i32
      %dma_start3A_425 = arith.constant 0 : i32
      %dma_start3A_426 = tpu.memref_slice %arg9[%add3A_424, %dma_start3A_425] : memref<80x125xi32, #tpu.memory_space<vmem>> -> memref<1x125xi32, #tpu.memory_space<vmem>>
      %dma_start3A_427 = tpu.memref_squeeze %dma_start3A_426 : memref<1x125xi32, #tpu.memory_space<vmem>> -> memref<125xi32, #tpu.memory_space<vmem>>
      %dma_start3A_428 = arith.constant 0 : i32
      %dma_start3A_429 = arith.constant 0 : i32
      %dma_start3A_430 = tpu.memref_slice %arg13[%dma_start3A_428, %dma_start3A_429] : memref<5136x128xf32, #tpu.memory_space<vmem_shared>> -> memref<5136x128xf32, #tpu.memory_space<vmem_shared>>
      tpu.enqueue_indirect_dma source(%arg12 : memref<125x128xf32, #tpu.memory_space<vmem>>) target(%dma_start3A_430 : memref<5136x128xf32, #tpu.memory_space<vmem_shared>>) offsets(%dma_start3A_427 : memref<125xi32, #tpu.memory_space<vmem>>) semaphore(%arg17 : memref<!tpu.dma_semaphore, #tpu.memory_space<semaphore_mem>>) {add = true}
      %add3A_431 = arith.constant 0 : i32
      %add3A_432 = arith.addi %mul3A_67, %add3A_431 : i32
      %dma_wait3A_433 = arith.constant 0 : i32
      %dma_wait3A_434 = tpu.memref_slice %arg9[%add3A_432, %dma_wait3A_433] : memref<80x125xi32, #tpu.memory_space<vmem>> -> memref<1x125xi32, #tpu.memory_space<vmem>>
      %dma_wait3A_435 = tpu.memref_squeeze %dma_wait3A_434 : memref<1x125xi32, #tpu.memory_space<vmem>> -> memref<125xi32, #tpu.memory_space<vmem>>
      %dma_wait3A_436 = arith.constant 0 : i32
      %dma_wait3A_437 = arith.constant 0 : i32
      %dma_wait3A_438 = tpu.memref_slice %arg13[%dma_wait3A_436, %dma_wait3A_437] : memref<5136x128xf32, #tpu.memory_space<vmem_shared>> -> memref<5136x128xf32, #tpu.memory_space<vmem_shared>>
      tpu.wait_indirect_dma semaphore(%arg16 : memref<!tpu.dma_semaphore, #tpu.memory_space<semaphore_mem>>) src(%arg11 : memref<125x128xf32, #tpu.memory_space<vmem>>) dst(%dma_wait3A_438 : memref<5136x128xf32, #tpu.memory_space<vmem_shared>>)
      %lt3A_439 = arith.constant 39 : i32
      %lt3A_440 = arith.cmpi slt, %scan3A_65, %lt3A_439 : i32
      %convert_element_type3A = arith.extui %lt3A_440 : i1 to i32
      %cond3A = arith.constant 0 : i32
      %cond3A_441 = arith.cmpi ne, %convert_element_type3A, %cond3A : i32
      scf.if %cond3A_441 {
        %add3A_455 = arith.constant 2 : i32
        %add3A_456 = arith.addi %mul3A_67, %add3A_455 : i32
        %add3A_457 = arith.constant 0 : i32
        %add3A_458 = arith.addi %add3A_456, %add3A_457 : i32
        %dma_start3A_459 = arith.constant 0 : i32
        %dma_start3A_460 = tpu.memref_slice %arg7[%add3A_458, %dma_start3A_459] : memref<80x125xi32, #tpu.memory_space<vmem>> -> memref<1x125xi32, #tpu.memory_space<vmem>>
        %dma_start3A_461 = tpu.memref_squeeze %dma_start3A_460 : memref<1x125xi32, #tpu.memory_space<vmem>> -> memref<125xi32, #tpu.memory_space<vmem>>
        %dma_start3A_462 = arith.constant 0 : i32
        %dma_start3A_463 = arith.constant 0 : i32
        %dma_start3A_464 = tpu.memref_slice %arg2[%dma_start3A_462, %dma_start3A_463] : memref<10240x128xf32, #tpu.memory_space<hbm>> -> memref<10240x128xf32, #tpu.memory_space<hbm>>
        tpu.enqueue_indirect_dma source(%dma_start3A_464 : memref<10240x128xf32, #tpu.memory_space<hbm>>) target(%arg11 : memref<125x128xf32, #tpu.memory_space<vmem>>) offsets(%dma_start3A_461 : memref<125xi32, #tpu.memory_space<vmem>>) semaphore(%arg14 : memref<!tpu.dma_semaphore, #tpu.memory_space<semaphore_mem>>)
      } else {
      }
      %add3A_442 = arith.constant 1 : i32
      %add3A_443 = arith.addi %mul3A_67, %add3A_442 : i32
      %dma_wait3A_444 = arith.constant 0 : i32
      %dma_wait3A_445 = tpu.memref_slice %arg9[%add3A_443, %dma_wait3A_444] : memref<80x125xi32, #tpu.memory_space<vmem>> -> memref<1x125xi32, #tpu.memory_space<vmem>>
      %dma_wait3A_446 = tpu.memref_squeeze %dma_wait3A_445 : memref<1x125xi32, #tpu.memory_space<vmem>> -> memref<125xi32, #tpu.memory_space<vmem>>
      %dma_wait3A_447 = arith.constant 0 : i32
      %dma_wait3A_448 = arith.constant 0 : i32
      %dma_wait3A_449 = tpu.memref_slice %arg13[%dma_wait3A_447, %dma_wait3A_448] : memref<5136x128xf32, #tpu.memory_space<vmem_shared>> -> memref<5136x128xf32, #tpu.memory_space<vmem_shared>>
      tpu.wait_indirect_dma semaphore(%arg17 : memref<!tpu.dma_semaphore, #tpu.memory_space<semaphore_mem>>) src(%arg12 : memref<125x128xf32, #tpu.memory_space<vmem>>) dst(%dma_wait3A_449 : memref<5136x128xf32, #tpu.memory_space<vmem_shared>>)
      %lt3A_450 = arith.constant 39 : i32
      %lt3A_451 = arith.cmpi slt, %scan3A_65, %lt3A_450 : i32
      %convert_element_type3A_452 = arith.extui %lt3A_451 : i1 to i32
      %cond3A_453 = arith.constant 0 : i32
      %cond3A_454 = arith.cmpi ne, %convert_element_type3A_452, %cond3A_453 : i32
      scf.if %cond3A_454 {
        %add3A_455 = arith.constant 2 : i32
        %add3A_456 = arith.addi %mul3A_67, %add3A_455 : i32
        %add3A_457 = arith.constant 1 : i32
        %add3A_458 = arith.addi %add3A_456, %add3A_457 : i32
        %dma_start3A_459 = arith.constant 0 : i32
        %dma_start3A_460 = tpu.memref_slice %arg7[%add3A_458, %dma_start3A_459] : memref<80x125xi32, #tpu.memory_space<vmem>> -> memref<1x125xi32, #tpu.memory_space<vmem>>
        %dma_start3A_461 = tpu.memref_squeeze %dma_start3A_460 : memref<1x125xi32, #tpu.memory_space<vmem>> -> memref<125xi32, #tpu.memory_space<vmem>>
        %dma_start3A_462 = arith.constant 0 : i32
        %dma_start3A_463 = arith.constant 0 : i32
        %dma_start3A_464 = tpu.memref_slice %arg2[%dma_start3A_462, %dma_start3A_463] : memref<10240x128xf32, #tpu.memory_space<hbm>> -> memref<10240x128xf32, #tpu.memory_space<hbm>>
        tpu.enqueue_indirect_dma source(%dma_start3A_464 : memref<10240x128xf32, #tpu.memory_space<hbm>>) target(%arg12 : memref<125x128xf32, #tpu.memory_space<vmem>>) offsets(%dma_start3A_461 : memref<125xi32, #tpu.memory_space<vmem>>) semaphore(%arg15 : memref<!tpu.dma_semaphore, #tpu.memory_space<semaphore_mem>>)
      } else {
      }
    }
    %scan3A_25 = arith.constant 40 : i32
    %barrier3A_26 = arith.constant 0 : index
    tpu.barrier barrier_id(%barrier3A_26)
    %mul3A_27 = arith.constant 320 : i32
    %mul3A_28 = arith.muli %arg1, %mul3A_27 : i32
    %mul3A_29 = arith.constant 320 : i32
    %mul3A_30 = arith.muli %arg1, %mul3A_29 : i32
    %add3A_31 = arith.constant 0 : i32
    %add3A_32 = arith.addi %add3A_31, %mul3A_30 : i32
    "tpu.region"() ({
      %run_scoped3A = tpu.sem_alloc : memref<!tpu.dma_semaphore, #tpu.memory_space<semaphore_mem>>
      %dma_start3A_65 = arith.constant 0 : i32
      %dma_start3A_66 = tpu.memref_slice %arg6[%arg0, %add3A_32, %dma_start3A_65] : memref<2x10240x128xf32, #tpu.memory_space<hbm>> -> memref<1x320x128xf32, #tpu.memory_space<hbm>>
      %dma_start3A_67 = tpu.memref_squeeze %dma_start3A_66 : memref<1x320x128xf32, #tpu.memory_space<hbm>> -> memref<320x128xf32, #tpu.memory_space<hbm>>
      %dma_start3A_68 = arith.constant 0 : i32
      %dma_start3A_69 = tpu.memref_slice %arg13[%mul3A_28, %dma_start3A_68] : memref<5136x128xf32, #tpu.memory_space<vmem_shared>> -> memref<320x128xf32, #tpu.memory_space<vmem_shared>>
      tpu.enqueue_dma source(%dma_start3A_69 : memref<320x128xf32, #tpu.memory_space<vmem_shared>>) target(%dma_start3A_67 : memref<320x128xf32, #tpu.memory_space<hbm>>) target_semaphore(%run_scoped3A : memref<!tpu.dma_semaphore, #tpu.memory_space<semaphore_mem>>)
      %dma_wait3A = arith.constant 0 : i32
      %dma_wait3A_70 = tpu.memref_slice %arg6[%arg0, %add3A_32, %dma_wait3A] : memref<2x10240x128xf32, #tpu.memory_space<hbm>> -> memref<1x320x128xf32, #tpu.memory_space<hbm>>
      %dma_wait3A_71 = tpu.memref_squeeze %dma_wait3A_70 : memref<1x320x128xf32, #tpu.memory_space<hbm>> -> memref<320x128xf32, #tpu.memory_space<hbm>>
      %dma_wait3A_72 = arith.constant 0 : i32
      %dma_wait3A_73 = tpu.memref_slice %arg13[%mul3A_28, %dma_wait3A_72] : memref<5136x128xf32, #tpu.memory_space<vmem_shared>> -> memref<320x128xf32, #tpu.memory_space<vmem_shared>>
      tpu.wait_dma2 semaphore(%run_scoped3A : memref<!tpu.dma_semaphore, #tpu.memory_space<semaphore_mem>>) src(%dma_wait3A_73 : memref<320x128xf32, #tpu.memory_space<vmem_shared>>) dst(%dma_wait3A_71 : memref<320x128xf32, #tpu.memory_space<hbm>>)
      tpu.yield
    }) : () -> ()
    %barrier3A_33 = arith.constant 0 : index
    tpu.barrier barrier_id(%barrier3A_33)
    %mul3A_34 = arith.constant 321 : i32
    %mul3A_35 = arith.muli %arg1, %mul3A_34 : i32
    "tpu.region"() ({
      %run_scoped3A = tpu.sem_alloc : memref<!tpu.dma_semaphore, #tpu.memory_space<semaphore_mem>>
      %dma_start3A_65 = arith.constant 0 : i32
      %dma_start3A_66 = tpu.memref_slice %arg13[%mul3A_35, %dma_start3A_65] : memref<5136x128xf32, #tpu.memory_space<vmem_shared>> -> memref<321x128xf32, #tpu.memory_space<vmem_shared>>
      tpu.enqueue_dma source(%arg5 : memref<321x128xf32, #tpu.memory_space<hbm>>) target(%dma_start3A_66 : memref<321x128xf32, #tpu.memory_space<vmem_shared>>) target_semaphore(%run_scoped3A : memref<!tpu.dma_semaphore, #tpu.memory_space<semaphore_mem>>)
      %dma_wait3A = arith.constant 0 : i32
      %dma_wait3A_67 = tpu.memref_slice %arg13[%mul3A_35, %dma_wait3A] : memref<5136x128xf32, #tpu.memory_space<vmem_shared>> -> memref<321x128xf32, #tpu.memory_space<vmem_shared>>
      tpu.wait_dma2 semaphore(%run_scoped3A : memref<!tpu.dma_semaphore, #tpu.memory_space<semaphore_mem>>) src(%arg5 : memref<321x128xf32, #tpu.memory_space<hbm>>) dst(%dma_wait3A_67 : memref<321x128xf32, #tpu.memory_space<vmem_shared>>)
      tpu.yield
    }) : () -> ()
    %barrier3A_36 = arith.constant 0 : index
    tpu.barrier barrier_id(%barrier3A_36)
    %dma_start3A_37 = arith.constant 0 : i32
    %dma_start3A_38 = arith.constant 0 : i32
    %dma_start3A_39 = tpu.memref_slice %arg7[%dma_start3A_37, %dma_start3A_38] : memref<80x125xi32, #tpu.memory_space<vmem>> -> memref<1x125xi32, #tpu.memory_space<vmem>>
    %dma_start3A_40 = tpu.memref_squeeze %dma_start3A_39 : memref<1x125xi32, #tpu.memory_space<vmem>> -> memref<125xi32, #tpu.memory_space<vmem>>
    %dma_start3A_41 = arith.constant 0 : i32
    %dma_start3A_42 = arith.constant 0 : i32
    %dma_start3A_43 = tpu.memref_slice %arg2[%dma_start3A_41, %dma_start3A_42] : memref<10240x128xf32, #tpu.memory_space<hbm>> -> memref<10240x128xf32, #tpu.memory_space<hbm>>
    tpu.enqueue_indirect_dma source(%dma_start3A_43 : memref<10240x128xf32, #tpu.memory_space<hbm>>) target(%arg11 : memref<125x128xf32, #tpu.memory_space<vmem>>) offsets(%dma_start3A_40 : memref<125xi32, #tpu.memory_space<vmem>>) semaphore(%arg14 : memref<!tpu.dma_semaphore, #tpu.memory_space<semaphore_mem>>)
    %dma_start3A_44 = arith.constant 1 : i32
    %dma_start3A_45 = arith.constant 0 : i32
    %dma_start3A_46 = tpu.memref_slice %arg7[%dma_start3A_44, %dma_start3A_45] : memref<80x125xi32, #tpu.memory_space<vmem>> -> memref<1x125xi32, #tpu.memory_space<vmem>>
    %dma_start3A_47 = tpu.memref_squeeze %dma_start3A_46 : memref<1x125xi32, #tpu.memory_space<vmem>> -> memref<125xi32, #tpu.memory_space<vmem>>
    %dma_start3A_48 = arith.constant 0 : i32
    %dma_start3A_49 = arith.constant 0 : i32
    %dma_start3A_50 = tpu.memref_slice %arg2[%dma_start3A_48, %dma_start3A_49] : memref<10240x128xf32, #tpu.memory_space<hbm>> -> memref<10240x128xf32, #tpu.memory_space<hbm>>
    tpu.enqueue_indirect_dma source(%dma_start3A_50 : memref<10240x128xf32, #tpu.memory_space<hbm>>) target(%arg12 : memref<125x128xf32, #tpu.memory_space<vmem>>) offsets(%dma_start3A_47 : memref<125xi32, #tpu.memory_space<vmem>>) semaphore(%arg15 : memref<!tpu.dma_semaphore, #tpu.memory_space<semaphore_mem>>)
    %scan3A_51 = arith.constant 0 : i32
    %scan3A_52 = arith.constant 0 : i32
    %scan3A_53 = arith.constant 40 : i32
    %scan3A_54 = arith.addi %scan3A_52, %scan3A_53 : i32
    %scan3A_55 = arith.constant 1 : i32
    scf.for %scan3A_65 = %scan3A_52 to %scan3A_54 step %scan3A_55  : i32 {
      %mul3A_66 = arith.constant 2 : i32
      %mul3A_67 = arith.muli %mul3A_66, %scan3A_65 : i32
      %add3A_68 = arith.constant 0 : i32
      %add3A_69 = arith.addi %mul3A_67, %add3A_68 : i32
      %dma_wait3A = arith.constant 0 : i32
      %dma_wait3A_70 = tpu.memref_slice %arg7[%add3A_69, %dma_wait3A] : memref<80x125xi32, #tpu.memory_space<vmem>> -> memref<1x125xi32, #tpu.memory_space<vmem>>
      %dma_wait3A_71 = tpu.memref_squeeze %dma_wait3A_70 : memref<1x125xi32, #tpu.memory_space<vmem>> -> memref<125xi32, #tpu.memory_space<vmem>>
      %dma_wait3A_72 = arith.constant 0 : i32
      %dma_wait3A_73 = arith.constant 0 : i32
      %dma_wait3A_74 = tpu.memref_slice %arg2[%dma_wait3A_72, %dma_wait3A_73] : memref<10240x128xf32, #tpu.memory_space<hbm>> -> memref<10240x128xf32, #tpu.memory_space<hbm>>
      tpu.wait_indirect_dma semaphore(%arg14 : memref<!tpu.dma_semaphore, #tpu.memory_space<semaphore_mem>>) src(%dma_wait3A_74 : memref<10240x128xf32, #tpu.memory_space<hbm>>) dst(%arg11 : memref<125x128xf32, #tpu.memory_space<vmem>>)
      %add3A_75 = arith.constant 0 : i32
      %add3A_76 = arith.addi %mul3A_67, %add3A_75 : i32
      %dma_start3A_77 = arith.constant 0 : i32
      %dma_start3A_78 = tpu.memref_slice %arg10[%add3A_76, %dma_start3A_77] : memref<80x125xi32, #tpu.memory_space<vmem>> -> memref<1x125xi32, #tpu.memory_space<vmem>>
      %dma_start3A_79 = tpu.memref_squeeze %dma_start3A_78 : memref<1x125xi32, #tpu.memory_space<vmem>> -> memref<125xi32, #tpu.memory_space<vmem>>
      %dma_start3A_80 = arith.constant 0 : i32
      %dma_start3A_81 = arith.constant 0 : i32
      %dma_start3A_82 = tpu.memref_slice %arg13[%dma_start3A_80, %dma_start3A_81] : memref<5136x128xf32, #tpu.memory_space<vmem_shared>> -> memref<5136x128xf32, #tpu.memory_space<vmem_shared>>
      tpu.enqueue_indirect_dma source(%arg11 : memref<125x128xf32, #tpu.memory_space<vmem>>) target(%dma_start3A_82 : memref<5136x128xf32, #tpu.memory_space<vmem_shared>>) offsets(%dma_start3A_79 : memref<125xi32, #tpu.memory_space<vmem>>) semaphore(%arg16 : memref<!tpu.dma_semaphore, #tpu.memory_space<semaphore_mem>>) {add = true}
      %add3A_83 = arith.constant 1 : i32
      %add3A_84 = arith.addi %mul3A_67, %add3A_83 : i32
      %dma_wait3A_85 = arith.constant 0 : i32
      %dma_wait3A_86 = tpu.memref_slice %arg7[%add3A_84, %dma_wait3A_85] : memref<80x125xi32, #tpu.memory_space<vmem>> -> memref<1x125xi32, #tpu.memory_space<vmem>>
      %dma_wait3A_87 = tpu.memref_squeeze %dma_wait3A_86 : memref<1x125xi32, #tpu.memory_space<vmem>> -> memref<125xi32, #tpu.memory_space<vmem>>
      %dma_wait3A_88 = arith.constant 0 : i32
      %dma_wait3A_89 = arith.constant 0 : i32
      %dma_wait3A_90 = tpu.memref_slice %arg2[%dma_wait3A_88, %dma_wait3A_89] : memref<10240x128xf32, #tpu.memory_space<hbm>> -> memref<10240x128xf32, #tpu.memory_space<hbm>>
      tpu.wait_indirect_dma semaphore(%arg15 : memref<!tpu.dma_semaphore, #tpu.memory_space<semaphore_mem>>) src(%dma_wait3A_90 : memref<10240x128xf32, #tpu.memory_space<hbm>>) dst(%arg12 : memref<125x128xf32, #tpu.memory_space<vmem>>)
      %add3A_91 = arith.constant 1 : i32
      %add3A_92 = arith.addi %mul3A_67, %add3A_91 : i32
      %dma_start3A_93 = arith.constant 0 : i32
      %dma_start3A_94 = tpu.memref_slice %arg10[%add3A_92, %dma_start3A_93] : memref<80x125xi32, #tpu.memory_space<vmem>> -> memref<1x125xi32, #tpu.memory_space<vmem>>
      %dma_start3A_95 = tpu.memref_squeeze %dma_start3A_94 : memref<1x125xi32, #tpu.memory_space<vmem>> -> memref<125xi32, #tpu.memory_space<vmem>>
      %dma_start3A_96 = arith.constant 0 : i32
      %dma_start3A_97 = arith.constant 0 : i32
      %dma_start3A_98 = tpu.memref_slice %arg13[%dma_start3A_96, %dma_start3A_97] : memref<5136x128xf32, #tpu.memory_space<vmem_shared>> -> memref<5136x128xf32, #tpu.memory_space<vmem_shared>>
      tpu.enqueue_indirect_dma source(%arg12 : memref<125x128xf32, #tpu.memory_space<vmem>>) target(%dma_start3A_98 : memref<5136x128xf32, #tpu.memory_space<vmem_shared>>) offsets(%dma_start3A_95 : memref<125xi32, #tpu.memory_space<vmem>>) semaphore(%arg17 : memref<!tpu.dma_semaphore, #tpu.memory_space<semaphore_mem>>) {add = true}
      %add3A_99 = arith.constant 0 : i32
      %add3A_100 = arith.addi %mul3A_67, %add3A_99 : i32
      %dma_wait3A_101 = arith.constant 0 : i32
      %dma_wait3A_102 = tpu.memref_slice %arg10[%add3A_100, %dma_wait3A_101] : memref<80x125xi32, #tpu.memory_space<vmem>> -> memref<1x125xi32, #tpu.memory_space<vmem>>
      %dma_wait3A_103 = tpu.memref_squeeze %dma_wait3A_102 : memref<1x125xi32, #tpu.memory_space<vmem>> -> memref<125xi32, #tpu.memory_space<vmem>>
      %dma_wait3A_104 = arith.constant 0 : i32
      %dma_wait3A_105 = arith.constant 0 : i32
      %dma_wait3A_106 = tpu.memref_slice %arg13[%dma_wait3A_104, %dma_wait3A_105] : memref<5136x128xf32, #tpu.memory_space<vmem_shared>> -> memref<5136x128xf32, #tpu.memory_space<vmem_shared>>
      tpu.wait_indirect_dma semaphore(%arg16 : memref<!tpu.dma_semaphore, #tpu.memory_space<semaphore_mem>>) src(%arg11 : memref<125x128xf32, #tpu.memory_space<vmem>>) dst(%dma_wait3A_106 : memref<5136x128xf32, #tpu.memory_space<vmem_shared>>)
      %lt3A = arith.constant 39 : i32
      %lt3A_107 = arith.cmpi slt, %scan3A_65, %lt3A : i32
      %convert_element_type3A = arith.extui %lt3A_107 : i1 to i32
      %cond3A = arith.constant 0 : i32
      %cond3A_108 = arith.cmpi ne, %convert_element_type3A, %cond3A : i32
      scf.if %cond3A_108 {
        %add3A_122 = arith.constant 2 : i32
        %add3A_123 = arith.addi %mul3A_67, %add3A_122 : i32
        %add3A_124 = arith.constant 0 : i32
        %add3A_125 = arith.addi %add3A_123, %add3A_124 : i32
        %dma_start3A_126 = arith.constant 0 : i32
        %dma_start3A_127 = tpu.memref_slice %arg7[%add3A_125, %dma_start3A_126] : memref<80x125xi32, #tpu.memory_space<vmem>> -> memref<1x125xi32, #tpu.memory_space<vmem>>
        %dma_start3A_128 = tpu.memref_squeeze %dma_start3A_127 : memref<1x125xi32, #tpu.memory_space<vmem>> -> memref<125xi32, #tpu.memory_space<vmem>>
        %dma_start3A_129 = arith.constant 0 : i32
        %dma_start3A_130 = arith.constant 0 : i32
        %dma_start3A_131 = tpu.memref_slice %arg2[%dma_start3A_129, %dma_start3A_130] : memref<10240x128xf32, #tpu.memory_space<hbm>> -> memref<10240x128xf32, #tpu.memory_space<hbm>>
        tpu.enqueue_indirect_dma source(%dma_start3A_131 : memref<10240x128xf32, #tpu.memory_space<hbm>>) target(%arg11 : memref<125x128xf32, #tpu.memory_space<vmem>>) offsets(%dma_start3A_128 : memref<125xi32, #tpu.memory_space<vmem>>) semaphore(%arg14 : memref<!tpu.dma_semaphore, #tpu.memory_space<semaphore_mem>>)
      } else {
      }
      %add3A_109 = arith.constant 1 : i32
      %add3A_110 = arith.addi %mul3A_67, %add3A_109 : i32
      %dma_wait3A_111 = arith.constant 0 : i32
      %dma_wait3A_112 = tpu.memref_slice %arg10[%add3A_110, %dma_wait3A_111] : memref<80x125xi32, #tpu.memory_space<vmem>> -> memref<1x125xi32, #tpu.memory_space<vmem>>
      %dma_wait3A_113 = tpu.memref_squeeze %dma_wait3A_112 : memref<1x125xi32, #tpu.memory_space<vmem>> -> memref<125xi32, #tpu.memory_space<vmem>>
      %dma_wait3A_114 = arith.constant 0 : i32
      %dma_wait3A_115 = arith.constant 0 : i32
      %dma_wait3A_116 = tpu.memref_slice %arg13[%dma_wait3A_114, %dma_wait3A_115] : memref<5136x128xf32, #tpu.memory_space<vmem_shared>> -> memref<5136x128xf32, #tpu.memory_space<vmem_shared>>
      tpu.wait_indirect_dma semaphore(%arg17 : memref<!tpu.dma_semaphore, #tpu.memory_space<semaphore_mem>>) src(%arg12 : memref<125x128xf32, #tpu.memory_space<vmem>>) dst(%dma_wait3A_116 : memref<5136x128xf32, #tpu.memory_space<vmem_shared>>)
      %lt3A_117 = arith.constant 39 : i32
      %lt3A_118 = arith.cmpi slt, %scan3A_65, %lt3A_117 : i32
      %convert_element_type3A_119 = arith.extui %lt3A_118 : i1 to i32
      %cond3A_120 = arith.constant 0 : i32
      %cond3A_121 = arith.cmpi ne, %convert_element_type3A_119, %cond3A_120 : i32
      scf.if %cond3A_121 {
        %add3A_122 = arith.constant 2 : i32
        %add3A_123 = arith.addi %mul3A_67, %add3A_122 : i32
        %add3A_124 = arith.constant 1 : i32
        %add3A_125 = arith.addi %add3A_123, %add3A_124 : i32
        %dma_start3A_126 = arith.constant 0 : i32
        %dma_start3A_127 = tpu.memref_slice %arg7[%add3A_125, %dma_start3A_126] : memref<80x125xi32, #tpu.memory_space<vmem>> -> memref<1x125xi32, #tpu.memory_space<vmem>>
        %dma_start3A_128 = tpu.memref_squeeze %dma_start3A_127 : memref<1x125xi32, #tpu.memory_space<vmem>> -> memref<125xi32, #tpu.memory_space<vmem>>
        %dma_start3A_129 = arith.constant 0 : i32
        %dma_start3A_130 = arith.constant 0 : i32
        %dma_start3A_131 = tpu.memref_slice %arg2[%dma_start3A_129, %dma_start3A_130] : memref<10240x128xf32, #tpu.memory_space<hbm>> -> memref<10240x128xf32, #tpu.memory_space<hbm>>
        tpu.enqueue_indirect_dma source(%dma_start3A_131 : memref<10240x128xf32, #tpu.memory_space<hbm>>) target(%arg12 : memref<125x128xf32, #tpu.memory_space<vmem>>) offsets(%dma_start3A_128 : memref<125xi32, #tpu.memory_space<vmem>>) semaphore(%arg15 : memref<!tpu.dma_semaphore, #tpu.memory_space<semaphore_mem>>)
      } else {
      }
    }
    %scan3A_56 = arith.constant 40 : i32
    %barrier3A_57 = arith.constant 0 : index
    tpu.barrier barrier_id(%barrier3A_57)
    %mul3A_58 = arith.constant 320 : i32
    %mul3A_59 = arith.muli %arg1, %mul3A_58 : i32
    %mul3A_60 = arith.constant 320 : i32
    %mul3A_61 = arith.muli %arg1, %mul3A_60 : i32
    %add3A_62 = arith.constant 5120 : i32
    %add3A_63 = arith.addi %add3A_62, %mul3A_61 : i32
    "tpu.region"() ({
      %run_scoped3A = tpu.sem_alloc : memref<!tpu.dma_semaphore, #tpu.memory_space<semaphore_mem>>
      %dma_start3A_65 = arith.constant 0 : i32
      %dma_start3A_66 = tpu.memref_slice %arg6[%arg0, %add3A_63, %dma_start3A_65] : memref<2x10240x128xf32, #tpu.memory_space<hbm>> -> memref<1x320x128xf32, #tpu.memory_space<hbm>>
      %dma_start3A_67 = tpu.memref_squeeze %dma_start3A_66 : memref<1x320x128xf32, #tpu.memory_space<hbm>> -> memref<320x128xf32, #tpu.memory_space<hbm>>
      %dma_start3A_68 = arith.constant 0 : i32
      %dma_start3A_69 = tpu.memref_slice %arg13[%mul3A_59, %dma_start3A_68] : memref<5136x128xf32, #tpu.memory_space<vmem_shared>> -> memref<320x128xf32, #tpu.memory_space<vmem_shared>>
      tpu.enqueue_dma source(%dma_start3A_69 : memref<320x128xf32, #tpu.memory_space<vmem_shared>>) target(%dma_start3A_67 : memref<320x128xf32, #tpu.memory_space<hbm>>) target_semaphore(%run_scoped3A : memref<!tpu.dma_semaphore, #tpu.memory_space<semaphore_mem>>)
      %dma_wait3A = arith.constant 0 : i32
      %dma_wait3A_70 = tpu.memref_slice %arg6[%arg0, %add3A_63, %dma_wait3A] : memref<2x10240x128xf32, #tpu.memory_space<hbm>> -> memref<1x320x128xf32, #tpu.memory_space<hbm>>
      %dma_wait3A_71 = tpu.memref_squeeze %dma_wait3A_70 : memref<1x320x128xf32, #tpu.memory_space<hbm>> -> memref<320x128xf32, #tpu.memory_space<hbm>>
      %dma_wait3A_72 = arith.constant 0 : i32
      %dma_wait3A_73 = tpu.memref_slice %arg13[%mul3A_59, %dma_wait3A_72] : memref<5136x128xf32, #tpu.memory_space<vmem_shared>> -> memref<320x128xf32, #tpu.memory_space<vmem_shared>>
      tpu.wait_dma2 semaphore(%run_scoped3A : memref<!tpu.dma_semaphore, #tpu.memory_space<semaphore_mem>>) src(%dma_wait3A_73 : memref<320x128xf32, #tpu.memory_space<vmem_shared>>) dst(%dma_wait3A_71 : memref<320x128xf32, #tpu.memory_space<hbm>>)
      tpu.yield
    }) : () -> ()
    %barrier3A_64 = arith.constant 0 : index
    tpu.barrier barrier_id(%barrier3A_64)
    return
  }
}

module attributes {stable_mosaic.version = 14 : i64} {
  func.func @_mm1_body(%arg0: i32, %arg1: memref<1280x128xf32, #tpu.memory_space<vmem>>, %arg2: memref<128x128xf32, #tpu.memory_space<vmem>>, %arg3: memref<2x1280x1xf32, #tpu.memory_space<vmem>>, %arg4: memref<1280x128xf32, #tpu.memory_space<vmem>>) attributes {dimension_semantics = [#tpu.dimension_semantics<arbitrary>], iteration_bounds = array<i64: 8>, scalar_prefetch = 0 : i64, scratch_operands = 0 : i64, tpu.core_type = #tpu.core_type<tc>, window_params = [{transform_indices = @transform_0, window_bounds = array<i64: 1280, 128>}, {pipeline_mode = #tpu.pipeline_mode<synchronous>, transform_indices = @transform_1, window_bounds = array<i64: 128, 128>}, {transform_indices = @transform_2, window_bounds = array<i64: 2, 1280, 1>}, {transform_indices = @transform_3, window_bounds = array<i64: 1280, 128>}]} {
    %get3A = arith.constant 0 : index
    %get3A_0 = arith.constant 0 : index
    %get3A_1 = arith.constant 0 : index
    %get3A_2 = vector.load %arg3[%get3A, %get3A_0, %get3A_1] : memref<2x1280x1xf32, #tpu.memory_space<vmem>>, vector<2x1280x1xf32>
    %slice3A = vector.extract_strided_slice %get3A_2 {offsets = [0, 0, 0], sizes = [1, 1280, 1], strides = [1, 1, 1]} : vector<2x1280x1xf32> to vector<1x1280x1xf32>
    %squeeze3A = vector.shape_cast %slice3A : vector<1x1280x1xf32> to vector<1280x1xf32>
    %slice3A_3 = vector.extract_strided_slice %get3A_2 {offsets = [1, 0, 0], sizes = [1, 1280, 1], strides = [1, 1, 1]} : vector<2x1280x1xf32> to vector<1x1280x1xf32>
    %squeeze3A_4 = vector.shape_cast %slice3A_3 : vector<1x1280x1xf32> to vector<1280x1xf32>
    %add3A = arith.addf %squeeze3A, %squeeze3A_4 : vector<1280x1xf32>
    %add3A_5 = arith.constant 1.000000e+00 : f32
    %add3A_6 = vector.broadcast %add3A_5 : f32 to vector<1280x1xf32>
    %add3A_7 = arith.addf %add3A, %add3A_6 : vector<1280x1xf32>
    %rsqrt3A = math.rsqrt %add3A_7 : vector<1280x1xf32>
    %get3A_8 = arith.constant 0 : index
    %get3A_9 = arith.constant 0 : index
    %get3A_10 = vector.load %arg1[%get3A_8, %get3A_9] : memref<1280x128xf32, #tpu.memory_space<vmem>>, vector<1280x128xf32>
    %get3A_11 = arith.constant 0 : index
    %get3A_12 = arith.constant 0 : index
    %get3A_13 = vector.load %arg2[%get3A_11, %get3A_12] : memref<128x128xf32, #tpu.memory_space<vmem>>, vector<128x128xf32>
    %dot_general3A = arith.constant dense<0.000000e+00> : vector<1280x128xf32>
    %dot_general3A_14 = tpu.matmul %get3A_10, %get3A_13, %dot_general3A {dimension_numbers = #tpu.dot_dimension_numbers<[1], [0], [0], [1], [0, 0, 1, 1], [], []>, transpose_lhs_hint = false} : vector<1280x128xf32>, vector<128x128xf32>, vector<1280x128xf32> -> vector<1280x128xf32>
    %mul3A = vector.broadcast %rsqrt3A : vector<1280x1xf32> to vector<1280x128xf32>
    %mul3A_15 = arith.mulf %dot_general3A_14, %mul3A : vector<1280x128xf32>
    %swap3A = arith.constant 0 : index
    %swap3A_16 = arith.constant 0 : index
    %swap3A_17 = vector.load %arg4[%swap3A, %swap3A_16] : memref<1280x128xf32, #tpu.memory_space<vmem>>, vector<1280x128xf32>
    tpu.vector_store %arg4[%swap3A, %swap3A_16], %mul3A_15 {strides = array<i32>} : memref<1280x128xf32, #tpu.memory_space<vmem>>, vector<1280x128xf32>,
    return
  }
  func.func @transform_0(%arg0: i32) -> (i32, i32) {
    %c0_i32 = arith.constant 0 : i32
    %c0_i32_0 = arith.constant 0 : i32
    return %arg0, %c0_i32 : i32, i32
  }
  func.func @transform_1(%arg0: i32) -> (i32, i32) {
    %c0_i32 = arith.constant 0 : i32
    %c0_i32_0 = arith.constant 0 : i32
    %c0_i32_1 = arith.constant 0 : i32
    return %c0_i32, %c0_i32_0 : i32, i32
  }
  func.func @transform_2(%arg0: i32) -> (i32, i32, i32) {
    %c0_i32 = arith.constant 0 : i32
    %c0_i32_0 = arith.constant 0 : i32
    %c0_i32_1 = arith.constant 0 : i32
    return %c0_i32, %arg0, %c0_i32_0 : i32, i32, i32
  }
  func.func @transform_3(%arg0: i32) -> (i32, i32) {
    %c0_i32 = arith.constant 0 : i32
    %c0_i32_0 = arith.constant 0 : i32
    return %arg0, %c0_i32 : i32, i32
  }
}

module attributes {stable_mosaic.version = 14 : i64} {
  func.func @_mid_body(%arg0: i32, %arg1: memref<2x1280x128xf32, #tpu.memory_space<vmem>>, %arg2: memref<1280x128xf32, #tpu.memory_space<vmem>>, %arg3: memref<2x1280x1xf32, #tpu.memory_space<vmem>>, %arg4: memref<128x128xf32, #tpu.memory_space<vmem>>, %arg5: memref<1x128xf32, #tpu.memory_space<vmem>>, %arg6: memref<1280x128xf32, #tpu.memory_space<vmem>>) attributes {dimension_semantics = [#tpu.dimension_semantics<arbitrary>], iteration_bounds = array<i64: 8>, scalar_prefetch = 0 : i64, scratch_operands = 0 : i64, tpu.core_type = #tpu.core_type<tc>, window_params = [{transform_indices = @transform_0, window_bounds = array<i64: 2, 1280, 128>}, {transform_indices = @transform_1, window_bounds = array<i64: 1280, 128>}, {transform_indices = @transform_2, window_bounds = array<i64: 2, 1280, 1>}, {pipeline_mode = #tpu.pipeline_mode<synchronous>, transform_indices = @transform_3, window_bounds = array<i64: 128, 128>}, {pipeline_mode = #tpu.pipeline_mode<synchronous>, transform_indices = @transform_4, window_bounds = array<i64: 1, 128>}, {transform_indices = @transform_5, window_bounds = array<i64: 1280, 128>}]} {
    %get3A = arith.constant 0 : index
    %get3A_0 = arith.constant 0 : index
    %get3A_1 = arith.constant 0 : index
    %get3A_2 = vector.load %arg3[%get3A, %get3A_0, %get3A_1] : memref<2x1280x1xf32, #tpu.memory_space<vmem>>, vector<2x1280x1xf32>
    %slice3A = vector.extract_strided_slice %get3A_2 {offsets = [0, 0, 0], sizes = [1, 1280, 1], strides = [1, 1, 1]} : vector<2x1280x1xf32> to vector<1x1280x1xf32>
    %squeeze3A = vector.shape_cast %slice3A : vector<1x1280x1xf32> to vector<1280x1xf32>
    %slice3A_3 = vector.extract_strided_slice %get3A_2 {offsets = [1, 0, 0], sizes = [1, 1280, 1], strides = [1, 1, 1]} : vector<2x1280x1xf32> to vector<1x1280x1xf32>
    %squeeze3A_4 = vector.shape_cast %slice3A_3 : vector<1x1280x1xf32> to vector<1280x1xf32>
    %add3A = arith.addf %squeeze3A, %squeeze3A_4 : vector<1280x1xf32>
    %add3A_5 = arith.constant 1.000000e+00 : f32
    %add3A_6 = vector.broadcast %add3A_5 : f32 to vector<1280x1xf32>
    %add3A_7 = arith.addf %add3A, %add3A_6 : vector<1280x1xf32>
    %rsqrt3A = math.rsqrt %add3A_7 : vector<1280x1xf32>
    %get3A_8 = arith.constant 0 : index
    %get3A_9 = arith.constant 0 : index
    %get3A_10 = arith.constant 0 : index
    %get3A_11 = vector.load %arg1[%get3A_8, %get3A_9, %get3A_10] : memref<2x1280x128xf32, #tpu.memory_space<vmem>>, vector<1x1280x128xf32>
    %get3A_12 = vector.shape_cast %get3A_11 : vector<1x1280x128xf32> to vector<1280x128xf32>
    %get3A_13 = arith.constant 1 : index
    %get3A_14 = arith.constant 0 : index
    %get3A_15 = arith.constant 0 : index
    %get3A_16 = vector.load %arg1[%get3A_13, %get3A_14, %get3A_15] : memref<2x1280x128xf32, #tpu.memory_space<vmem>>, vector<1x1280x128xf32>
    %get3A_17 = vector.shape_cast %get3A_16 : vector<1x1280x128xf32> to vector<1280x128xf32>
    %add3A_18 = arith.addf %get3A_12, %get3A_17 : vector<1280x128xf32>
    %get3A_19 = arith.constant 0 : index
    %get3A_20 = arith.constant 0 : index
    %get3A_21 = vector.load %arg2[%get3A_19, %get3A_20] : memref<1280x128xf32, #tpu.memory_space<vmem>>, vector<1280x128xf32>
    %add3A_22 = arith.addf %add3A_18, %get3A_21 : vector<1280x128xf32>
    %mul3A = vector.broadcast %rsqrt3A : vector<1280x1xf32> to vector<1280x128xf32>
    %mul3A_23 = arith.mulf %mul3A, %add3A_22 : vector<1280x128xf32>
    %get3A_24 = arith.constant 0 : index
    %get3A_25 = arith.constant 0 : index
    %get3A_26 = vector.load %arg5[%get3A_24, %get3A_25] : memref<1x128xf32, #tpu.memory_space<vmem>>, vector<1x128xf32>
    %add3A_27 = vector.broadcast %get3A_26 : vector<1x128xf32> to vector<1280x128xf32>
    %add3A_28 = arith.addf %mul3A_23, %add3A_27 : vector<1280x128xf32>
    %get3A_29 = arith.constant 0 : index
    %get3A_30 = arith.constant 0 : index
    %get3A_31 = vector.load %arg4[%get3A_29, %get3A_30] : memref<128x128xf32, #tpu.memory_space<vmem>>, vector<128x128xf32>
    %dot_general3A = arith.constant dense<0.000000e+00> : vector<1280x128xf32>
    %dot_general3A_32 = tpu.matmul %add3A_28, %get3A_31, %dot_general3A {dimension_numbers = #tpu.dot_dimension_numbers<[1], [0], [0], [1], [0, 0, 1, 1], [], []>, transpose_lhs_hint = false} : vector<1280x128xf32>, vector<128x128xf32>, vector<1280x128xf32> -> vector<1280x128xf32>
    %mul3A_33 = vector.broadcast %rsqrt3A : vector<1280x1xf32> to vector<1280x128xf32>
    %mul3A_34 = arith.mulf %dot_general3A_32, %mul3A_33 : vector<1280x128xf32>
    %swap3A = arith.constant 0 : index
    %swap3A_35 = arith.constant 0 : index
    %swap3A_36 = vector.load %arg6[%swap3A, %swap3A_35] : memref<1280x128xf32, #tpu.memory_space<vmem>>, vector<1280x128xf32>
    tpu.vector_store %arg6[%swap3A, %swap3A_35], %mul3A_34 {strides = array<i32>} : memref<1280x128xf32, #tpu.memory_space<vmem>>, vector<1280x128xf32>,
    return
  }
  func.func @transform_0(%arg0: i32) -> (i32, i32, i32) {
    %c0_i32 = arith.constant 0 : i32
    %c0_i32_0 = arith.constant 0 : i32
    %c0_i32_1 = arith.constant 0 : i32
    return %c0_i32, %arg0, %c0_i32_0 : i32, i32, i32
  }
  func.func @transform_1(%arg0: i32) -> (i32, i32) {
    %c0_i32 = arith.constant 0 : i32
    %c0_i32_0 = arith.constant 0 : i32
    return %arg0, %c0_i32 : i32, i32
  }
  func.func @transform_2(%arg0: i32) -> (i32, i32, i32) {
    %c0_i32 = arith.constant 0 : i32
    %c0_i32_0 = arith.constant 0 : i32
    %c0_i32_1 = arith.constant 0 : i32
    return %c0_i32, %arg0, %c0_i32_0 : i32, i32, i32
  }
  func.func @transform_3(%arg0: i32) -> (i32, i32) {
    %c0_i32 = arith.constant 0 : i32
    %c0_i32_0 = arith.constant 0 : i32
    %c0_i32_1 = arith.constant 0 : i32
    return %c0_i32, %c0_i32_0 : i32, i32
  }
  func.func @transform_4(%arg0: i32) -> (i32, i32) {
    %c0_i32 = arith.constant 0 : i32
    %c0_i32_0 = arith.constant 0 : i32
    %c0_i32_1 = arith.constant 0 : i32
    return %c0_i32, %c0_i32_0 : i32, i32
  }
  func.func @transform_5(%arg0: i32) -> (i32, i32) {
    %c0_i32 = arith.constant 0 : i32
    %c0_i32_0 = arith.constant 0 : i32
    return %arg0, %c0_i32 : i32, i32
  }
}

module attributes {stable_mosaic.version = 14 : i64} {
  func.func @_out_body(%arg0: i32, %arg1: memref<2x1280x128xf32, #tpu.memory_space<vmem>>, %arg2: memref<1280x128xf32, #tpu.memory_space<vmem>>, %arg3: memref<2x1280x1xf32, #tpu.memory_space<vmem>>, %arg4: memref<1x128xf32, #tpu.memory_space<vmem>>, %arg5: memref<1280x128xf32, #tpu.memory_space<vmem>>) attributes {dimension_semantics = [#tpu.dimension_semantics<arbitrary>], iteration_bounds = array<i64: 8>, scalar_prefetch = 0 : i64, scratch_operands = 0 : i64, tpu.core_type = #tpu.core_type<tc>, window_params = [{transform_indices = @transform_0, window_bounds = array<i64: 2, 1280, 128>}, {transform_indices = @transform_1, window_bounds = array<i64: 1280, 128>}, {transform_indices = @transform_2, window_bounds = array<i64: 2, 1280, 1>}, {pipeline_mode = #tpu.pipeline_mode<synchronous>, transform_indices = @transform_3, window_bounds = array<i64: 1, 128>}, {transform_indices = @transform_4, window_bounds = array<i64: 1280, 128>}]} {
    %get3A = arith.constant 0 : index
    %get3A_0 = arith.constant 0 : index
    %get3A_1 = arith.constant 0 : index
    %get3A_2 = vector.load %arg3[%get3A, %get3A_0, %get3A_1] : memref<2x1280x1xf32, #tpu.memory_space<vmem>>, vector<2x1280x1xf32>
    %slice3A = vector.extract_strided_slice %get3A_2 {offsets = [0, 0, 0], sizes = [1, 1280, 1], strides = [1, 1, 1]} : vector<2x1280x1xf32> to vector<1x1280x1xf32>
    %squeeze3A = vector.shape_cast %slice3A : vector<1x1280x1xf32> to vector<1280x1xf32>
    %slice3A_3 = vector.extract_strided_slice %get3A_2 {offsets = [1, 0, 0], sizes = [1, 1280, 1], strides = [1, 1, 1]} : vector<2x1280x1xf32> to vector<1x1280x1xf32>
    %squeeze3A_4 = vector.shape_cast %slice3A_3 : vector<1x1280x1xf32> to vector<1280x1xf32>
    %add3A = arith.addf %squeeze3A, %squeeze3A_4 : vector<1280x1xf32>
    %add3A_5 = arith.constant 1.000000e+00 : f32
    %add3A_6 = vector.broadcast %add3A_5 : f32 to vector<1280x1xf32>
    %add3A_7 = arith.addf %add3A, %add3A_6 : vector<1280x1xf32>
    %rsqrt3A = math.rsqrt %add3A_7 : vector<1280x1xf32>
    %get3A_8 = arith.constant 0 : index
    %get3A_9 = arith.constant 0 : index
    %get3A_10 = arith.constant 0 : index
    %get3A_11 = vector.load %arg1[%get3A_8, %get3A_9, %get3A_10] : memref<2x1280x128xf32, #tpu.memory_space<vmem>>, vector<1x1280x128xf32>
    %get3A_12 = vector.shape_cast %get3A_11 : vector<1x1280x128xf32> to vector<1280x128xf32>
    %get3A_13 = arith.constant 1 : index
    %get3A_14 = arith.constant 0 : index
    %get3A_15 = arith.constant 0 : index
    %get3A_16 = vector.load %arg1[%get3A_13, %get3A_14, %get3A_15] : memref<2x1280x128xf32, #tpu.memory_space<vmem>>, vector<1x1280x128xf32>
    %get3A_17 = vector.shape_cast %get3A_16 : vector<1x1280x128xf32> to vector<1280x128xf32>
    %add3A_18 = arith.addf %get3A_12, %get3A_17 : vector<1280x128xf32>
    %get3A_19 = arith.constant 0 : index
    %get3A_20 = arith.constant 0 : index
    %get3A_21 = vector.load %arg2[%get3A_19, %get3A_20] : memref<1280x128xf32, #tpu.memory_space<vmem>>, vector<1280x128xf32>
    %add3A_22 = arith.addf %add3A_18, %get3A_21 : vector<1280x128xf32>
    %mul3A = vector.broadcast %rsqrt3A : vector<1280x1xf32> to vector<1280x128xf32>
    %mul3A_23 = arith.mulf %mul3A, %add3A_22 : vector<1280x128xf32>
    %get3A_24 = arith.constant 0 : index
    %get3A_25 = arith.constant 0 : index
    %get3A_26 = vector.load %arg4[%get3A_24, %get3A_25] : memref<1x128xf32, #tpu.memory_space<vmem>>, vector<1x128xf32>
    %add3A_27 = vector.broadcast %get3A_26 : vector<1x128xf32> to vector<1280x128xf32>
    %add3A_28 = arith.addf %mul3A_23, %add3A_27 : vector<1280x128xf32>
    %swap3A = arith.constant 0 : index
    %swap3A_29 = arith.constant 0 : index
    %swap3A_30 = vector.load %arg5[%swap3A, %swap3A_29] : memref<1280x128xf32, #tpu.memory_space<vmem>>, vector<1280x128xf32>
    tpu.vector_store %arg5[%swap3A, %swap3A_29], %add3A_28 {strides = array<i32>} : memref<1280x128xf32, #tpu.memory_space<vmem>>, vector<1280x128xf32>,
    return
  }
  func.func @transform_0(%arg0: i32) -> (i32, i32, i32) {
    %c0_i32 = arith.constant 0 : i32
    %c0_i32_0 = arith.constant 0 : i32
    %c0_i32_1 = arith.constant 0 : i32
    return %c0_i32, %arg0, %c0_i32_0 : i32, i32, i32
  }
  func.func @transform_1(%arg0: i32) -> (i32, i32) {
    %c0_i32 = arith.constant 0 : i32
    %c0_i32_0 = arith.constant 0 : i32
    return %arg0, %c0_i32 : i32, i32
  }
  func.func @transform_2(%arg0: i32) -> (i32, i32, i32) {
    %c0_i32 = arith.constant 0 : i32
    %c0_i32_0 = arith.constant 0 : i32
    %c0_i32_1 = arith.constant 0 : i32
    return %c0_i32, %arg0, %c0_i32_0 : i32, i32, i32
  }
  func.func @transform_3(%arg0: i32) -> (i32, i32) {
    %c0_i32 = arith.constant 0 : i32
    %c0_i32_0 = arith.constant 0 : i32
    %c0_i32_1 = arith.constant 0 : i32
    return %c0_i32, %c0_i32_0 : i32, i32
  }
  func.func @transform_4(%arg0: i32) -> (i32, i32) {
    %c0_i32 = arith.constant 0 : i32
    %c0_i32_0 = arith.constant 0 : i32
    return %arg0, %c0_i32 : i32, i32
  }
}

</mosaic_0001>

<sc_bundles>
// kernel: kernel.11.cloned.1.call-start
scs
__scs_entry_jumppad:
0x0: {  	(pc) =	sbr.rel $0x88, $3  }
0x1: {  	(tag) =	ssettag $0x0;
	lr =	simm.s32 $0x1  }
0x2: {  	[smem:$0x3F9B] =	sst lr;
	_ =	strace $0xD0000000  }
0x3: {  	_ = 	snop  }
0x4: {  	_ = 	snop  }
0x5: {  	_ = 	snop  }
0x6: {  	_ = 	snop  }
0x7: {  	_ = 	snop  }
__scs_overlays_trampoline_lowered:
0x8: {  	[smem:$0x3FAA] =	sst s0  }
0x9: {  	[smem:$0x3FAB] =	sst s1  }
0xa: {  	[smem:$0x3FAC] =	sst s2  }
0xb: {  	[smem:$0x3FAD] =	sst s3  }
0xc: {  	[smem:$0x3FAE] =	sst s4  }
0xd: {  	[smem:$0x3FAF] =	sst s5  }
0xe: {  	[smem:$0x3FB0] =	sst s6  }
0xf: {  	[smem:$0x3FB1] =	sst s7  }
0x10: {  	[smem:$0x3FB2] =	sst s8  }
0x11: {  	[smem:$0x3FB3] =	sst s9;
	s0 =	simm.s32 @!p0 $0x0  }
0x12: {  	s1 =	sld [smem:$0x3F99];
	s0 =	simm.s32 @p0 $0x1  }
0x13: {  	[smem:$0x3FB4] =	sst s0;
	s0 =	simm.s32 @!p1 $0x0  }
0x14: {  	s2 =	sld [smem:$0x3F98];
	s0 =	simm.s32 @p1 $0x1  }
0x15: {  	[smem:$0x3FB5] =	sst s0;
	s0 =	simm.s32 @!p2 $0x0  }
0x16: {  	s3 =	sld [smem:$0x3FDB];
	s0 =	simm.s32 @p2 $0x1  }
0x17: {  	s4 =	simm.s32 $0x1BF5;
	[smem:$0x3FB7] =	sst s0  }
0x18: {  	s0 =	sld [smem:$0x3F9A];
	_ =	swait.ge [sflag:s4], $0x0  }
0x19: {  	s7 =	sld [smem:$0x3F9B]  }
0x1a: {  	s8 =	sadd.s32 $0xFFFFE003, lr  }
0x1b: {  	s9 =	sadd.s32 $0xFFFFFEF7, lr;
	s5 =	simm.s32 $0xFFFFFFFF;
	p2 =	slt.u32 s8, $0xFFFFF086  }
0x1c: {  	p1 =	slt.u32 s9, $0xF7A;
	s5 =	simm.s32 @!p2 $0x0  }
0x1d: {  	s5 =	simm.s32 @p1 $0x1;
	p0 =	seq.s32 s7, s2  }
0x1e: {  	s7 =	smul.u32 @!p0 $0xF7A, s2;
	p2 =	seq.s32 @!p0 s5, $0x0  }
0x1f: {  	s9 =	smul.u32 $0xF7A, s1;
	s8 =	simm.s32 @!p0 $0x1BF5;
	p2 =	por !p2, p0  }
0x20: {  	[sflag:s8] =	ssyncset.s32 @!p0 $0xFFFFF086;
	s6 =	sadd.s32 @!p0 s3, s7;
	s7 =	simm.s32 @!p0 $0x108  }
0x21: {  	s3 =	sadd.s32 s3, s9;
	s6 =	sadd.s32 @!p0 $0x88, s6;
	s7 =	simm.s32 @p2 $0x1082  }
0x22: {  	[simem:s7], [sflag:s8] =	dma.local @!p0 [hbm:s6], $0xF7A  }
0x23: {  	s9 =	sor.u32 $0xD0000000, s2;
	s6 =	simm.s32 $0x108;
	_ =	swait.ge @!p0 [sflag:s8], $0x0  }
0x24: {  	s3 =	sadd.s32 $0x88, s3;
	s6 =	simm.s32 @!p1 $0x1082;
	[sflag:s4] =	ssyncset.s32 $0xFFFFF086  }
0x25: {  	[simem:s6], [sflag:s4] =	dma.local [hbm:s3], $0xF7A  }
0x26: {  	[smem:$0x3F9B] =	sst s1;
	(tag) =	ssettag s2;
	_ =	strace s9  }
0x27: {  	s1 =	sld [smem:$0x3FAB]  }
0x28: {  	s2 =	sld [smem:$0x3FAC]  }
0x29: {  	s4 =	sld [smem:$0x3FAE]  }
0x2a: {  	p0 =	seq.s32 s5, $0x0;
	s5 =	sld [smem:$0x3FAF]  }
0x2b: {  	s6 =	sld [smem:$0x3FB0]  }
0x2c: {  	s7 =	sld [smem:$0x3FB1]  }
0x2d: {  	s3 =	simm.s32 $0x108;
	s8 =	sld [smem:$0x3FB2]  }
0x2e: {  	s3 =	simm.s32 @!p0 $0x1082;
	s9 =	sld [smem:$0x3FB3]  }
0x2f: {  	lr =	sadd.s32 s0, s3;
	s0 =	sld [smem:$0x3FAA]  }
0x30: {  	s3 =	sld [smem:$0x3FAD]  }
0x31: {  	[smem:$0x3FB6] =	sst s10  }
0x32: {  	s10 =	sld [smem:$0x3FB4];
	_ =	sdelay $0x3  }
0x33: {  	p0 =	seq.s32 s10, $0x1;
	s10 =	sld [smem:$0x3FB6];
	_ =	sdelay $0x3  }
0x34: {  	[smem:$0x3FB6] =	sst s10  }
0x35: {  	s10 =	sld [smem:$0x3FB5];
	_ =	sdelay $0x3  }
0x36: {  	p1 =	seq.s32 s10, $0x1;
	s10 =	sld [smem:$0x3FB6];
	_ =	sdelay $0x3  }
0x37: {  	[smem:$0x3FB6] =	sst s10  }
0x38: {  	s10 =	sld [smem:$0x3FB7]  }
0x39: {  	_ = 	snop;
	(pc) =	sbr.ind lr, $3  }
0x3a: {  	_ = 	snop  }
0x3b: {  	_ = 	snop  }
0x3c: {  	p2 =	seq.s32 s10, $0x1;
	s10 =	sld [smem:$0x3FB6]  }
0x3d: {  	_ =	shalt  }
0x3e: {  	_ =	shalt  }
0x3f: {  	_ =	shalt  }
0x40: {  	_ =	shalt  }
0x41: {  	_ =	shalt  }
0x42: {  	_ =	shalt  }
0x43: {  	_ =	shalt  }
0x44: {  	_ =	shalt  }
0x45: {  	_ =	shalt  }
0x46: {  	_ =	shalt  }
0x47: {  	_ =	shalt  }
0x48: {  	_ =	shalt  }
0x49: {  	_ =	shalt  }
0x4a: {  	_ =	shalt  }
0x4b: {  	_ =	shalt  }
0x4c: {  	_ =	shalt  }
0x4d: {  	_ =	shalt  }
0x4e: {  	_ =	shalt  }
0x4f: {  	_ =	shalt  }
0x50: {  	_ =	shalt  }
0x51: {  	_ =	shalt  }
0x52: {  	_ =	shalt  }
0x53: {  	_ =	shalt  }
0x54: {  	_ =	shalt  }
0x55: {  	_ =	shalt  }
0x56: {  	_ =	shalt  }
0x57: {  	_ =	shalt  }
0x58: {  	_ =	shalt  }
0x59: {  	_ =	shalt  }
0x5a: {  	_ =	shalt  }
0x5b: {  	_ =	shalt  }
0x5c: {  	_ =	shalt  }
0x5d: {  	_ =	shalt  }
0x5e: {  	_ =	shalt  }
0x5f: {  	_ =	shalt  }
0x60: {  	_ =	shalt  }
0x61: {  	_ =	shalt  }
0x62: {  	_ =	shalt  }
0x63: {  	_ =	shalt  }
0x64: {  	_ =	shalt  }
0x65: {  	_ =	shalt  }
0x66: {  	_ =	shalt  }
0x67: {  	_ =	shalt  }
0x68: {  	_ =	shalt  }
0x69: {  	_ =	shalt  }
0x6a: {  	_ =	shalt  }
0x6b: {  	_ =	shalt  }
0x6c: {  	_ =	shalt  }
0x6d: {  	_ =	shalt  }
0x6e: {  	_ =	shalt  }
0x6f: {  	_ =	shalt  }
0x70: {  	_ =	shalt  }
0x71: {  	_ =	shalt  }
0x72: {  	_ =	shalt  }
0x73: {  	_ =	shalt  }
0x74: {  	_ =	shalt  }
0x75: {  	_ =	shalt  }
0x76: {  	_ =	shalt  }
0x77: {  	_ =	shalt  }
0x78: {  	_ =	shalt  }
0x79: {  	_ =	shalt  }
0x7a: {  	_ =	shalt  }
0x7b: {  	_ =	shalt  }
0x7c: {  	_ =	shalt  }
0x7d: {  	_ =	shalt  }
0x7e: {  	_ =	shalt  }
0x7f: {  	_ =	shalt  }
0x80: {  	_ =	shalt  }
0x81: {  	_ =	shalt  }
0x82: {  	_ =	shalt  }
0x83: {  	_ =	shalt  }
0x84: {  	_ =	shalt  }
0x85: {  	_ =	shalt  }
0x86: {  	_ =	shalt  }
0x87: {  	_ =	shalt  }
.Lfunc_end0:
.L_simem_size_0:
called_computation.1_lowered:
.L_overlay_start_0:
0x88: {  	s2 =	sld [smem:$0x3FD9]  }
0x89: {  	s3 =	sld [smem:$0x3FFE];
	_ =	sdelay $0x1  }
0x8a: {  	s1 =	srdreg.scid  }
0x8b: {  	s0 =	sand.u32 $0x1, s1  }
0x8c: {  	s17 =	sshll.u32 s0, $0xA;
	s2 =	sadd.s32 s3, s2  }
0x8d: {  	s2 =	sadd.s32 s2, s17  }
0x8e: {  	[smem:$0x3FC2] =	sst s2  }
0x8f: {  	_ = 	snop  }
0x90: {  	s2 =	sld [smem:$0x3FD0];
	(tm) =	ssettm $0x1  }
0x91: {  	s18 =	sld [smem:$0x3FFB];
	_ =	sdelay $0x3  }
0x92: {  	_ =	strace s18  }
0x93: {  	s3 =	sld [smem:$0x3FFC];
	_ =	sdelay $0x3  }
0x94: {  	_ =	strace s3  }
0x95: {  	s3 =	sld [smem:$0x3FFD];
	_ =	sdelay $0x3  }
0x96: {  	_ =	strace s3  }
0x97: {  	_ =	strace $0x8FFFFFFF  }
0x98: {  	s19 =	sld [smem:$0x3FDB];
	_ =	sdelay $0x1  }
0x99: {  	s4 =	simm.s32 $_scs_section_size  }
0x9a: {  	s5 =	simm.s32 $_size__tile_overlayer_lowered;
	s6 =	simm.s32 $_tile_overlayer_lowered  }
0x9b: {  	s22 =	simm.s32 $0x1BFF;
	s21 =	sshll.u32 s6, $0x1;
	s3 =	sadd.s32 s4, s19  }
0x9c: {  	s7 =	simm.s32 $0x0;
	s20 =	sshll.u32 s5, $0x1;
	s5 =	sadd.s32 s21, s3  }
0x9d: {  	[timem:s7], [sflag:s22] =	dma.local [hbm:s5], s20  }
0x9e: {  	_ =	swait.ge [sflag:s22], s20  }
0x9f: {  	s4 =	ssub.s32 $0x0, s20;
	[sflag:s22] =	ssyncset.done $0x0  }
0xa0: {  	[sflag:s22] =	ssyncadd.s32 s4;
	_ =	sdelay $0x1  }
0xa1: {  	s23 =	simm.s32 $0x1B8B  }
0xa2: {  	_ =	swait.ge [sflag:s23], $0x1  }
0xa3: {  	[sflag:s23] =	ssyncset.done $0x0  }
0xa4: {  	s25 =	simm.s32 $0x1B8E;
	s24 =	sld [smem:$0x3FFE];
	[sflag:s23] =	ssyncadd.s32 $0xFFFFFFFF  }
0xa5: {  	s26 =	simm.s32 $execute0_lowered;
	[smem:$0x3FD2] =	sst s25  }
0xa6: {  	s5 =	sshll.u32 s26, $0x1;
	_ =	strace $0x80000049;
	[dreg:$0x1] =	wrdreg $0xFFFFFFFF  }
0xa7: {  	s28 =	simm.s32 $_size_execute0_lowered;
	s3 =	sadd.s32 s3, s5;
	[dreg:$0x0] =	wrdreg $0x0  }
0xa8: {  	s5 =	sshll.u32 s28, $0x1;
	[dreg:$0x2] =	wrdreg s3  }
0xa9: {  	[dreg:$0x3] =	wrdreg s5  }
0xaa: {  	[dreg:$0x4] =	wrdreg $0xC0  }
0xab: {  	_ =	task [dreg:s7], $0x5FFFF  }
0xac: {  	[dreg:$0x1] =	wrdreg $0xFFFFFFFF  }
0xad: {  	[dreg:$0x0] =	wrdreg $0x60  }
0xae: {  	[dreg:$0x2] =	wrdreg s24  }
0xaf: {  	[dreg:$0x3] =	wrdreg s2  }
0xb0: {  	[dreg:$0x4] =	wrdreg $0x120000  }
0xb1: {  	[dreg:$0x5] =	wrdreg $0x9  }
0xb2: {  	_ =	task.clear_ibuf [dreg:s7], $0x6FFFF;
	_ =	strace $0x90000049  }
0xb3: {  	s29 =	simm.s32 $0x9;
	_ =	strace $0x8000004B  }
0xb4: {  	_ =	swait.ge [sflag:s29], $0x1  }
0xb5: {  	[sflag:s29] =	ssyncadd.s32 $0xFFFFFFFF  }
0xb6: {  	_ =	strace $0x9000004B  }
0xb7: {  	_ =	sfence  }
0xb8: {  	s30 =	sld [smem:$0x0];
	_ =	sdelay $0x2  }
0xb9: {  	s31 =	sshll.u32 s1, $0xD;
	s1 =	sshrl.u32 s1, $0x2  }
0xba: {  	s3 =	sand.u32 $0x4000, s31;
	s1 =	sadd.s32 s1, s30  }
0xbb: {  	s0 =	sor.u32 s3, s0;
	s1 =	sshll.u32 s1, $0x11  }
0xbc: {  	s0 =	sor.u32 s1, s0  }
0xbd: {  	s0 =	sadd.s32 $0x8F2B, s0  }
0xbe: {  	[sflag:s0] =	ssyncadd.remote.s32 $0x1  }
0xbf: {  	_ =	sfence.sel $0xFFFF  }
0xc0: {  	[dreg:$0x0] =	wrdreg $0xFFFFFFFF;
	(pc) =	sbr.abs _section_cstart, $3  }
0xc1: {  	[dreg:$0x1] =	wrdreg $0xFFFFFFFF  }
0xc2: {  	_ =	task.clear_ibuf [dreg:s7], $0x2FFFF;
	_ =	strace $0x9FFFFFFF  }
0xc3: {  	(tm) =	ssettm $0x7FFFFFFF  }
tec
execute0_lowered:
.L_overlay_start_1:
0x0: {  	(tag) =	ssettag $0x1  }
0x1: {  	s6 =	rddreg [dreg:$0x0]  }
0x2: {  	s7 =	rddreg [dreg:$0x1]  }
0x3: {  	s2 =	rddreg [dreg:$0x2]  }
0x4: {  	s0 =	srdreg.scid;
	s1 =	rddreg [dreg:$0x3]  }
0x5: {  	s3 =	simm.s32 $0x0;
	s16 =	simm.s32 $0x7D;
	s8 =	sand.u32 $0x1, s0  }
0x6: {  	s17 =	simm.s32 $0xA000;
	s0 =	stileid.u32;
	s4 =	smul.u32 $0x28000, s8  }
0x7: {  	s18 =	simm.s32 $0x80;
	s19 =	simm.s32 $0xE000;
	s5 =	smul.u32 $0x2800, s0  }
0x8: {  	s20 =	simm.s32 $0x1;
	s21 =	simm.s32 $0x2;
	s9 =	smul.u32 $0x140000, s8  }
0x9: {  	s22 =	simm.s32 $0x3;
	s23 =	simm.s32 $0x4;
	s10 =	smul.u32 $0xA000, s0  }
0xa: {  	s25 =	simm.s32 $0x9F80;
	[smem:$0x7FF] =	sst s3;
	s26 =	smul.u32 $0x28200, s0  }
0xb: {  	_ =	strace $0x8000004A;
	s8 =	ssub.s32 $0x2, s8;
	s29 =	smul.u32 $0x28000, s0  }
0xc: {  	s24 =	sor.u32 $0x1400, s0;
	s31 =	sshll.u32 s0, $0x6;
	s28 =	sshrl.u32 s8, $0x1  }
0xd: {  	v0 =	vmov s24;
	s24 =	simm.s32 $0x9F00;
	s5 =	sadd.s32 s5, s4;
	s4 =	sadd.s32 $0x5D600, s6  }
0xe: {  	s9 =	sadd.s32 s10, s9;
	s14 =	ssub.s32 s8, s28;
	s30 =	sshrl.u32 s26, $0x2  }
0xf: {  	s26 =	simm.s32 $0x0;
	s11 =	sshrl.u32 s5, $0x3;
	s5 =	sadd.s32 $0x85600, s6  }
0x10: {  	s9 =	sshrl.u32 s9, $0x3;
	s15 =	sadd.s32 s30, s2;
	s12 =	sadd.s32 s11, s6  }
0x11: {  	s13 =	sadd.s32 s9, s6;
	s7 =	sadd.s32 s7, s11;
	s9 =	sshrl.u32 s29, $0x2  }
0x12: {  	s11 =	smax.u32 s14, $0x1;
	s14 =	sor.u32 $0x1C05, s31;
	s15 =	sshrl.u32 s15, $0x3  }
0x13: {  	s6 =	sadd.s32 $0x3600, s12;
	s8 =	sadd.s32 $0x86C00, s13;
	s9 =	sadd.s32 s9, s2  }
0x14: {  	s10 =	sadd.s32 $0x9AC00, s13;
	s12 =	simm.s32 $0x5;
	s13 =	simm.s32 $0x2800  }
.LBB2_1:
0x15: {  	[tilespmem:s3], [sflag:$0x5] =	stream.linear.gather [hbm4b:s6+s3], $0x2800, $0x38;
	[tilespmem:$0x1C080] =	vst v63  }
0x16: {  	_ =	swait.ge [sflag:s12], $0x2800  }
0x17: {  	[sflag:s12] =	ssyncset.done $0x0  }
0x18: {  	[sflag:s12] =	ssyncadd.s32 $0xFFFFD800  }
0x19: {  	[tilespmem:s13], [sflag:$0x5] =	stream.linear.gather [hbm4b:s7+s3], $0x2800, $0x38;
	[tilespmem:$0x1C080] =	vst v63  }
0x1a: {  	_ =	swait.ge [sflag:s12], $0x2800  }
0x1b: {  	[sflag:s12] =	ssyncset.done $0x0  }
0x1c: {  	s29 =	simm.s32 $0x0;
	[sflag:s12] =	ssyncadd.s32 $0xFFFFD800  }
0x1d: {  	v2 =	vld [tilespmem:s29+$0x2860]  }
0x1e: {  	v4 =	vld [tilespmem:s29+$0x286D]  }
0x1f: {  	v7 =	vld [tilespmem:s29+$0x2800]  }
0x20: {  	v6 =	vld [tilespmem:s29+$0x2810]  }
0x21: {  	v5 =	vld [tilespmem:s29+$0x2820]  }
0x22: {  	v3 =	vld [tilespmem:s29+$0x2830];
	vm0 =	vlt.u32 v2, $0x1400  }
0x23: {  	v1 =	vld [tilespmem:s29+$0x2840];
	v8 =	vsel vm0, v2, v0;
	vm0 =	vlt.u32 v4, $0x1400  }
0x24: {  	s28 =	simm.s32 $0x80;
	vm1 =	vlt.u32 v7, $0x1400;
	v2 =	vld [tilespmem:s29+$0x2850];
	[tilespmem:s29+$0x5060] =	vst v8;
	v8 =	vsel vm0, v4, v0  }
0x25: {  	s30 =	simm.s32 $0x400;
	v7 =	vsel vm1, v7, v0;
	vm0 =	vlt.u32 v6, $0x1400;
	v4 =	vld [tilespmem:s28+$0x2860];
	[tilespmem:s29+$0x506D] =	vst v8  }
.LBB2_2:
0x26: {  	p0 =	sne.s32 s30, $0x9E00;
	v8 =	vld [tilespmem:s28+$0x286D];
	[tilespmem:s29+$0x5000] =	vst v7;
	v6 =	vsel vm0, v6, v0;
	vm0 =	vlt.u32 v5, $0x1400  }
0x27: {  	v7 =	vld [tilespmem:s28+$0x2800];
	[tilespmem:s29+$0x5010] =	vst v6;
	v5 =	vsel vm0, v5, v0;
	vm0 =	vlt.u32 v3, $0x1400  }
0x28: {  	v6 =	vld [tilespmem:s28+$0x2810];
	[tilespmem:s29+$0x5020] =	vst v5;
	v3 =	vsel vm0, v3, v0;
	vm0 =	vlt.u32 v1, $0x1400  }
.Ltmp0:
0x29: {  	v5 =	vld [tilespmem:s28+$0x2820];
	[tilespmem:s29+$0x5030] =	vst v3;
	v1 =	vsel vm0, v1, v0;
	vm0 =	vlt.u32 v2, $0x1400;
	(pc) =	sbr.rel @p0 .LBB2_2-.Ltmp0, $4  }
0x2a: {  	v3 =	vld [tilespmem:s28+$0x2830];
	vm1 =	vlt.u32 v4, $0x1400;
	[tilespmem:s29+$0x5040] =	vst v1;
	v2 =	vsel vm0, v2, v0  }
0x2b: {  	v1 =	vld [tilespmem:s28+$0x2840];
	v4 =	vsel vm1, v4, v0;
	vm0 =	vlt.u32 v8, $0x1400;
	[tilespmem:s29+$0x5050] =	vst v2;
	s29 =	smov.u32 s28  }
0x2c: {  	s28 =	sshra.s32 s30, $0x2;
	vm1 =	vlt.u32 v7, $0x1400;
	v2 =	vld [tilespmem:s29+$0x2850];
	[tilespmem:s29+$0x5060] =	vst v4;
	v8 =	vsel vm0, v8, v0  }
0x2d: {  	s30 =	sadd.s32 $0x200, s30;
	v4 =	vld [tilespmem:s28+$0x2860];
	v7 =	vsel vm1, v7, v0;
	vm0 =	vlt.u32 v6, $0x1400;
	[tilespmem:s29+$0x506D] =	vst v8  }
0x2e: {  	v8 =	vld [tilespmem:s28+$0x286D];
	[tilespmem:s29+$0x5000] =	vst v7;
	v6 =	vsel vm0, v6, v0;
	vm5 =	vlt.u32 v5, $0x1400  }
0x2f: {  	v7 =	vld [tilespmem:s28+$0x2800];
	[tilespmem:s29+$0x5010] =	vst v6;
	v5 =	vsel vm5, v5, v0;
	vm6 =	vlt.u32 v3, $0x1400  }
0x30: {  	v6 =	vld [tilespmem:s28+$0x2810];
	[tilespmem:s29+$0x5020] =	vst v5;
	v3 =	vsel vm6, v3, v0;
	vm7 =	vlt.u32 v1, $0x1400  }
0x31: {  	v5 =	vld [tilespmem:s28+$0x2820];
	[tilespmem:s29+$0x5030] =	vst v3;
	v1 =	vsel vm7, v1, v0;
	vm8 =	vlt.u32 v2, $0x1400  }
0x32: {  	v3 =	vld [tilespmem:s28+$0x2830];
	[tilespmem:s29+$0x5040] =	vst v1;
	v1 =	vsel vm8, v2, v0;
	vm9 =	vlt.u32 v4, $0x1400  }
0x33: {  	v2 =	vld [tilespmem:s28+$0x2840];
	[tilespmem:s29+$0x5050] =	vst v1;
	v1 =	vsel vm9, v4, v0;
	vm10 =	vlt.u32 v8, $0x1400  }
0x34: {  	v63 =	vld [tilespmem:s28+$0x2850];
	vm1 =	vlt.u32 v7, $0x1400;
	[tilespmem:s28+$0x5060] =	vst v1;
	v1 =	vsel vm10, v8, v0  }
0x35: {  	v7 =	vsel vm1, v7, v0;
	vm11 =	vlt.u32 v6, $0x1400;
	[tilespmem:s28+$0x506D] =	vst v1  }
0x36: {  	[tilespmem:s28+$0x5000] =	vst v7;
	v1 =	vsel vm11, v6, v0;
	vm12 =	vlt.u32 v5, $0x1400  }
0x37: {  	[tilespmem:s28+$0x5010] =	vst v1;
	v1 =	vsel vm12, v5, v0;
	vm13 =	vlt.u32 v3, $0x1400  }
0x38: {  	[tilespmem:s28+$0x5020] =	vst v1;
	v1 =	vsel vm13, v3, v0;
	vm14 =	vlt.u32 v2, $0x1400  }
0x39: {  	[tilespmem:s28+$0x5030] =	vst v1;
	v1 =	vsel vm14, v2, v0;
	vm15 =	vlt.u32 v63, $0x1400  }
0x3a: {  	[tilespmem:s28+$0x5040] =	vst v1;
	v1 =	vsel vm15, v63, v0  }
0x3b: {  	[tilespmem:s28+$0x5050] =	vst v1  }
0x3c: {  	[spmem:s15], [sflag:s14] =	dma.local [hbm:s5], $0x1410  }
0x3d: {  	_ =	swait.ge [sflag:s12], $0x1410  }
0x3e: {  	[sflag:s12] =	ssyncset.done $0x0  }
0x3f: {  	[sflag:s12] =	ssyncadd.s32 $0xFFFFEBF0  }
0x40: {  	s28 =	simm.s32 $0x0;
	[bflag:$0x0] =	sbarrier.arrive $0xFFFF  }
0x41: {  	[tilespmem:s17], [sflag:$0x1] =	stream.indirect.gather [hbm4b:s4+s16], $0x80, s28, s16, $0xb8;
	[tilespmem:$0x1C080] =	vst v63  }
0x42: {  	_ = 	snop  }
0x43: {  	[tilespmem:s19], [sflag:$0x2] =	stream.indirect.gather [hbm4b:s4+s16], $0x80, s18, s16, $0xb8;
	[tilespmem:$0x1C080] =	vst v63  }
.LBB2_4:
0x44: {  	s29 =	sshra.s32 s28, $0x2  }
0x45: {  	v1 =	vld [tilespmem:s29+$0x2800]  }
0x46: {  	v2 =	vld [tilespmem:s29+$0x2810]  }
0x47: {  	v3 =	vld [tilespmem:s29+$0x2820]  }
0x48: {  	v4 =	vld [tilespmem:s29+$0x2830]  }
0x49: {  	v5 =	vld [tilespmem:s29+$0x2840]  }
0x4a: {  	v6 =	vld [tilespmem:s29+$0x2850];
	v1 =	vadd.s32 $0xFFFFEC00, v1  }
0x4b: {  	v7 =	vld [tilespmem:s29+$0x2860];
	v2 =	vadd.s32 $0xFFFFEC00, v2;
	vm0 =	vlt.u32 v1, $0x1400  }
0x4c: {  	v8 =	vld [tilespmem:s29+$0x286D];
	v3 =	vadd.s32 $0xFFFFEC00, v3;
	vm13 =	vlt.u32 v2, $0x1400;
	v1 =	vsel vm0, v1, v0  }
0x4d: {  	vm14 =	vlt.u32 v3, $0x1400;
	[tilespmem:s29+$0x7800] =	vst v1;
	v1 =	vsel vm13, v2, v0;
	v2 =	vadd.s32 $0xFFFFEC00, v4  }
0x4e: {  	[tilespmem:s29+$0x7810] =	vst v1;
	v1 =	vsel vm14, v3, v0;
	vm15 =	vlt.u32 v2, $0x1400;
	v3 =	vadd.s32 $0xFFFFEC00, v5  }
0x4f: {  	[tilespmem:s29+$0x7820] =	vst v1;
	v1 =	vsel vm15, v2, v0;
	vm4 =	vlt.u32 v3, $0x1400;
	v2 =	vadd.s32 $0xFFFFEC00, v6  }
0x50: {  	[tilespmem:s29+$0x7830] =	vst v1;
	v1 =	vsel vm4, v3, v0;
	vm5 =	vlt.u32 v2, $0x1400;
	v3 =	vadd.s32 $0xFFFFEC00, v7  }
0x51: {  	[tilespmem:s29+$0x7840] =	vst v1;
	v1 =	vsel vm5, v2, v0;
	vm6 =	vlt.u32 v3, $0x1400;
	v2 =	vadd.s32 $0xFFFFEC00, v8  }
0x52: {  	[tilespmem:s29+$0x7850] =	vst v1;
	v1 =	vsel vm6, v3, v0;
	vm7 =	vlt.u32 v2, $0x1400  }
0x53: {  	[tilespmem:s29+$0x7860] =	vst v1;
	v1 =	vsel vm7, v2, v0  }
0x54: {  	[tilespmem:s29+$0x786D] =	vst v1  }
0x55: {  	_ =	swait.ge [sflag:s20], $0x3E80  }
0x56: {  	[sflag:s20] =	ssyncset.done $0x0  }
0x57: {  	s30 =	sadd.s32 $0x5000, s29;
	[sflag:s20] =	ssyncadd.s32 $0xFFFFC180  }
0x58: {  	[spmem:s2] =	stream.indirect.scatter.add.f32 [tilespmem:s17], [sflag:$0x3], $0x80, s30, s16, $0xb8;
	[tilespmem:$0x1C080] =	vst v63  }
0x59: {  	v1 =	vld [tilespmem:s29+$0x2880]  }
0x5a: {  	v2 =	vld [tilespmem:s29+$0x2890]  }
0x5b: {  	v3 =	vld [tilespmem:s29+$0x28A0]  }
0x5c: {  	v59 =	vld [tilespmem:s29+$0x28B0]  }
0x5d: {  	v60 =	vld [tilespmem:s29+$0x28C0]  }
0x5e: {  	v61 =	vld [tilespmem:s29+$0x28D0];
	v1 =	vadd.s32 $0xFFFFEC00, v1  }
0x5f: {  	v62 =	vld [tilespmem:s29+$0x28E0];
	v2 =	vadd.s32 $0xFFFFEC00, v2;
	vm8 =	vlt.u32 v1, $0x1400  }
0x60: {  	v63 =	vld [tilespmem:s29+$0x28ED];
	v3 =	vadd.s32 $0xFFFFEC00, v3;
	vm9 =	vlt.u32 v2, $0x1400;
	v1 =	vsel vm8, v1, v0  }
0x61: {  	vm10 =	vlt.u32 v3, $0x1400;
	[tilespmem:s29+$0x7880] =	vst v1;
	v1 =	vsel vm9, v2, v0;
	v2 =	vadd.s32 $0xFFFFEC00, v59  }
0x62: {  	[tilespmem:s29+$0x7890] =	vst v1;
	v1 =	vsel vm10, v3, v0;
	vm11 =	vlt.u32 v2, $0x1400;
	v3 =	vadd.s32 $0xFFFFEC00, v60  }
0x63: {  	[tilespmem:s29+$0x78A0] =	vst v1;
	v1 =	vsel vm11, v2, v0;
	vm12 =	vlt.u32 v3, $0x1400;
	v2 =	vadd.s32 $0xFFFFEC00, v61  }
0x64: {  	[tilespmem:s29+$0x78B0] =	vst v1;
	v1 =	vsel vm12, v3, v0;
	vm13 =	vlt.u32 v2, $0x1400;
	v3 =	vadd.s32 $0xFFFFEC00, v62  }
0x65: {  	[tilespmem:s29+$0x78C0] =	vst v1;
	v1 =	vsel vm13, v2, v0;
	vm14 =	vlt.u32 v3, $0x1400;
	v2 =	vadd.s32 $0xFFFFEC00, v63  }
0x66: {  	[tilespmem:s29+$0x78D0] =	vst v1;
	v1 =	vsel vm14, v3, v0;
	vm15 =	vlt.u32 v2, $0x1400  }
0x67: {  	[tilespmem:s29+$0x78E0] =	vst v1;
	v1 =	vsel vm15, v2, v0  }
0x68: {  	[tilespmem:s29+$0x78ED] =	vst v1  }
0x69: {  	_ =	swait.ge [sflag:s21], $0x3E80  }
0x6a: {  	p0 =	seq.s32 s28, $0x9C00;
	[sflag:s21] =	ssyncset.done $0x0  }
.Ltmp1:
0x6b: {  	s31 =	sadd.s32 $0x5080, s29;
	[sflag:s21] =	ssyncadd.s32 $0xFFFFC180;
	(pc) =	sbr.rel @p0 .LBB2_6-.Ltmp1, $4  }
0x6c: {  	[spmem:s2] =	stream.indirect.scatter.add.f32 [tilespmem:s19], [sflag:$0x4], $0x80, s31, s16, $0xb8;
	[tilespmem:$0x1C080] =	vst v63  }
0x6d: {  	_ =	swait.ge [sflag:s22], $0x3E80  }
0x6e: {  	[sflag:s22] =	ssyncset.done $0x0  }
0x6f: {  	[sflag:s22] =	ssyncadd.s32 $0xFFFFC180  }
0x70: {  	s30 =	sadd.s32 $0x100, s29  }
0x71: {  	[tilespmem:s17], [sflag:$0x1] =	stream.indirect.gather [hbm4b:s4+s16], $0x80, s30, s16, $0xb8;
	[tilespmem:$0x1C080] =	vst v63  }
.Ltmp2:
0x72: {  	_ = 	snop;
	(pc) =	sbr.rel .LBB2_4-.Ltmp2, $4  }
0x73: {  	_ =	swait.ge [sflag:s23], $0x3E80  }
0x74: {  	[sflag:s23] =	ssyncset.done $0x0  }
0x75: {  	s31 =	sadd.s32 $0x180, s29;
	s28 =	sadd.s32 $0x400, s28;
	[sflag:s23] =	ssyncadd.s32 $0xFFFFC180  }
0x76: {  	[tilespmem:s19], [sflag:$0x2] =	stream.indirect.gather [hbm4b:s4+s16], $0x80, s31, s16, $0xb8;
	[tilespmem:$0x1C080] =	vst v63  }
.LBB2_6:
0x77: {  	_ =	swait.ge [sflag:s23], $0x3E80  }
0x78: {  	[sflag:s23] =	ssyncset.done $0x0  }
0x79: {  	[sflag:s23] =	ssyncadd.s32 $0xFFFFC180  }
0x7a: {  	s28 =	sshrl.u32 s9, $0x3;
	[bflag:$0x0] =	sbarrier.arrive $0xFFFF  }
0x7b: {  	[hbm:s8], [sflag:s14] =	dma.local [spmem:s28], $0x1400  }
0x7c: {  	_ =	swait.ge [sflag:s12], $0x1400  }
0x7d: {  	[sflag:s12] =	ssyncset.done $0x0  }
0x7e: {  	[sflag:s12] =	ssyncadd.s32 $0xFFFFEC00  }
0x7f: {  	[bflag:$0x0] =	sbarrier.arrive $0xFFFF  }
0x80: {  	[spmem:s15], [sflag:s14] =	dma.local [hbm:s5], $0x1410  }
0x81: {  	_ =	swait.ge [sflag:s12], $0x1410  }
0x82: {  	[sflag:s12] =	ssyncset.done $0x0  }
0x83: {  	[sflag:s12] =	ssyncadd.s32 $0xFFFFEBF0  }
0x84: {  	s29 =	simm.s32 $0x0;
	[bflag:$0x0] =	sbarrier.arrive $0xFFFF  }
0x85: {  	[tilespmem:s17], [sflag:$0x1] =	stream.indirect.gather [hbm4b:s4+s16], $0x80, s29, s16, $0xb8;
	[tilespmem:$0x1C080] =	vst v63  }
0x86: {  	_ = 	snop  }
0x87: {  	[tilespmem:s19], [sflag:$0x2] =	stream.indirect.gather [hbm4b:s4+s16], $0x80, s18, s16, $0xb8;
	[tilespmem:$0x1C080] =	vst v63  }
0x88: {  	_ =	swait.ge [sflag:s20], $0x3E80  }
0x89: {  	[sflag:s20] =	ssyncset.done $0x0  }
0x8a: {  	s29 =	simm.s32 $0x7800;
	[sflag:s20] =	ssyncadd.s32 $0xFFFFC180  }
0x8b: {  	[spmem:s2] =	stream.indirect.scatter.add.f32 [tilespmem:s17], [sflag:$0x3], $0x80, s29, s16, $0xb8;
	[tilespmem:$0x1C080] =	vst v63  }
0x8c: {  	_ =	swait.ge [sflag:s21], $0x3E80  }
0x8d: {  	[sflag:s21] =	ssyncset.done $0x0  }
0x8e: {  	s29 =	simm.s32 $0x7880;
	[sflag:s21] =	ssyncadd.s32 $0xFFFFC180  }
0x8f: {  	[spmem:s2] =	stream.indirect.scatter.add.f32 [tilespmem:s19], [sflag:$0x4], $0x80, s29, s16, $0xb8;
	[tilespmem:$0x1C080] =	vst v63  }
0x90: {  	_ =	swait.ge [sflag:s22], $0x3E80  }
0x91: {  	[sflag:s22] =	ssyncset.done $0x0  }
0x92: {  	s29 =	simm.s32 $0x100;
	[sflag:s22] =	ssyncadd.s32 $0xFFFFC180  }
0x93: {  	[tilespmem:s17], [sflag:$0x1] =	stream.indirect.gather [hbm4b:s4+s16], $0x80, s29, s16, $0xb8;
	[tilespmem:$0x1C080] =	vst v63  }
0x94: {  	_ =	swait.ge [sflag:s23], $0x3E80  }
0x95: {  	[sflag:s23] =	ssyncset.done $0x0  }
0x96: {  	s30 =	simm.s32 $0x180;
	s29 =	simm.s32 $0x400;
	[sflag:s23] =	ssyncadd.s32 $0xFFFFC180  }
.LBB2_7:
0x97: {  	[tilespmem:s19], [sflag:$0x2] =	stream.indirect.gather [hbm4b:s4+s16], $0x80, s30, s16, $0xb8;
	[tilespmem:$0x1C080] =	vst v63  }
0x98: {  	s30 =	smov.u32 s29  }
0x99: {  	p0 =	sne.s32 s29, $0x9800;
	s29 =	sadd.s32 $0x400, s29;
	_ =	swait.ge [sflag:s20], $0x3E80  }
0x9a: {  	s30 =	sshra.s32 s30, $0x2;
	[sflag:s20] =	ssyncset.done $0x0  }
0x9b: {  	s31 =	sadd.s32 $0x7800, s30;
	[sflag:s20] =	ssyncadd.s32 $0xFFFFC180  }
0x9c: {  	[spmem:s2] =	stream.indirect.scatter.add.f32 [tilespmem:s17], [sflag:$0x3], $0x80, s31, s16, $0xb8;
	[tilespmem:$0x1C080] =	vst v63  }
0x9d: {  	_ =	swait.ge [sflag:s21], $0x3E80  }
0x9e: {  	[sflag:s21] =	ssyncset.done $0x0  }
0x9f: {  	s31 =	sadd.s32 $0x7880, s30;
	[sflag:s21] =	ssyncadd.s32 $0xFFFFC180  }
0xa0: {  	[spmem:s2] =	stream.indirect.scatter.add.f32 [tilespmem:s19], [sflag:$0x4], $0x80, s31, s16, $0xb8;
	[tilespmem:$0x1C080] =	vst v63  }
0xa1: {  	_ =	swait.ge [sflag:s22], $0x3E80  }
0xa2: {  	[sflag:s22] =	ssyncset.done $0x0  }
.Ltmp3:
0xa3: {  	s31 =	sadd.s32 $0x100, s30;
	[sflag:s22] =	ssyncadd.s32 $0xFFFFC180;
	(pc) =	sbr.rel @p0 .LBB2_7-.Ltmp3, $4  }
0xa4: {  	[tilespmem:s17], [sflag:$0x1] =	stream.indirect.gather [hbm4b:s4+s16], $0x80, s31, s16, $0xb8;
	[tilespmem:$0x1C080] =	vst v63  }
0xa5: {  	_ =	swait.ge [sflag:s23], $0x3E80  }
0xa6: {  	[sflag:s23] =	ssyncset.done $0x0  }
0xa7: {  	s30 =	sadd.s32 $0x180, s30;
	[sflag:s23] =	ssyncadd.s32 $0xFFFFC180  }
0xa8: {  	[tilespmem:s19], [sflag:$0x2] =	stream.indirect.gather [hbm4b:s4+s16], $0x80, s30, s16, $0xb8;
	[tilespmem:$0x1C080] =	vst v63  }
0xa9: {  	_ =	swait.ge [sflag:s20], $0x3E80  }
0xaa: {  	[sflag:s20] =	ssyncset.done $0x0  }
0xab: {  	[sflag:s20] =	ssyncadd.s32 $0xFFFFC180  }
0xac: {  	[spmem:s2] =	stream.indirect.scatter.add.f32 [tilespmem:s17], [sflag:$0x3], $0x80, s24, s16, $0xb8;
	[tilespmem:$0x1C080] =	vst v63  }
0xad: {  	_ =	swait.ge [sflag:s21], $0x3E80  }
0xae: {  	[sflag:s21] =	ssyncset.done $0x0  }
0xaf: {  	[sflag:s21] =	ssyncadd.s32 $0xFFFFC180  }
0xb0: {  	[spmem:s2] =	stream.indirect.scatter.add.f32 [tilespmem:s19], [sflag:$0x4], $0x80, s25, s16, $0xb8;
	[tilespmem:$0x1C080] =	vst v63  }
0xb1: {  	_ =	swait.ge [sflag:s22], $0x3E80  }
0xb2: {  	[sflag:s22] =	ssyncset.done $0x0  }
0xb3: {  	[sflag:s22] =	ssyncadd.s32 $0xFFFFC180  }
0xb4: {  	_ =	swait.ge [sflag:s23], $0x3E80  }
0xb5: {  	[sflag:s23] =	ssyncset.done $0x0  }
0xb6: {  	s26 =	sadd.s32 $0x1, s26;
	[sflag:s23] =	ssyncadd.s32 $0xFFFFC180  }
0xb7: {  	p0 =	sne.s32 s26, s11;
	[bflag:$0x0] =	sbarrier.arrive $0xFFFF  }
0xb8: {  	[hbm:s10], [sflag:s14] =	dma.local [spmem:s28], $0x1400  }
.Ltmp4:
0xb9: {  	_ =	swait.ge [sflag:s12], $0x1400;
	(pc) =	sbr.rel @p0 .LBB2_1-.Ltmp4, $3  }
0xba: {  	[sflag:s12] =	ssyncset.done $0x0  }
0xbb: {  	[sflag:s12] =	ssyncadd.s32 $0xFFFFEC00  }
0xbc: {  	[bflag:$0x0] =	sbarrier.arrive $0xFFFF;
	_ =	sdelay $0x1  }
0xbd: {  	_ =	sfence.sel $0x180000  }
0xbe: {  	[bflag:$0x0] =	sbarrier.arrive $0xFFFF  }
0xbf: {  	p0 =	sne.s32 s0, $0x0;
	_ =	strace $0x9000004A  }
0xc0: {  	s0 =	sadd.s32 @!p0 $0x100000, s1;
	[bflag:$0x2] =	sbarrier.arrive $0xFFFF  }
0xc1: {  	[sflag:s0] =	ssyncadd.tile.s32 @!p0 $0x1;
	_ =	shalt  }
.Lfunc_end2:
_tile_overlayer_lowered:
.L_overlay_start_2:
0xc2: {  	(tag) =	ssettag $0x2  }
0xc3: {  	s0 =	rddreg [dreg:$0x0];
	s2 =	stileid.u32  }
0xc4: {  	s1 =	rddreg [dreg:$0x1];
	p0 =	sne.s32 s2, $0x0  }
0xc5: {  	s3 =	rddreg [dreg:$0x2];
	[bflag:$0x3] =	sbarrier.arrive $0xFFFF;
	s2 =	simm.s32 @!p0 $0x1C05  }
0xc6: {  	[timem:s3], [sflag:s2] =	dma.local @!p0 [hbm:s0], s1  }
0xc7: {  	s0 =	simm.s32 @!p0 $0x5  }
0xc8: {  	_ =	swait.ge @!p0 [sflag:s0], s1  }
0xc9: {  	s1 =	ssub.s32 @!p0 $0x0, s1;
	[sflag:s0] =	ssyncset.done @!p0 $0x0  }
0xca: {  	[sflag:s0] =	ssyncadd.s32 @!p0 s1  }
0xcb: {  	[bflag:$0x3] =	sbarrier.arrive $0xFFFF  }
0xcc: {  	_ =	shalt  }

// kernel: kernel.14.cloned.1.call-start
scs
__scs_entry_jumppad:
0x0: {  	(pc) =	sbr.rel $0x88, $3  }
0x1: {  	(tag) =	ssettag $0x0;
	lr =	simm.s32 $0x1  }
0x2: {  	[smem:$0x3F9B] =	sst lr;
	_ =	strace $0xD0000000  }
0x3: {  	_ = 	snop  }
0x4: {  	_ = 	snop  }
0x5: {  	_ = 	snop  }
0x6: {  	_ = 	snop  }
0x7: {  	_ = 	snop  }
__scs_overlays_trampoline_lowered:
0x8: {  	[smem:$0x3FAA] =	sst s0  }
0x9: {  	[smem:$0x3FAB] =	sst s1  }
0xa: {  	[smem:$0x3FAC] =	sst s2  }
0xb: {  	[smem:$0x3FAD] =	sst s3  }
0xc: {  	[smem:$0x3FAE] =	sst s4  }
0xd: {  	[smem:$0x3FAF] =	sst s5  }
0xe: {  	[smem:$0x3FB0] =	sst s6  }
0xf: {  	[smem:$0x3FB1] =	sst s7  }
0x10: {  	[smem:$0x3FB2] =	sst s8  }
0x11: {  	[smem:$0x3FB3] =	sst s9;
	s0 =	simm.s32 @!p0 $0x0  }
0x12: {  	s1 =	sld [smem:$0x3F99];
	s0 =	simm.s32 @p0 $0x1  }
0x13: {  	[smem:$0x3FB4] =	sst s0;
	s0 =	simm.s32 @!p1 $0x0  }
0x14: {  	s2 =	sld [smem:$0x3F98];
	s0 =	simm.s32 @p1 $0x1  }
0x15: {  	[smem:$0x3FB5] =	sst s0;
	s0 =	simm.s32 @!p2 $0x0  }
0x16: {  	s3 =	sld [smem:$0x3FDB];
	s0 =	simm.s32 @p2 $0x1  }
0x17: {  	s4 =	simm.s32 $0x1BF5;
	[smem:$0x3FB7] =	sst s0  }
0x18: {  	s0 =	sld [smem:$0x3F9A];
	_ =	swait.ge [sflag:s4], $0x0  }
0x19: {  	s7 =	sld [smem:$0x3F9B]  }
0x1a: {  	s8 =	sadd.s32 $0xFFFFE003, lr  }
0x1b: {  	s9 =	sadd.s32 $0xFFFFFEF7, lr;
	s5 =	simm.s32 $0xFFFFFFFF;
	p2 =	slt.u32 s8, $0xFFFFF086  }
0x1c: {  	p1 =	slt.u32 s9, $0xF7A;
	s5 =	simm.s32 @!p2 $0x0  }
0x1d: {  	s5 =	simm.s32 @p1 $0x1;
	p0 =	seq.s32 s7, s2  }
0x1e: {  	s7 =	smul.u32 @!p0 $0xF7A, s2;
	p2 =	seq.s32 @!p0 s5, $0x0  }
0x1f: {  	s9 =	smul.u32 $0xF7A, s1;
	s8 =	simm.s32 @!p0 $0x1BF5;
	p2 =	por !p2, p0  }
0x20: {  	[sflag:s8] =	ssyncset.s32 @!p0 $0xFFFFF086;
	s6 =	sadd.s32 @!p0 s3, s7;
	s7 =	simm.s32 @!p0 $0x108  }
0x21: {  	s3 =	sadd.s32 s3, s9;
	s6 =	sadd.s32 @!p0 $0x88, s6;
	s7 =	simm.s32 @p2 $0x1082  }
0x22: {  	[simem:s7], [sflag:s8] =	dma.local @!p0 [hbm:s6], $0xF7A  }
0x23: {  	s9 =	sor.u32 $0xD0000000, s2;
	s6 =	simm.s32 $0x108;
	_ =	swait.ge @!p0 [sflag:s8], $0x0  }
0x24: {  	s3 =	sadd.s32 $0x88, s3;
	s6 =	simm.s32 @!p1 $0x1082;
	[sflag:s4] =	ssyncset.s32 $0xFFFFF086  }
0x25: {  	[simem:s6], [sflag:s4] =	dma.local [hbm:s3], $0xF7A  }
0x26: {  	[smem:$0x3F9B] =	sst s1;
	(tag) =	ssettag s2;
	_ =	strace s9  }
0x27: {  	s1 =	sld [smem:$0x3FAB]  }
0x28: {  	s2 =	sld [smem:$0x3FAC]  }
0x29: {  	s4 =	sld [smem:$0x3FAE]  }
0x2a: {  	p0 =	seq.s32 s5, $0x0;
	s5 =	sld [smem:$0x3FAF]  }
0x2b: {  	s6 =	sld [smem:$0x3FB0]  }
0x2c: {  	s7 =	sld [smem:$0x3FB1]  }
0x2d: {  	s3 =	simm.s32 $0x108;
	s8 =	sld [smem:$0x3FB2]  }
0x2e: {  	s3 =	simm.s32 @!p0 $0x1082;
	s9 =	sld [smem:$0x3FB3]  }
0x2f: {  	lr =	sadd.s32 s0, s3;
	s0 =	sld [smem:$0x3FAA]  }
0x30: {  	s3 =	sld [smem:$0x3FAD]  }
0x31: {  	[smem:$0x3FB6] =	sst s10  }
0x32: {  	s10 =	sld [smem:$0x3FB4];
	_ =	sdelay $0x3  }
0x33: {  	p0 =	seq.s32 s10, $0x1;
	s10 =	sld [smem:$0x3FB6];
	_ =	sdelay $0x3  }
0x34: {  	[smem:$0x3FB6] =	sst s10  }
0x35: {  	s10 =	sld [smem:$0x3FB5];
	_ =	sdelay $0x3  }
0x36: {  	p1 =	seq.s32 s10, $0x1;
	s10 =	sld [smem:$0x3FB6];
	_ =	sdelay $0x3  }
0x37: {  	[smem:$0x3FB6] =	sst s10  }
0x38: {  	s10 =	sld [smem:$0x3FB7]  }
0x39: {  	_ = 	snop;
	(pc) =	sbr.ind lr, $3  }
0x3a: {  	_ = 	snop  }
0x3b: {  	_ = 	snop  }
0x3c: {  	p2 =	seq.s32 s10, $0x1;
	s10 =	sld [smem:$0x3FB6]  }
0x3d: {  	_ =	shalt  }
0x3e: {  	_ =	shalt  }
0x3f: {  	_ =	shalt  }
0x40: {  	_ =	shalt  }
0x41: {  	_ =	shalt  }
0x42: {  	_ =	shalt  }
0x43: {  	_ =	shalt  }
0x44: {  	_ =	shalt  }
0x45: {  	_ =	shalt  }
0x46: {  	_ =	shalt  }
0x47: {  	_ =	shalt  }
0x48: {  	_ =	shalt  }
0x49: {  	_ =	shalt  }
0x4a: {  	_ =	shalt  }
0x4b: {  	_ =	shalt  }
0x4c: {  	_ =	shalt  }
0x4d: {  	_ =	shalt  }
0x4e: {  	_ =	shalt  }
0x4f: {  	_ =	shalt  }
0x50: {  	_ =	shalt  }
0x51: {  	_ =	shalt  }
0x52: {  	_ =	shalt  }
0x53: {  	_ =	shalt  }
0x54: {  	_ =	shalt  }
0x55: {  	_ =	shalt  }
0x56: {  	_ =	shalt  }
0x57: {  	_ =	shalt  }
0x58: {  	_ =	shalt  }
0x59: {  	_ =	shalt  }
0x5a: {  	_ =	shalt  }
0x5b: {  	_ =	shalt  }
0x5c: {  	_ =	shalt  }
0x5d: {  	_ =	shalt  }
0x5e: {  	_ =	shalt  }
0x5f: {  	_ =	shalt  }
0x60: {  	_ =	shalt  }
0x61: {  	_ =	shalt  }
0x62: {  	_ =	shalt  }
0x63: {  	_ =	shalt  }
0x64: {  	_ =	shalt  }
0x65: {  	_ =	shalt  }
0x66: {  	_ =	shalt  }
0x67: {  	_ =	shalt  }
0x68: {  	_ =	shalt  }
0x69: {  	_ =	shalt  }
0x6a: {  	_ =	shalt  }
0x6b: {  	_ =	shalt  }
0x6c: {  	_ =	shalt  }
0x6d: {  	_ =	shalt  }
0x6e: {  	_ =	shalt  }
0x6f: {  	_ =	shalt  }
0x70: {  	_ =	shalt  }
0x71: {  	_ =	shalt  }
0x72: {  	_ =	shalt  }
0x73: {  	_ =	shalt  }
0x74: {  	_ =	shalt  }
0x75: {  	_ =	shalt  }
0x76: {  	_ =	shalt  }
0x77: {  	_ =	shalt  }
0x78: {  	_ =	shalt  }
0x79: {  	_ =	shalt  }
0x7a: {  	_ =	shalt  }
0x7b: {  	_ =	shalt  }
0x7c: {  	_ =	shalt  }
0x7d: {  	_ =	shalt  }
0x7e: {  	_ =	shalt  }
0x7f: {  	_ =	shalt  }
0x80: {  	_ =	shalt  }
0x81: {  	_ =	shalt  }
0x82: {  	_ =	shalt  }
0x83: {  	_ =	shalt  }
0x84: {  	_ =	shalt  }
0x85: {  	_ =	shalt  }
0x86: {  	_ =	shalt  }
0x87: {  	_ =	shalt  }
.Lfunc_end0:
.L_simem_size_0:
called_computation.2_lowered:
.L_overlay_start_0:
0x88: {  	s2 =	sld [smem:$0x3FD9]  }
0x89: {  	s3 =	sld [smem:$0x3FFE];
	_ =	sdelay $0x1  }
0x8a: {  	s1 =	srdreg.scid  }
0x8b: {  	s0 =	sand.u32 $0x1, s1  }
0x8c: {  	s17 =	sshll.u32 s0, $0xA;
	s2 =	sadd.s32 s3, s2  }
0x8d: {  	s2 =	sadd.s32 s2, s17  }
0x8e: {  	[smem:$0x3FC2] =	sst s2  }
0x8f: {  	_ = 	snop  }
0x90: {  	s2 =	sld [smem:$0x3FD0];
	(tm) =	ssettm $0x1  }
0x91: {  	s18 =	sld [smem:$0x3FFB];
	_ =	sdelay $0x3  }
0x92: {  	_ =	strace s18  }
0x93: {  	s3 =	sld [smem:$0x3FFC];
	_ =	sdelay $0x3  }
0x94: {  	_ =	strace s3  }
0x95: {  	s3 =	sld [smem:$0x3FFD];
	_ =	sdelay $0x3  }
0x96: {  	_ =	strace s3  }
0x97: {  	_ =	strace $0x8FFFFFFF  }
0x98: {  	s19 =	sld [smem:$0x3FDB];
	_ =	sdelay $0x1  }
0x99: {  	s4 =	simm.s32 $_scs_section_size  }
0x9a: {  	s5 =	simm.s32 $_size__tile_overlayer_lowered;
	s6 =	simm.s32 $_tile_overlayer_lowered  }
0x9b: {  	s22 =	simm.s32 $0x1BFF;
	s21 =	sshll.u32 s6, $0x1;
	s3 =	sadd.s32 s4, s19  }
0x9c: {  	s7 =	simm.s32 $0x0;
	s20 =	sshll.u32 s5, $0x1;
	s5 =	sadd.s32 s21, s3  }
0x9d: {  	[timem:s7], [sflag:s22] =	dma.local [hbm:s5], s20  }
0x9e: {  	_ =	swait.ge [sflag:s22], s20  }
0x9f: {  	s4 =	ssub.s32 $0x0, s20;
	[sflag:s22] =	ssyncset.done $0x0  }
0xa0: {  	[sflag:s22] =	ssyncadd.s32 s4;
	_ =	sdelay $0x1  }
0xa1: {  	s23 =	simm.s32 $0x1B8B  }
0xa2: {  	_ =	swait.ge [sflag:s23], $0x1  }
0xa3: {  	[sflag:s23] =	ssyncset.done $0x0  }
0xa4: {  	s25 =	simm.s32 $0x1B8E;
	s24 =	sld [smem:$0x3FFE];
	[sflag:s23] =	ssyncadd.s32 $0xFFFFFFFF  }
0xa5: {  	s26 =	simm.s32 $execute0_lowered;
	[smem:$0x3FD2] =	sst s25  }
0xa6: {  	s5 =	sshll.u32 s26, $0x1;
	_ =	strace $0x8000004C;
	[dreg:$0x1] =	wrdreg $0xFFFFFFFF  }
0xa7: {  	s28 =	simm.s32 $_size_execute0_lowered;
	s3 =	sadd.s32 s3, s5;
	[dreg:$0x0] =	wrdreg $0x0  }
0xa8: {  	s5 =	sshll.u32 s28, $0x1;
	[dreg:$0x2] =	wrdreg s3  }
0xa9: {  	[dreg:$0x3] =	wrdreg s5  }
0xaa: {  	[dreg:$0x4] =	wrdreg $0xC0  }
0xab: {  	_ =	task [dreg:s7], $0x5FFFF  }
0xac: {  	[dreg:$0x1] =	wrdreg $0xFFFFFFFF  }
0xad: {  	[dreg:$0x0] =	wrdreg $0x60  }
0xae: {  	[dreg:$0x2] =	wrdreg s24  }
0xaf: {  	[dreg:$0x3] =	wrdreg s2  }
0xb0: {  	[dreg:$0x4] =	wrdreg $0x120000  }
0xb1: {  	[dreg:$0x5] =	wrdreg $0x9  }
0xb2: {  	_ =	task.clear_ibuf [dreg:s7], $0x6FFFF;
	_ =	strace $0x9000004C  }
0xb3: {  	s29 =	simm.s32 $0x9;
	_ =	strace $0x8000004E  }
0xb4: {  	_ =	swait.ge [sflag:s29], $0x1  }
0xb5: {  	[sflag:s29] =	ssyncadd.s32 $0xFFFFFFFF  }
0xb6: {  	_ =	strace $0x9000004E  }
0xb7: {  	_ =	sfence  }
0xb8: {  	s30 =	sld [smem:$0x0];
	_ =	sdelay $0x2  }
0xb9: {  	s31 =	sshll.u32 s1, $0xD;
	s1 =	sshrl.u32 s1, $0x2  }
0xba: {  	s3 =	sand.u32 $0x4000, s31;
	s1 =	sadd.s32 s1, s30  }
0xbb: {  	s0 =	sor.u32 s3, s0;
	s1 =	sshll.u32 s1, $0x11  }
0xbc: {  	s0 =	sor.u32 s1, s0  }
0xbd: {  	s0 =	sadd.s32 $0x8F2B, s0  }
0xbe: {  	[sflag:s0] =	ssyncadd.remote.s32 $0x1  }
0xbf: {  	_ =	sfence.sel $0xFFFF  }
0xc0: {  	[dreg:$0x0] =	wrdreg $0xFFFFFFFF;
	(pc) =	sbr.abs _section_cstart, $3  }
0xc1: {  	[dreg:$0x1] =	wrdreg $0xFFFFFFFF  }
0xc2: {  	_ =	task.clear_ibuf [dreg:s7], $0x2FFFF;
	_ =	strace $0x9FFFFFFF  }
0xc3: {  	(tm) =	ssettm $0x7FFFFFFF  }
tec
execute0_lowered:
.L_overlay_start_1:
0x0: {  	(tag) =	ssettag $0x1  }
0x1: {  	s6 =	rddreg [dreg:$0x0]  }
0x2: {  	s7 =	rddreg [dreg:$0x1]  }
0x3: {  	s2 =	rddreg [dreg:$0x2]  }
0x4: {  	s0 =	srdreg.scid;
	s1 =	rddreg [dreg:$0x3]  }
0x5: {  	s3 =	simm.s32 $0x0;
	s16 =	simm.s32 $0x7D;
	s8 =	sand.u32 $0x1, s0  }
0x6: {  	s17 =	simm.s32 $0xA000;
	s0 =	stileid.u32;
	s4 =	smul.u32 $0x28000, s8  }
0x7: {  	s18 =	simm.s32 $0x80;
	s19 =	simm.s32 $0xE000;
	s5 =	smul.u32 $0x2800, s0  }
0x8: {  	s20 =	simm.s32 $0x1;
	s21 =	simm.s32 $0x2;
	s9 =	smul.u32 $0x140000, s8  }
0x9: {  	s22 =	simm.s32 $0x3;
	s23 =	simm.s32 $0x4;
	s10 =	smul.u32 $0xA000, s0  }
0xa: {  	s25 =	simm.s32 $0x9F80;
	[smem:$0x7FF] =	sst s3;
	s26 =	smul.u32 $0x28200, s0  }
0xb: {  	_ =	strace $0x8000004D;
	s8 =	ssub.s32 $0x2, s8;
	s29 =	smul.u32 $0x28000, s0  }
0xc: {  	s24 =	sor.u32 $0x1400, s0;
	s31 =	sshll.u32 s0, $0x6;
	s28 =	sshrl.u32 s8, $0x1  }
0xd: {  	v0 =	vmov s24;
	s24 =	simm.s32 $0x9F00;
	s5 =	sadd.s32 s5, s4;
	s4 =	sadd.s32 $0x5D600, s6  }
0xe: {  	s9 =	sadd.s32 s10, s9;
	s14 =	ssub.s32 s8, s28;
	s30 =	sshrl.u32 s26, $0x2  }
0xf: {  	s26 =	simm.s32 $0x0;
	s11 =	sshrl.u32 s5, $0x3;
	s5 =	sadd.s32 $0x85600, s6  }
0x10: {  	s9 =	sshrl.u32 s9, $0x3;
	s15 =	sadd.s32 s30, s2;
	s12 =	sadd.s32 s11, s6  }
0x11: {  	s13 =	sadd.s32 s9, s6;
	s7 =	sadd.s32 s7, s11;
	s9 =	sshrl.u32 s29, $0x2  }
0x12: {  	s11 =	smax.u32 s14, $0x1;
	s14 =	sor.u32 $0x1C05, s31;
	s15 =	sshrl.u32 s15, $0x3  }
0x13: {  	s6 =	sadd.s32 $0x3600, s12;
	s8 =	sadd.s32 $0x86C00, s13;
	s9 =	sadd.s32 s9, s2  }
0x14: {  	s10 =	sadd.s32 $0x9AC00, s13;
	s12 =	simm.s32 $0x5;
	s13 =	simm.s32 $0x2800  }
.LBB2_1:
0x15: {  	[tilespmem:s3], [sflag:$0x5] =	stream.linear.gather [hbm4b:s6+s3], $0x2800, $0x38;
	[tilespmem:$0x1C080] =	vst v63  }
0x16: {  	_ =	swait.ge [sflag:s12], $0x2800  }
0x17: {  	[sflag:s12] =	ssyncset.done $0x0  }
0x18: {  	[sflag:s12] =	ssyncadd.s32 $0xFFFFD800  }
0x19: {  	[tilespmem:s13], [sflag:$0x5] =	stream.linear.gather [hbm4b:s7+s3], $0x2800, $0x38;
	[tilespmem:$0x1C080] =	vst v63  }
0x1a: {  	_ =	swait.ge [sflag:s12], $0x2800  }
0x1b: {  	[sflag:s12] =	ssyncset.done $0x0  }
0x1c: {  	s29 =	simm.s32 $0x0;
	[sflag:s12] =	ssyncadd.s32 $0xFFFFD800  }
0x1d: {  	v2 =	vld [tilespmem:s29+$0x2860]  }
0x1e: {  	v4 =	vld [tilespmem:s29+$0x286D]  }
0x1f: {  	v7 =	vld [tilespmem:s29+$0x2800]  }
0x20: {  	v6 =	vld [tilespmem:s29+$0x2810]  }
0x21: {  	v5 =	vld [tilespmem:s29+$0x2820]  }
0x22: {  	v3 =	vld [tilespmem:s29+$0x2830];
	vm0 =	vlt.u32 v2, $0x1400  }
0x23: {  	v1 =	vld [tilespmem:s29+$0x2840];
	v8 =	vsel vm0, v2, v0;
	vm0 =	vlt.u32 v4, $0x1400  }
0x24: {  	s28 =	simm.s32 $0x80;
	vm1 =	vlt.u32 v7, $0x1400;
	v2 =	vld [tilespmem:s29+$0x2850];
	[tilespmem:s29+$0x5060] =	vst v8;
	v8 =	vsel vm0, v4, v0  }
0x25: {  	s30 =	simm.s32 $0x400;
	v7 =	vsel vm1, v7, v0;
	vm0 =	vlt.u32 v6, $0x1400;
	v4 =	vld [tilespmem:s28+$0x2860];
	[tilespmem:s29+$0x506D] =	vst v8  }
.LBB2_2:
0x26: {  	p0 =	sne.s32 s30, $0x9E00;
	v8 =	vld [tilespmem:s28+$0x286D];
	[tilespmem:s29+$0x5000] =	vst v7;
	v6 =	vsel vm0, v6, v0;
	vm0 =	vlt.u32 v5, $0x1400  }
0x27: {  	v7 =	vld [tilespmem:s28+$0x2800];
	[tilespmem:s29+$0x5010] =	vst v6;
	v5 =	vsel vm0, v5, v0;
	vm0 =	vlt.u32 v3, $0x1400  }
0x28: {  	v6 =	vld [tilespmem:s28+$0x2810];
	[tilespmem:s29+$0x5020] =	vst v5;
	v3 =	vsel vm0, v3, v0;
	vm0 =	vlt.u32 v1, $0x1400  }
.Ltmp0:
0x29: {  	v5 =	vld [tilespmem:s28+$0x2820];
	[tilespmem:s29+$0x5030] =	vst v3;
	v1 =	vsel vm0, v1, v0;
	vm0 =	vlt.u32 v2, $0x1400;
	(pc) =	sbr.rel @p0 .LBB2_2-.Ltmp0, $4  }
0x2a: {  	v3 =	vld [tilespmem:s28+$0x2830];
	vm1 =	vlt.u32 v4, $0x1400;
	[tilespmem:s29+$0x5040] =	vst v1;
	v2 =	vsel vm0, v2, v0  }
0x2b: {  	v1 =	vld [tilespmem:s28+$0x2840];
	v4 =	vsel vm1, v4, v0;
	vm0 =	vlt.u32 v8, $0x1400;
	[tilespmem:s29+$0x5050] =	vst v2;
	s29 =	smov.u32 s28  }
0x2c: {  	s28 =	sshra.s32 s30, $0x2;
	vm1 =	vlt.u32 v7, $0x1400;
	v2 =	vld [tilespmem:s29+$0x2850];
	[tilespmem:s29+$0x5060] =	vst v4;
	v8 =	vsel vm0, v8, v0  }
0x2d: {  	s30 =	sadd.s32 $0x200, s30;
	v4 =	vld [tilespmem:s28+$0x2860];
	v7 =	vsel vm1, v7, v0;
	vm0 =	vlt.u32 v6, $0x1400;
	[tilespmem:s29+$0x506D] =	vst v8  }
0x2e: {  	v8 =	vld [tilespmem:s28+$0x286D];
	[tilespmem:s29+$0x5000] =	vst v7;
	v6 =	vsel vm0, v6, v0;
	vm5 =	vlt.u32 v5, $0x1400  }
0x2f: {  	v7 =	vld [tilespmem:s28+$0x2800];
	[tilespmem:s29+$0x5010] =	vst v6;
	v5 =	vsel vm5, v5, v0;
	vm6 =	vlt.u32 v3, $0x1400  }
0x30: {  	v6 =	vld [tilespmem:s28+$0x2810];
	[tilespmem:s29+$0x5020] =	vst v5;
	v3 =	vsel vm6, v3, v0;
	vm7 =	vlt.u32 v1, $0x1400  }
0x31: {  	v5 =	vld [tilespmem:s28+$0x2820];
	[tilespmem:s29+$0x5030] =	vst v3;
	v1 =	vsel vm7, v1, v0;
	vm8 =	vlt.u32 v2, $0x1400  }
0x32: {  	v3 =	vld [tilespmem:s28+$0x2830];
	[tilespmem:s29+$0x5040] =	vst v1;
	v1 =	vsel vm8, v2, v0;
	vm9 =	vlt.u32 v4, $0x1400  }
0x33: {  	v2 =	vld [tilespmem:s28+$0x2840];
	[tilespmem:s29+$0x5050] =	vst v1;
	v1 =	vsel vm9, v4, v0;
	vm10 =	vlt.u32 v8, $0x1400  }
0x34: {  	v63 =	vld [tilespmem:s28+$0x2850];
	vm1 =	vlt.u32 v7, $0x1400;
	[tilespmem:s28+$0x5060] =	vst v1;
	v1 =	vsel vm10, v8, v0  }
0x35: {  	v7 =	vsel vm1, v7, v0;
	vm11 =	vlt.u32 v6, $0x1400;
	[tilespmem:s28+$0x506D] =	vst v1  }
0x36: {  	[tilespmem:s28+$0x5000] =	vst v7;
	v1 =	vsel vm11, v6, v0;
	vm12 =	vlt.u32 v5, $0x1400  }
0x37: {  	[tilespmem:s28+$0x5010] =	vst v1;
	v1 =	vsel vm12, v5, v0;
	vm13 =	vlt.u32 v3, $0x1400  }
0x38: {  	[tilespmem:s28+$0x5020] =	vst v1;
	v1 =	vsel vm13, v3, v0;
	vm14 =	vlt.u32 v2, $0x1400  }
0x39: {  	[tilespmem:s28+$0x5030] =	vst v1;
	v1 =	vsel vm14, v2, v0;
	vm15 =	vlt.u32 v63, $0x1400  }
0x3a: {  	[tilespmem:s28+$0x5040] =	vst v1;
	v1 =	vsel vm15, v63, v0  }
0x3b: {  	[tilespmem:s28+$0x5050] =	vst v1  }
0x3c: {  	[spmem:s15], [sflag:s14] =	dma.local [hbm:s5], $0x1410  }
0x3d: {  	_ =	swait.ge [sflag:s12], $0x1410  }
0x3e: {  	[sflag:s12] =	ssyncset.done $0x0  }
0x3f: {  	[sflag:s12] =	ssyncadd.s32 $0xFFFFEBF0  }
0x40: {  	s28 =	simm.s32 $0x0;
	[bflag:$0x0] =	sbarrier.arrive $0xFFFF  }
0x41: {  	[tilespmem:s17], [sflag:$0x1] =	stream.indirect.gather [hbm4b:s4+s16], $0x80, s28, s16, $0xb8;
	[tilespmem:$0x1C080] =	vst v63  }
0x42: {  	_ = 	snop  }
0x43: {  	[tilespmem:s19], [sflag:$0x2] =	stream.indirect.gather [hbm4b:s4+s16], $0x80, s18, s16, $0xb8;
	[tilespmem:$0x1C080] =	vst v63  }
.LBB2_4:
0x44: {  	s29 =	sshra.s32 s28, $0x2  }
0x45: {  	v1 =	vld [tilespmem:s29+$0x2800]  }
0x46: {  	v2 =	vld [tilespmem:s29+$0x2810]  }
0x47: {  	v3 =	vld [tilespmem:s29+$0x2820]  }
0x48: {  	v4 =	vld [tilespmem:s29+$0x2830]  }
0x49: {  	v5 =	vld [tilespmem:s29+$0x2840]  }
0x4a: {  	v6 =	vld [tilespmem:s29+$0x2850];
	v1 =	vadd.s32 $0xFFFFEC00, v1  }
0x4b: {  	v7 =	vld [tilespmem:s29+$0x2860];
	v2 =	vadd.s32 $0xFFFFEC00, v2;
	vm0 =	vlt.u32 v1, $0x1400  }
0x4c: {  	v8 =	vld [tilespmem:s29+$0x286D];
	v3 =	vadd.s32 $0xFFFFEC00, v3;
	vm13 =	vlt.u32 v2, $0x1400;
	v1 =	vsel vm0, v1, v0  }
0x4d: {  	vm14 =	vlt.u32 v3, $0x1400;
	[tilespmem:s29+$0x7800] =	vst v1;
	v1 =	vsel vm13, v2, v0;
	v2 =	vadd.s32 $0xFFFFEC00, v4  }
0x4e: {  	[tilespmem:s29+$0x7810] =	vst v1;
	v1 =	vsel vm14, v3, v0;
	vm15 =	vlt.u32 v2, $0x1400;
	v3 =	vadd.s32 $0xFFFFEC00, v5  }
0x4f: {  	[tilespmem:s29+$0x7820] =	vst v1;
	v1 =	vsel vm15, v2, v0;
	vm4 =	vlt.u32 v3, $0x1400;
	v2 =	vadd.s32 $0xFFFFEC00, v6  }
0x50: {  	[tilespmem:s29+$0x7830] =	vst v1;
	v1 =	vsel vm4, v3, v0;
	vm5 =	vlt.u32 v2, $0x1400;
	v3 =	vadd.s32 $0xFFFFEC00, v7  }
0x51: {  	[tilespmem:s29+$0x7840] =	vst v1;
	v1 =	vsel vm5, v2, v0;
	vm6 =	vlt.u32 v3, $0x1400;
	v2 =	vadd.s32 $0xFFFFEC00, v8  }
0x52: {  	[tilespmem:s29+$0x7850] =	vst v1;
	v1 =	vsel vm6, v3, v0;
	vm7 =	vlt.u32 v2, $0x1400  }
0x53: {  	[tilespmem:s29+$0x7860] =	vst v1;
	v1 =	vsel vm7, v2, v0  }
0x54: {  	[tilespmem:s29+$0x786D] =	vst v1  }
0x55: {  	_ =	swait.ge [sflag:s20], $0x3E80  }
0x56: {  	[sflag:s20] =	ssyncset.done $0x0  }
0x57: {  	s30 =	sadd.s32 $0x5000, s29;
	[sflag:s20] =	ssyncadd.s32 $0xFFFFC180  }
0x58: {  	[spmem:s2] =	stream.indirect.scatter.add.f32 [tilespmem:s17], [sflag:$0x3], $0x80, s30, s16, $0xb8;
	[tilespmem:$0x1C080] =	vst v63  }
0x59: {  	v1 =	vld [tilespmem:s29+$0x2880]  }
0x5a: {  	v2 =	vld [tilespmem:s29+$0x2890]  }
0x5b: {  	v3 =	vld [tilespmem:s29+$0x28A0]  }
0x5c: {  	v59 =	vld [tilespmem:s29+$0x28B0]  }
0x5d: {  	v60 =	vld [tilespmem:s29+$0x28C0]  }
0x5e: {  	v61 =	vld [tilespmem:s29+$0x28D0];
	v1 =	vadd.s32 $0xFFFFEC00, v1  }
0x5f: {  	v62 =	vld [tilespmem:s29+$0x28E0];
	v2 =	vadd.s32 $0xFFFFEC00, v2;
	vm8 =	vlt.u32 v1, $0x1400  }
0x60: {  	v63 =	vld [tilespmem:s29+$0x28ED];
	v3 =	vadd.s32 $0xFFFFEC00, v3;
	vm9 =	vlt.u32 v2, $0x1400;
	v1 =	vsel vm8, v1, v0  }
0x61: {  	vm10 =	vlt.u32 v3, $0x1400;
	[tilespmem:s29+$0x7880] =	vst v1;
	v1 =	vsel vm9, v2, v0;
	v2 =	vadd.s32 $0xFFFFEC00, v59  }
0x62: {  	[tilespmem:s29+$0x7890] =	vst v1;
	v1 =	vsel vm10, v3, v0;
	vm11 =	vlt.u32 v2, $0x1400;
	v3 =	vadd.s32 $0xFFFFEC00, v60  }
0x63: {  	[tilespmem:s29+$0x78A0] =	vst v1;
	v1 =	vsel vm11, v2, v0;
	vm12 =	vlt.u32 v3, $0x1400;
	v2 =	vadd.s32 $0xFFFFEC00, v61  }
0x64: {  	[tilespmem:s29+$0x78B0] =	vst v1;
	v1 =	vsel vm12, v3, v0;
	vm13 =	vlt.u32 v2, $0x1400;
	v3 =	vadd.s32 $0xFFFFEC00, v62  }
0x65: {  	[tilespmem:s29+$0x78C0] =	vst v1;
	v1 =	vsel vm13, v2, v0;
	vm14 =	vlt.u32 v3, $0x1400;
	v2 =	vadd.s32 $0xFFFFEC00, v63  }
0x66: {  	[tilespmem:s29+$0x78D0] =	vst v1;
	v1 =	vsel vm14, v3, v0;
	vm15 =	vlt.u32 v2, $0x1400  }
0x67: {  	[tilespmem:s29+$0x78E0] =	vst v1;
	v1 =	vsel vm15, v2, v0  }
0x68: {  	[tilespmem:s29+$0x78ED] =	vst v1  }
0x69: {  	_ =	swait.ge [sflag:s21], $0x3E80  }
0x6a: {  	p0 =	seq.s32 s28, $0x9C00;
	[sflag:s21] =	ssyncset.done $0x0  }
.Ltmp1:
0x6b: {  	s31 =	sadd.s32 $0x5080, s29;
	[sflag:s21] =	ssyncadd.s32 $0xFFFFC180;
	(pc) =	sbr.rel @p0 .LBB2_6-.Ltmp1, $4  }
0x6c: {  	[spmem:s2] =	stream.indirect.scatter.add.f32 [tilespmem:s19], [sflag:$0x4], $0x80, s31, s16, $0xb8;
	[tilespmem:$0x1C080] =	vst v63  }
0x6d: {  	_ =	swait.ge [sflag:s22], $0x3E80  }
0x6e: {  	[sflag:s22] =	ssyncset.done $0x0  }
0x6f: {  	[sflag:s22] =	ssyncadd.s32 $0xFFFFC180  }
0x70: {  	s30 =	sadd.s32 $0x100, s29  }
0x71: {  	[tilespmem:s17], [sflag:$0x1] =	stream.indirect.gather [hbm4b:s4+s16], $0x80, s30, s16, $0xb8;
	[tilespmem:$0x1C080] =	vst v63  }
.Ltmp2:
0x72: {  	_ = 	snop;
	(pc) =	sbr.rel .LBB2_4-.Ltmp2, $4  }
0x73: {  	_ =	swait.ge [sflag:s23], $0x3E80  }
0x74: {  	[sflag:s23] =	ssyncset.done $0x0  }
0x75: {  	s31 =	sadd.s32 $0x180, s29;
	s28 =	sadd.s32 $0x400, s28;
	[sflag:s23] =	ssyncadd.s32 $0xFFFFC180  }
0x76: {  	[tilespmem:s19], [sflag:$0x2] =	stream.indirect.gather [hbm4b:s4+s16], $0x80, s31, s16, $0xb8;
	[tilespmem:$0x1C080] =	vst v63  }
.LBB2_6:
0x77: {  	_ =	swait.ge [sflag:s23], $0x3E80  }
0x78: {  	[sflag:s23] =	ssyncset.done $0x0  }
0x79: {  	[sflag:s23] =	ssyncadd.s32 $0xFFFFC180  }
0x7a: {  	s28 =	sshrl.u32 s9, $0x3;
	[bflag:$0x0] =	sbarrier.arrive $0xFFFF  }
0x7b: {  	[hbm:s8], [sflag:s14] =	dma.local [spmem:s28], $0x1400  }
0x7c: {  	_ =	swait.ge [sflag:s12], $0x1400  }
0x7d: {  	[sflag:s12] =	ssyncset.done $0x0  }
0x7e: {  	[sflag:s12] =	ssyncadd.s32 $0xFFFFEC00  }
0x7f: {  	[bflag:$0x0] =	sbarrier.arrive $0xFFFF  }
0x80: {  	[spmem:s15], [sflag:s14] =	dma.local [hbm:s5], $0x1410  }
0x81: {  	_ =	swait.ge [sflag:s12], $0x1410  }
0x82: {  	[sflag:s12] =	ssyncset.done $0x0  }
0x83: {  	[sflag:s12] =	ssyncadd.s32 $0xFFFFEBF0  }
0x84: {  	s29 =	simm.s32 $0x0;
	[bflag:$0x0] =	sbarrier.arrive $0xFFFF  }
0x85: {  	[tilespmem:s17], [sflag:$0x1] =	stream.indirect.gather [hbm4b:s4+s16], $0x80, s29, s16, $0xb8;
	[tilespmem:$0x1C080] =	vst v63  }
0x86: {  	_ = 	snop  }
0x87: {  	[tilespmem:s19], [sflag:$0x2] =	stream.indirect.gather [hbm4b:s4+s16], $0x80, s18, s16, $0xb8;
	[tilespmem:$0x1C080] =	vst v63  }
0x88: {  	_ =	swait.ge [sflag:s20], $0x3E80  }
0x89: {  	[sflag:s20] =	ssyncset.done $0x0  }
0x8a: {  	s29 =	simm.s32 $0x7800;
	[sflag:s20] =	ssyncadd.s32 $0xFFFFC180  }
0x8b: {  	[spmem:s2] =	stream.indirect.scatter.add.f32 [tilespmem:s17], [sflag:$0x3], $0x80, s29, s16, $0xb8;
	[tilespmem:$0x1C080] =	vst v63  }
0x8c: {  	_ =	swait.ge [sflag:s21], $0x3E80  }
0x8d: {  	[sflag:s21] =	ssyncset.done $0x0  }
0x8e: {  	s29 =	simm.s32 $0x7880;
	[sflag:s21] =	ssyncadd.s32 $0xFFFFC180  }
0x8f: {  	[spmem:s2] =	stream.indirect.scatter.add.f32 [tilespmem:s19], [sflag:$0x4], $0x80, s29, s16, $0xb8;
	[tilespmem:$0x1C080] =	vst v63  }
0x90: {  	_ =	swait.ge [sflag:s22], $0x3E80  }
0x91: {  	[sflag:s22] =	ssyncset.done $0x0  }
0x92: {  	s29 =	simm.s32 $0x100;
	[sflag:s22] =	ssyncadd.s32 $0xFFFFC180  }
0x93: {  	[tilespmem:s17], [sflag:$0x1] =	stream.indirect.gather [hbm4b:s4+s16], $0x80, s29, s16, $0xb8;
	[tilespmem:$0x1C080] =	vst v63  }
0x94: {  	_ =	swait.ge [sflag:s23], $0x3E80  }
0x95: {  	[sflag:s23] =	ssyncset.done $0x0  }
0x96: {  	s30 =	simm.s32 $0x180;
	s29 =	simm.s32 $0x400;
	[sflag:s23] =	ssyncadd.s32 $0xFFFFC180  }
.LBB2_7:
0x97: {  	[tilespmem:s19], [sflag:$0x2] =	stream.indirect.gather [hbm4b:s4+s16], $0x80, s30, s16, $0xb8;
	[tilespmem:$0x1C080] =	vst v63  }
0x98: {  	s30 =	smov.u32 s29  }
0x99: {  	p0 =	sne.s32 s29, $0x9800;
	s29 =	sadd.s32 $0x400, s29;
	_ =	swait.ge [sflag:s20], $0x3E80  }
0x9a: {  	s30 =	sshra.s32 s30, $0x2;
	[sflag:s20] =	ssyncset.done $0x0  }
0x9b: {  	s31 =	sadd.s32 $0x7800, s30;
	[sflag:s20] =	ssyncadd.s32 $0xFFFFC180  }
0x9c: {  	[spmem:s2] =	stream.indirect.scatter.add.f32 [tilespmem:s17], [sflag:$0x3], $0x80, s31, s16, $0xb8;
	[tilespmem:$0x1C080] =	vst v63  }
0x9d: {  	_ =	swait.ge [sflag:s21], $0x3E80  }
0x9e: {  	[sflag:s21] =	ssyncset.done $0x0  }
0x9f: {  	s31 =	sadd.s32 $0x7880, s30;
	[sflag:s21] =	ssyncadd.s32 $0xFFFFC180  }
0xa0: {  	[spmem:s2] =	stream.indirect.scatter.add.f32 [tilespmem:s19], [sflag:$0x4], $0x80, s31, s16, $0xb8;
	[tilespmem:$0x1C080] =	vst v63  }
0xa1: {  	_ =	swait.ge [sflag:s22], $0x3E80  }
0xa2: {  	[sflag:s22] =	ssyncset.done $0x0  }
.Ltmp3:
0xa3: {  	s31 =	sadd.s32 $0x100, s30;
	[sflag:s22] =	ssyncadd.s32 $0xFFFFC180;
	(pc) =	sbr.rel @p0 .LBB2_7-.Ltmp3, $4  }
0xa4: {  	[tilespmem:s17], [sflag:$0x1] =	stream.indirect.gather [hbm4b:s4+s16], $0x80, s31, s16, $0xb8;
	[tilespmem:$0x1C080] =	vst v63  }
0xa5: {  	_ =	swait.ge [sflag:s23], $0x3E80  }
0xa6: {  	[sflag:s23] =	ssyncset.done $0x0  }
0xa7: {  	s30 =	sadd.s32 $0x180, s30;
	[sflag:s23] =	ssyncadd.s32 $0xFFFFC180  }
0xa8: {  	[tilespmem:s19], [sflag:$0x2] =	stream.indirect.gather [hbm4b:s4+s16], $0x80, s30, s16, $0xb8;
	[tilespmem:$0x1C080] =	vst v63  }
0xa9: {  	_ =	swait.ge [sflag:s20], $0x3E80  }
0xaa: {  	[sflag:s20] =	ssyncset.done $0x0  }
0xab: {  	[sflag:s20] =	ssyncadd.s32 $0xFFFFC180  }
0xac: {  	[spmem:s2] =	stream.indirect.scatter.add.f32 [tilespmem:s17], [sflag:$0x3], $0x80, s24, s16, $0xb8;
	[tilespmem:$0x1C080] =	vst v63  }
0xad: {  	_ =	swait.ge [sflag:s21], $0x3E80  }
0xae: {  	[sflag:s21] =	ssyncset.done $0x0  }
0xaf: {  	[sflag:s21] =	ssyncadd.s32 $0xFFFFC180  }
0xb0: {  	[spmem:s2] =	stream.indirect.scatter.add.f32 [tilespmem:s19], [sflag:$0x4], $0x80, s25, s16, $0xb8;
	[tilespmem:$0x1C080] =	vst v63  }
0xb1: {  	_ =	swait.ge [sflag:s22], $0x3E80  }
0xb2: {  	[sflag:s22] =	ssyncset.done $0x0  }
0xb3: {  	[sflag:s22] =	ssyncadd.s32 $0xFFFFC180  }
0xb4: {  	_ =	swait.ge [sflag:s23], $0x3E80  }
0xb5: {  	[sflag:s23] =	ssyncset.done $0x0  }
0xb6: {  	s26 =	sadd.s32 $0x1, s26;
	[sflag:s23] =	ssyncadd.s32 $0xFFFFC180  }
0xb7: {  	p0 =	sne.s32 s26, s11;
	[bflag:$0x0] =	sbarrier.arrive $0xFFFF  }
0xb8: {  	[hbm:s10], [sflag:s14] =	dma.local [spmem:s28], $0x1400  }
.Ltmp4:
0xb9: {  	_ =	swait.ge [sflag:s12], $0x1400;
	(pc) =	sbr.rel @p0 .LBB2_1-.Ltmp4, $3  }
0xba: {  	[sflag:s12] =	ssyncset.done $0x0  }
0xbb: {  	[sflag:s12] =	ssyncadd.s32 $0xFFFFEC00  }
0xbc: {  	[bflag:$0x0] =	sbarrier.arrive $0xFFFF;
	_ =	sdelay $0x1  }
0xbd: {  	_ =	sfence.sel $0x180000  }
0xbe: {  	[bflag:$0x0] =	sbarrier.arrive $0xFFFF  }
0xbf: {  	p0 =	sne.s32 s0, $0x0;
	_ =	strace $0x9000004D  }
0xc0: {  	s0 =	sadd.s32 @!p0 $0x100000, s1;
	[bflag:$0x2] =	sbarrier.arrive $0xFFFF  }
0xc1: {  	[sflag:s0] =	ssyncadd.tile.s32 @!p0 $0x1;
	_ =	shalt  }
.Lfunc_end2:
_tile_overlayer_lowered:
.L_overlay_start_2:
0xc2: {  	(tag) =	ssettag $0x2  }
0xc3: {  	s0 =	rddreg [dreg:$0x0];
	s2 =	stileid.u32  }
0xc4: {  	s1 =	rddreg [dreg:$0x1];
	p0 =	sne.s32 s2, $0x0  }
0xc5: {  	s3 =	rddreg [dreg:$0x2];
	[bflag:$0x3] =	sbarrier.arrive $0xFFFF;
	s2 =	simm.s32 @!p0 $0x1C05  }
0xc6: {  	[timem:s3], [sflag:s2] =	dma.local @!p0 [hbm:s0], s1  }
0xc7: {  	s0 =	simm.s32 @!p0 $0x5  }
0xc8: {  	_ =	swait.ge @!p0 [sflag:s0], s1  }
0xc9: {  	s1 =	ssub.s32 @!p0 $0x0, s1;
	[sflag:s0] =	ssyncset.done @!p0 $0x0  }
0xca: {  	[sflag:s0] =	ssyncadd.s32 @!p0 s1  }
0xcb: {  	[bflag:$0x3] =	sbarrier.arrive $0xFFFF  }
0xcc: {  	_ =	shalt  }

// kernel: kernel.8.cloned.1.call-start
scs
__scs_entry_jumppad:
0x0: {  	(pc) =	sbr.rel $0x88, $3  }
0x1: {  	(tag) =	ssettag $0x0;
	lr =	simm.s32 $0x1  }
0x2: {  	[smem:$0x3F9B] =	sst lr;
	_ =	strace $0xD0000000  }
0x3: {  	_ = 	snop  }
0x4: {  	_ = 	snop  }
0x5: {  	_ = 	snop  }
0x6: {  	_ = 	snop  }
0x7: {  	_ = 	snop  }
__scs_overlays_trampoline_lowered:
0x8: {  	[smem:$0x3FAA] =	sst s0  }
0x9: {  	[smem:$0x3FAB] =	sst s1  }
0xa: {  	[smem:$0x3FAC] =	sst s2  }
0xb: {  	[smem:$0x3FAD] =	sst s3  }
0xc: {  	[smem:$0x3FAE] =	sst s4  }
0xd: {  	[smem:$0x3FAF] =	sst s5  }
0xe: {  	[smem:$0x3FB0] =	sst s6  }
0xf: {  	[smem:$0x3FB1] =	sst s7  }
0x10: {  	[smem:$0x3FB2] =	sst s8  }
0x11: {  	[smem:$0x3FB3] =	sst s9;
	s0 =	simm.s32 @!p0 $0x0  }
0x12: {  	s1 =	sld [smem:$0x3F99];
	s0 =	simm.s32 @p0 $0x1  }
0x13: {  	[smem:$0x3FB4] =	sst s0;
	s0 =	simm.s32 @!p1 $0x0  }
0x14: {  	s2 =	sld [smem:$0x3F98];
	s0 =	simm.s32 @p1 $0x1  }
0x15: {  	[smem:$0x3FB5] =	sst s0;
	s0 =	simm.s32 @!p2 $0x0  }
0x16: {  	s3 =	sld [smem:$0x3FDB];
	s0 =	simm.s32 @p2 $0x1  }
0x17: {  	s4 =	simm.s32 $0x1BF5;
	[smem:$0x3FB7] =	sst s0  }
0x18: {  	s0 =	sld [smem:$0x3F9A];
	_ =	swait.ge [sflag:s4], $0x0  }
0x19: {  	s7 =	sld [smem:$0x3F9B]  }
0x1a: {  	s8 =	sadd.s32 $0xFFFFE003, lr  }
0x1b: {  	s9 =	sadd.s32 $0xFFFFFEF7, lr;
	s5 =	simm.s32 $0xFFFFFFFF;
	p2 =	slt.u32 s8, $0xFFFFF086  }
0x1c: {  	p1 =	slt.u32 s9, $0xF7A;
	s5 =	simm.s32 @!p2 $0x0  }
0x1d: {  	s5 =	simm.s32 @p1 $0x1;
	p0 =	seq.s32 s7, s2  }
0x1e: {  	s7 =	smul.u32 @!p0 $0xF7A, s2;
	p2 =	seq.s32 @!p0 s5, $0x0  }
0x1f: {  	s9 =	smul.u32 $0xF7A, s1;
	s8 =	simm.s32 @!p0 $0x1BF5;
	p2 =	por !p2, p0  }
0x20: {  	[sflag:s8] =	ssyncset.s32 @!p0 $0xFFFFF086;
	s6 =	sadd.s32 @!p0 s3, s7;
	s7 =	simm.s32 @!p0 $0x108  }
0x21: {  	s3 =	sadd.s32 s3, s9;
	s6 =	sadd.s32 @!p0 $0x88, s6;
	s7 =	simm.s32 @p2 $0x1082  }
0x22: {  	[simem:s7], [sflag:s8] =	dma.local @!p0 [hbm:s6], $0xF7A  }
0x23: {  	s9 =	sor.u32 $0xD0000000, s2;
	s6 =	simm.s32 $0x108;
	_ =	swait.ge @!p0 [sflag:s8], $0x0  }
0x24: {  	s3 =	sadd.s32 $0x88, s3;
	s6 =	simm.s32 @!p1 $0x1082;
	[sflag:s4] =	ssyncset.s32 $0xFFFFF086  }
0x25: {  	[simem:s6], [sflag:s4] =	dma.local [hbm:s3], $0xF7A  }
0x26: {  	[smem:$0x3F9B] =	sst s1;
	(tag) =	ssettag s2;
	_ =	strace s9  }
0x27: {  	s1 =	sld [smem:$0x3FAB]  }
0x28: {  	s2 =	sld [smem:$0x3FAC]  }
0x29: {  	s4 =	sld [smem:$0x3FAE]  }
0x2a: {  	p0 =	seq.s32 s5, $0x0;
	s5 =	sld [smem:$0x3FAF]  }
0x2b: {  	s6 =	sld [smem:$0x3FB0]  }
0x2c: {  	s7 =	sld [smem:$0x3FB1]  }
0x2d: {  	s3 =	simm.s32 $0x108;
	s8 =	sld [smem:$0x3FB2]  }
0x2e: {  	s3 =	simm.s32 @!p0 $0x1082;
	s9 =	sld [smem:$0x3FB3]  }
0x2f: {  	lr =	sadd.s32 s0, s3;
	s0 =	sld [smem:$0x3FAA]  }
0x30: {  	s3 =	sld [smem:$0x3FAD]  }
0x31: {  	[smem:$0x3FB6] =	sst s10  }
0x32: {  	s10 =	sld [smem:$0x3FB4];
	_ =	sdelay $0x3  }
0x33: {  	p0 =	seq.s32 s10, $0x1;
	s10 =	sld [smem:$0x3FB6];
	_ =	sdelay $0x3  }
0x34: {  	[smem:$0x3FB6] =	sst s10  }
0x35: {  	s10 =	sld [smem:$0x3FB5];
	_ =	sdelay $0x3  }
0x36: {  	p1 =	seq.s32 s10, $0x1;
	s10 =	sld [smem:$0x3FB6];
	_ =	sdelay $0x3  }
0x37: {  	[smem:$0x3FB6] =	sst s10  }
0x38: {  	s10 =	sld [smem:$0x3FB7]  }
0x39: {  	_ = 	snop;
	(pc) =	sbr.ind lr, $3  }
0x3a: {  	_ = 	snop  }
0x3b: {  	_ = 	snop  }
0x3c: {  	p2 =	seq.s32 s10, $0x1;
	s10 =	sld [smem:$0x3FB6]  }
0x3d: {  	_ =	shalt  }
0x3e: {  	_ =	shalt  }
0x3f: {  	_ =	shalt  }
0x40: {  	_ =	shalt  }
0x41: {  	_ =	shalt  }
0x42: {  	_ =	shalt  }
0x43: {  	_ =	shalt  }
0x44: {  	_ =	shalt  }
0x45: {  	_ =	shalt  }
0x46: {  	_ =	shalt  }
0x47: {  	_ =	shalt  }
0x48: {  	_ =	shalt  }
0x49: {  	_ =	shalt  }
0x4a: {  	_ =	shalt  }
0x4b: {  	_ =	shalt  }
0x4c: {  	_ =	shalt  }
0x4d: {  	_ =	shalt  }
0x4e: {  	_ =	shalt  }
0x4f: {  	_ =	shalt  }
0x50: {  	_ =	shalt  }
0x51: {  	_ =	shalt  }
0x52: {  	_ =	shalt  }
0x53: {  	_ =	shalt  }
0x54: {  	_ =	shalt  }
0x55: {  	_ =	shalt  }
0x56: {  	_ =	shalt  }
0x57: {  	_ =	shalt  }
0x58: {  	_ =	shalt  }
0x59: {  	_ =	shalt  }
0x5a: {  	_ =	shalt  }
0x5b: {  	_ =	shalt  }
0x5c: {  	_ =	shalt  }
0x5d: {  	_ =	shalt  }
0x5e: {  	_ =	shalt  }
0x5f: {  	_ =	shalt  }
0x60: {  	_ =	shalt  }
0x61: {  	_ =	shalt  }
0x62: {  	_ =	shalt  }
0x63: {  	_ =	shalt  }
0x64: {  	_ =	shalt  }
0x65: {  	_ =	shalt  }
0x66: {  	_ =	shalt  }
0x67: {  	_ =	shalt  }
0x68: {  	_ =	shalt  }
0x69: {  	_ =	shalt  }
0x6a: {  	_ =	shalt  }
0x6b: {  	_ =	shalt  }
0x6c: {  	_ =	shalt  }
0x6d: {  	_ =	shalt  }
0x6e: {  	_ =	shalt  }
0x6f: {  	_ =	shalt  }
0x70: {  	_ =	shalt  }
0x71: {  	_ =	shalt  }
0x72: {  	_ =	shalt  }
0x73: {  	_ =	shalt  }
0x74: {  	_ =	shalt  }
0x75: {  	_ =	shalt  }
0x76: {  	_ =	shalt  }
0x77: {  	_ =	shalt  }
0x78: {  	_ =	shalt  }
0x79: {  	_ =	shalt  }
0x7a: {  	_ =	shalt  }
0x7b: {  	_ =	shalt  }
0x7c: {  	_ =	shalt  }
0x7d: {  	_ =	shalt  }
0x7e: {  	_ =	shalt  }
0x7f: {  	_ =	shalt  }
0x80: {  	_ =	shalt  }
0x81: {  	_ =	shalt  }
0x82: {  	_ =	shalt  }
0x83: {  	_ =	shalt  }
0x84: {  	_ =	shalt  }
0x85: {  	_ =	shalt  }
0x86: {  	_ =	shalt  }
0x87: {  	_ =	shalt  }
.Lfunc_end0:
.L_simem_size_0:
called_computation_lowered:
.L_overlay_start_0:
0x88: {  	s2 =	sld [smem:$0x3FD9]  }
0x89: {  	s3 =	sld [smem:$0x3FFE];
	_ =	sdelay $0x1  }
0x8a: {  	s1 =	srdreg.scid  }
0x8b: {  	s0 =	sand.u32 $0x1, s1  }
0x8c: {  	s17 =	sshll.u32 s0, $0xA;
	s2 =	sadd.s32 s3, s2  }
0x8d: {  	s2 =	sadd.s32 s2, s17  }
0x8e: {  	[smem:$0x3FC2] =	sst s2  }
0x8f: {  	_ = 	snop  }
0x90: {  	s2 =	sld [smem:$0x3FD0];
	(tm) =	ssettm $0x1  }
0x91: {  	s18 =	sld [smem:$0x3FFB];
	_ =	sdelay $0x3  }
0x92: {  	_ =	strace s18  }
0x93: {  	s3 =	sld [smem:$0x3FFC];
	_ =	sdelay $0x3  }
0x94: {  	_ =	strace s3  }
0x95: {  	s3 =	sld [smem:$0x3FFD];
	_ =	sdelay $0x3  }
0x96: {  	_ =	strace s3  }
0x97: {  	_ =	strace $0x8FFFFFFF  }
0x98: {  	s19 =	sld [smem:$0x3FDB];
	_ =	sdelay $0x1  }
0x99: {  	s4 =	simm.s32 $_scs_section_size  }
0x9a: {  	s5 =	simm.s32 $_size__tile_overlayer_lowered;
	s6 =	simm.s32 $_tile_overlayer_lowered  }
0x9b: {  	s22 =	simm.s32 $0x1BFF;
	s21 =	sshll.u32 s6, $0x1;
	s3 =	sadd.s32 s4, s19  }
0x9c: {  	s7 =	simm.s32 $0x0;
	s20 =	sshll.u32 s5, $0x1;
	s5 =	sadd.s32 s21, s3  }
0x9d: {  	[timem:s7], [sflag:s22] =	dma.local [hbm:s5], s20  }
0x9e: {  	_ =	swait.ge [sflag:s22], s20  }
0x9f: {  	s4 =	ssub.s32 $0x0, s20;
	[sflag:s22] =	ssyncset.done $0x0  }
0xa0: {  	[sflag:s22] =	ssyncadd.s32 s4;
	_ =	sdelay $0x1  }
0xa1: {  	s23 =	simm.s32 $0x1B8B  }
0xa2: {  	_ =	swait.ge [sflag:s23], $0x1  }
0xa3: {  	[sflag:s23] =	ssyncset.done $0x0  }
0xa4: {  	s25 =	simm.s32 $0x1B8E;
	s24 =	sld [smem:$0x3FFE];
	[sflag:s23] =	ssyncadd.s32 $0xFFFFFFFF  }
0xa5: {  	s26 =	simm.s32 $execute0_lowered;
	[smem:$0x3FD2] =	sst s25  }
0xa6: {  	s5 =	sshll.u32 s26, $0x1;
	_ =	strace $0x80000046;
	[dreg:$0x1] =	wrdreg $0xFFFFFFFF  }
0xa7: {  	s28 =	simm.s32 $_size_execute0_lowered;
	s3 =	sadd.s32 s3, s5;
	[dreg:$0x0] =	wrdreg $0x0  }
0xa8: {  	s5 =	sshll.u32 s28, $0x1;
	[dreg:$0x2] =	wrdreg s3  }
0xa9: {  	[dreg:$0x3] =	wrdreg s5  }
0xaa: {  	[dreg:$0x4] =	wrdreg $0xC0  }
0xab: {  	_ =	task [dreg:s7], $0x5FFFF  }
0xac: {  	[dreg:$0x1] =	wrdreg $0xFFFFFFFF  }
0xad: {  	[dreg:$0x0] =	wrdreg $0x60  }
0xae: {  	[dreg:$0x2] =	wrdreg s2  }
0xaf: {  	[dreg:$0x3] =	wrdreg s24  }
0xb0: {  	[dreg:$0x4] =	wrdreg $0x28800  }
0xb1: {  	[dreg:$0x5] =	wrdreg $0x9  }
0xb2: {  	_ =	task.clear_ibuf [dreg:s7], $0x6FFFF;
	_ =	strace $0x90000046  }
0xb3: {  	s29 =	simm.s32 $0x9;
	_ =	strace $0x80000048  }
0xb4: {  	_ =	swait.ge [sflag:s29], $0x1  }
0xb5: {  	[sflag:s29] =	ssyncadd.s32 $0xFFFFFFFF  }
0xb6: {  	_ =	strace $0x90000048  }
0xb7: {  	_ =	sfence  }
0xb8: {  	s30 =	sld [smem:$0x0];
	_ =	sdelay $0x2  }
0xb9: {  	s31 =	sshll.u32 s1, $0xD;
	s1 =	sshrl.u32 s1, $0x2  }
0xba: {  	s3 =	sand.u32 $0x4000, s31;
	s1 =	sadd.s32 s1, s30  }
0xbb: {  	s0 =	sor.u32 s3, s0;
	s1 =	sshll.u32 s1, $0x11  }
0xbc: {  	s0 =	sor.u32 s1, s0  }
0xbd: {  	s0 =	sadd.s32 $0x8F2B, s0  }
0xbe: {  	[sflag:s0] =	ssyncadd.remote.s32 $0x1  }
0xbf: {  	_ =	sfence.sel $0xFFFF  }
0xc0: {  	[dreg:$0x0] =	wrdreg $0xFFFFFFFF;
	(pc) =	sbr.abs _section_cstart, $3  }
0xc1: {  	[dreg:$0x1] =	wrdreg $0xFFFFFFFF  }
0xc2: {  	_ =	task.clear_ibuf [dreg:s7], $0x2FFFF;
	_ =	strace $0x9FFFFFFF  }
0xc3: {  	(tm) =	ssettm $0x7FFFFFFF  }
tec
execute0_lowered:
.L_overlay_start_1:
0x0: {  	(tag) =	ssettag $0x1  }
0x1: {  	s6 =	rddreg [dreg:$0x0]  }
0x2: {  	s7 =	rddreg [dreg:$0x1]  }
0x3: {  	s2 =	rddreg [dreg:$0x2]  }
0x4: {  	s0 =	rddreg [dreg:$0x3]  }
0x5: {  	s4 =	srdreg.scid;
	s1 =	stileid.u32  }
0x6: {  	s3 =	simm.s32 $0x0;
	s13 =	simm.s32 $0x7D;
	s14 =	simm.s32 $0x20  }
0x7: {  	s15 =	simm.s32 $0x10;
	s16 =	simm.s32 $0x0;
	s26 =	smul.u32 $0x500, s1  }
0x8: {  	s8 =	sand.u32 $0x1, s4;
	[smem:$0x7FF] =	sst s3;
	s11 =	smul.u32 $0x2800, s1  }
0x9: {  	s4 =	sadd.s32 $0x2800, s7;
	s28 =	smul.u32 $0xA00, s1;
	s31 =	sshll.u32 s1, $0x6  }
0xa: {  	s5 =	sshll.u32 s8, $0x7;
	s9 =	smul.u32 $0x28000, s8;
	_ =	strace $0x80000047  }
0xb: {  	s8 =	ssub.s32 $0x2, s8;
	s10 =	sor.u32 s5, s26;
	s5 =	sadd.s32 $0x2A00, s7  }
0xc: {  	s29 =	sshrl.u32 s8, $0x1;
	s30 =	sshrl.u32 s28, $0x2;
	s10 =	sshrl.u32 s10, $0x3  }
0xd: {  	s9 =	sadd.s32 s11, s9;
	s8 =	ssub.s32 s8, s29;
	s12 =	sadd.s32 s30, s2  }
0xe: {  	s11 =	sor.u32 $0x1C01, s31;
	s7 =	sadd.s32 s10, s7;
	s9 =	sshrl.u32 s9, $0x3  }
0xf: {  	s8 =	smax.u32 s8, $0x1;
	s10 =	simm.s32 $0x2800;
	s12 =	sshrl.u32 s12, $0x3  }
0x10: {  	s6 =	sadd.s32 s6, s9;
	s7 =	sadd.s32 $0x2C00, s7;
	s9 =	simm.s32 $0x1  }
.LBB2_1:
0x11: {  	[tilespmem:s3], [sflag:$0x1] =	stream.linear.gather [hbm4b:s6+s3], $0x2800, $0x38;
	[tilespmem:$0x2B00] =	vst v63  }
0x12: {  	_ =	swait.ge [sflag:s9], $0x2800  }
0x13: {  	[sflag:s9] =	ssyncset.done $0x0  }
0x14: {  	[sflag:s9] =	ssyncadd.s32 $0xFFFFD800  }
0x15: {  	[tilespmem:s10], [sflag:$0x1] =	stream.linear.gather [hbm4b:s4+s3], $0x80, $0x38;
	[tilespmem:$0x2B00] =	vst v63  }
0x16: {  	_ =	swait.ge [sflag:s9], $0x80  }
0x17: {  	[sflag:s9] =	ssyncset.done $0x0  }
0x18: {  	[sflag:s9] =	ssyncadd.s32 $0xFFFFFF80  }
0x19: {  	[spmem:s12], [sflag:s11] =	dma.local [hbm:s5], $0x50  }
0x1a: {  	_ =	swait.ge [sflag:s9], $0x50  }
0x1b: {  	[sflag:s9] =	ssyncset.done $0x0  }
0x1c: {  	[sflag:s9] =	ssyncadd.s32 $0xFFFFFFB0  }
0x1d: {  	s17 =	simm.s32 $0x0;
	[bflag:$0x0] =	sbarrier.arrive $0xFFFF  }
0x1e: {  	[spmem:s2] =	stream.indirect.scatter.add.f32 [tilespmem:s10], [sflag:$0x1], $0x1, s17, s13, $0xb8;
	[tilespmem:$0x2B00] =	vst v63  }
0x1f: {  	_ =	swait.ge [sflag:s9], $0x7D  }
0x20: {  	s17 =	simm.s32 $0x200;
	[sflag:s9] =	ssyncset.done $0x0  }
.LBB2_2:
0x21: {  	s18 =	sshra.s32 s17, $0x2;
	[sflag:s9] =	ssyncadd.s32 $0xFFFFFF83;
	p0 =	sne.s32 s17, $0x9E00  }
0x22: {  	[spmem:s2] =	stream.indirect.scatter.add.f32 [tilespmem:s10], [sflag:$0x1], $0x1, s18, s13, $0xb8;
	[tilespmem:$0x2B00] =	vst v63  }
.Ltmp0:
0x23: {  	_ = 	snop;
	(pc) =	sbr.rel @p0 .LBB2_2-.Ltmp0, $4  }
0x24: {  	_ = 	snop  }
0x25: {  	s17 =	sadd.s32 $0x200, s17  }
0x26: {  	_ =	swait.ge [sflag:s9], $0x7D  }
0x27: {  	[sflag:s9] =	ssyncset.done $0x0  }
0x28: {  	s16 =	sadd.s32 $0x1, s16  }
0x29: {  	[sflag:s9] =	ssyncadd.s32 $0xFFFFFF83;
	p0 =	sne.s32 s16, s8  }
.Ltmp1:
0x2a: {  	[bflag:$0x0] =	sbarrier.arrive $0xFFFF;
	(pc) =	sbr.rel @p0 .LBB2_1-.Ltmp1, $4  }
0x2b: {  	[hbm:s7@s14], [sflag:s11] =	dma.strided [spmem:s12@s15], $0x50, s9, $0x10   }
0x2c: {  	_ =	swait.ge [sflag:s9], $0x50  }
0x2d: {  	[sflag:s9] =	ssyncset.done $0x0  }
0x2e: {  	[sflag:s9] =	ssyncadd.s32 $0xFFFFFFB0  }
0x2f: {  	_ =	sfence.sel $0x180000  }
0x30: {  	[bflag:$0x0] =	sbarrier.arrive $0xFFFF  }
0x31: {  	p0 =	sne.s32 s1, $0x0;
	_ =	strace $0x90000047  }
0x32: {  	s0 =	sadd.s32 @!p0 $0x100000, s0;
	[bflag:$0x2] =	sbarrier.arrive $0xFFFF  }
0x33: {  	[sflag:s0] =	ssyncadd.tile.s32 @!p0 $0x1;
	_ =	shalt  }
.Lfunc_end2:
_tile_overlayer_lowered:
.L_overlay_start_2:
0x34: {  	(tag) =	ssettag $0x2  }
0x35: {  	s0 =	rddreg [dreg:$0x0];
	s2 =	stileid.u32  }
0x36: {  	s1 =	rddreg [dreg:$0x1];
	p0 =	sne.s32 s2, $0x0  }
0x37: {  	s3 =	rddreg [dreg:$0x2];
	[bflag:$0x3] =	sbarrier.arrive $0xFFFF;
	s2 =	simm.s32 @!p0 $0x1C01  }
0x38: {  	[timem:s3], [sflag:s2] =	dma.local @!p0 [hbm:s0], s1  }
0x39: {  	s0 =	simm.s32 @!p0 $0x1  }
0x3a: {  	_ =	swait.ge @!p0 [sflag:s0], s1  }
0x3b: {  	s1 =	ssub.s32 @!p0 $0x0, s1;
	[sflag:s0] =	ssyncset.done @!p0 $0x0  }
0x3c: {  	[sflag:s0] =	ssyncadd.s32 @!p0 s1  }
0x3d: {  	[bflag:$0x3] =	sbarrier.arrive $0xFFFF  }
0x3e: {  	_ =	shalt  }

</sc_bundles>
